<compile_context>
chip_gen: v7x
topology: tpu7x:2x2x1
jax: 0.10.2.dev20260603
libtpu: 0.0.44.dev20260713+nightly
codegen_flags: <defaults>
</compile_context>

<pallas_src>
import functools

import jax
import jax.numpy as jnp
from jax import lax
from jax.experimental import pallas as pl
from jax.experimental.pallas import tpu as pltpu
from jax.experimental.pallas import tpu_sc as plsc

N = 16384
K = 4096
NS = 16
R2 = 0.25
D = 64
TW = 128

NC = 2
NSUB = 16
NW = NC * NSUB

_BIGF = 1e9
_INF = float("inf")


_BI = 256
_CJ = 2048


def _rank_body(scol_ref, srow_ref, rank_ref):
    si = scol_ref[...]
    bi = pl.program_id(0)
    cb = bi // (_CJ // _BI)
    i_glob = bi * _BI + lax.broadcasted_iota(jnp.int32, (_BI, 1), 0)

    def step_ge(c, acc):
        sj = srow_ref[pl.ds(c, 1), :]
        return acc + jnp.sum((sj >= si).astype(jnp.int32), axis=1,
                             keepdims=True)

    def step_gt(c, acc):
        sj = srow_ref[pl.ds(c, 1), :]
        return acc + jnp.sum((sj > si).astype(jnp.int32), axis=1,
                             keepdims=True)

    acc = lax.fori_loop(0, cb, step_ge, jnp.zeros((_BI, 1), jnp.int32))
    sj = srow_ref[pl.ds(cb, 1), :]
    j_glob = cb * _CJ + lax.broadcasted_iota(jnp.int32, (1, _CJ), 1)
    cmp = (sj > si) | ((sj == si) & (j_glob < i_glob))
    acc = acc + jnp.sum(cmp.astype(jnp.int32), axis=1, keepdims=True)
    rank_ref[...] = lax.fori_loop(cb + 1, N // _CJ, step_gt, acc)


def _ranks(score):
    scol = score.reshape(N, 1)
    srow = score.reshape(N // _CJ, _CJ)
    rank = pl.pallas_call(
        _rank_body,
        grid=(N // _BI,),
        in_specs=[
            pl.BlockSpec((_BI, 1), lambda b: (b, 0)),
            pl.BlockSpec((N // _CJ, _CJ), lambda b: (0, 0)),
        ],
        out_specs=pl.BlockSpec((_BI, 1), lambda b: (b, 0)),
        out_shape=jax.ShapeDtypeStruct((N, 1), jnp.int32),
    )(scol, srow)
    return rank.reshape(N // 128, 128)


_QROWS = K + 8


def _sc_scatter(rank2d, src):
    mesh = plsc.VectorSubcoreMesh(core_axis_name="c", subcore_axis_name="s")
    chunk = N // NW
    nsub = chunk // 128

    @functools.partial(
        pl.kernel,
        mesh=mesh,
        out_type=jax.ShapeDtypeStruct((_QROWS, TW), jnp.float32),
        scratch_types=[
            pltpu.VMEM((nsub, 128), jnp.int32),
            pltpu.VMEM((nsub, 128), jnp.int32),
            pltpu.VMEM((chunk, TW), jnp.float32),
            pltpu.SemaphoreType.DMA,
        ],
    )
    def k(rank_hbm, src_hbm, out_hbm, rank_v, tgt_v, src_v, sem):
        wid = lax.axis_index("s") * NC + lax.axis_index("c")
        pltpu.sync_copy(rank_hbm.at[pl.ds(wid * nsub, nsub)], rank_v)
        pltpu.sync_copy(src_hbm.at[pl.ds(wid * chunk, chunk)], src_v)
        for r in range(nsub):
            for c in range(8):
                rk = rank_v[r, pl.ds(c * 16, 16)]
                i0 = wid * chunk + r * 128 + c * 16
                iv = i0 + lax.iota(jnp.int32, 16)
                tgt = jnp.where(rk < K, rk, K + (iv & 7))
                tgt_v[r, pl.ds(c * 16, 16)] = tgt
        cps = []
        for r in range(nsub):
            cps.append(pltpu.async_copy(
                src_v.at[pl.ds(r * 128, 128)], out_hbm.at[tgt_v.at[r]], sem))
        for cp in cps:
            cp.wait()

    return k(rank2d, src)


_BR = 256


_NG = 128
_GL = N // _NG
_S = 3


def _radius_body(posP_ref, qT_ref, nbrIT_ref, nbrDT_ref):
    px = posP_ref[:, 0:1]
    py = posP_ref[:, 1:2]
    pz = posP_ref[:, 2:3]
    qx = qT_ref[pl.ds(0, 1), :]
    qy = qT_ref[pl.ds(1, 1), :]
    qz = qT_ref[pl.ds(2, 1), :]
    dx = px - qx
    dy = py - qy
    dz = pz - qz
    d2 = dx * dx + dy * dy + dz * dz
    g3 = d2.reshape(_NG, _GL, _BR)

    aio3 = lax.broadcasted_iota(jnp.int32, (_NG, _GL, _BR), 1).astype(
        jnp.float32)
    vs, ls = [], []
    g3m = g3
    for s in range(_S):
        mcol = jnp.min(g3m, axis=1)
        acol = jnp.min(jnp.where(g3m == mcol[:, None, :], aio3, _BIGF),
                       axis=1)
        vs.append(mcol)
        ls.append(acol)
        if s + 1 < _S:
            g3m = jnp.where(aio3 == acol[:, None, :], _INF, g3m)

    giota = lax.broadcasted_iota(jnp.int32, (_NG, _BR), 0).astype(jnp.float32)
    aio2 = lax.broadcasted_iota(jnp.int32, (_GL, _BR), 0).astype(jnp.float32)
    srow = lax.broadcasted_iota(jnp.int32, (NS, _BR), 0)

    def refill(args):
        h, hl, ghot, needre, mb, ab = args
        tcol = jnp.min(jnp.where(ghot[:, None, :], g3, _INF), axis=0)
        ok = (tcol > mb) | ((tcol == mb) & (aio2 > ab))
        t2 = jnp.where(ok, tcol, _INF)
        hnew = jnp.min(t2, axis=0, keepdims=True)
        anew = jnp.min(jnp.where(t2 == hnew, aio2, _BIGF), axis=0,
                       keepdims=True)
        sel = ghot & needre
        return jnp.where(sel, hnew, h), jnp.where(sel, anew, hl)

    def step(s, carry):
        h, hl, cnt, outD, outJ = carry
        m = jnp.min(h, axis=0, keepdims=True)
        gstar = jnp.min(jnp.where(h == m, giota, _BIGF), axis=0,
                        keepdims=True)
        ghot = giota == gstar
        active = m < _INF
        astar = jnp.min(jnp.where(ghot, hl, _BIGF), axis=0, keepdims=True)
        jstar = gstar * float(_GL) + astar
        outD = jnp.where(srow == s, m, outD)
        outJ = jnp.where(srow == s, jstar, outJ)
        upd = ghot & active
        cnt = cnt + upd.astype(jnp.int32)
        c_at = jnp.max(jnp.where(upd, cnt, 0), axis=0, keepdims=True)
        hv = _INF * jnp.ones((1, _BR), jnp.float32)
        lv = jnp.zeros((1, _BR), jnp.float32)
        for kidx in range(_S - 1, 0, -1):
            vk = jnp.min(jnp.where(ghot, vs[kidx], _INF), axis=0,
                         keepdims=True)
            lk = jnp.min(jnp.where(ghot, ls[kidx], _BIGF), axis=0,
                         keepdims=True)
            hit = c_at == kidx
            hv = jnp.where(hit, vk, hv)
            lv = jnp.where(hit, lk, lv)
        h = jnp.where(upd, hv, h)
        hl = jnp.where(upd, lv, hl)
        needre = active & (c_at >= _S)
        h, hl = lax.cond(jnp.any(needre), refill,
                         lambda args: (args[0], args[1]),
                         (h, hl, ghot, needre, m, astar))
        return h, hl, cnt, outD, outJ

    _, _, _, outD, outJ = lax.fori_loop(
        0, NS, step,
        (vs[0], ls[0], jnp.zeros((_NG, _BR), jnp.int32),
         jnp.zeros((NS, _BR), jnp.float32),
         jnp.zeros((NS, _BR), jnp.float32)))
    nbrIT_ref[...] = outJ.astype(jnp.int32)
    nbrDT_ref[...] = outD


def _radius_topk(posP, qT):
    return pl.pallas_call(
        _radius_body,
        grid=(K // _BR,),
        in_specs=[
            pl.BlockSpec((N, 8), lambda b: (0, 0)),
            pl.BlockSpec((8, _BR), lambda b: (0, b)),
        ],
        out_specs=[
            pl.BlockSpec((NS, _BR), lambda b: (0, b)),
            pl.BlockSpec((NS, _BR), lambda b: (0, b)),
        ],
        out_shape=[
            jax.ShapeDtypeStruct((NS, K), jnp.int32),
            jax.ShapeDtypeStruct((NS, K), jnp.float32),
        ],
    )(posP, qT)


_E = K * NS


def _sc_gather(table, nbr2d):
    mesh = plsc.VectorSubcoreMesh(core_axis_name="c", subcore_axis_name="s")
    rows_per_w = _E // NW
    nchunk = rows_per_w // 128

    @functools.partial(
        pl.kernel,
        mesh=mesh,
        out_type=jax.ShapeDtypeStruct((_E, TW), jnp.float32),
        scratch_types=[
            pltpu.VMEM((nchunk, 128), jnp.int32),
            pltpu.VMEM((128, TW), jnp.float32),
            pltpu.VMEM((128, TW), jnp.float32),
            pltpu.VMEM((128, TW), jnp.float32),
            pltpu.VMEM((128, TW), jnp.float32),
            pltpu.SemaphoreType.DMA,
            pltpu.SemaphoreType.DMA,
            pltpu.SemaphoreType.DMA,
            pltpu.SemaphoreType.DMA,
        ],
    )
    def k(tab_hbm, idx_hbm, out_hbm, idx_v, buf0, buf1, buf2, buf3,
          sem0, sem1, sem2, sem3):
        wid = lax.axis_index("s") * NC + lax.axis_index("c")
        pltpu.sync_copy(idx_hbm.at[pl.ds(wid * nchunk, nchunk)], idx_v)
        bufs = (buf0, buf1, buf2, buf3)
        sems = (sem0, sem1, sem2, sem3)
        cps = [None, None, None, None]
        for c in range(nchunk):
            p = c & 3
            cps[p] = pltpu.async_copy(tab_hbm.at[idx_v.at[c]], bufs[p],
                                      sems[p])
            if c >= 3:
                q = (c - 3) & 3
                cps[q].wait()
                pltpu.sync_copy(
                    bufs[q],
                    out_hbm.at[pl.ds(wid * rows_per_w + (c - 3) * 128, 128)])
        for c in range(nchunk - 3, nchunk):
            q = c & 3
            cps[q].wait()
            pltpu.sync_copy(
                bufs[q],
                out_hbm.at[pl.ds(wid * rows_per_w + c * 128, 128)])

    return k(table, nbr2d)


_B5 = 256


def _mlp_body(g_ref, qb_ref, x_ref, p_ref, nbrI_ref, nbrD_ref, ns_ref,
              w1_ref, b1_ref, w2_ref, b2_ref, w3_ref, b3_ref, out_ref):
    w1 = w1_ref[...]
    b1 = b1_ref[...]
    w2 = w2_ref[...]
    b2 = b2_ref[...]
    w3 = w3_ref[...]
    b3 = b3_ref[...]
    q3 = qb_ref[:, 0:3]
    qpad = jnp.concatenate(
        [jnp.zeros((_B5, D), jnp.float32), q3,
         jnp.zeros((_B5, TW - D - 3), jnp.float32)], axis=1)
    g3 = g_ref[...].reshape(_B5, NS, TW)
    h = (g3 - qpad[:, None, :]).reshape(_B5 * NS, TW)
    h = jnp.maximum(jnp.dot(h, w1, preferred_element_type=jnp.float32) + b1,
                    0.0)
    h = jnp.maximum(jnp.dot(h, w2, preferred_element_type=jnp.float32) + b2,
                    0.0)
    msg = jnp.dot(h, w3, preferred_element_type=jnp.float32) + b3

    xs = x_ref[...]
    p3 = p_ref[:, 0:3]
    hs = jnp.concatenate(
        [xs, p3 - q3, jnp.zeros((_B5, TW - D - 3), jnp.float32)], axis=1)
    hs = jnp.maximum(jnp.dot(hs, w1, preferred_element_type=jnp.float32) + b1,
                     0.0)
    hs = jnp.maximum(jnp.dot(hs, w2, preferred_element_type=jnp.float32) + b2,
                     0.0)
    msg_s = jnp.dot(hs, w3, preferred_element_type=jnp.float32) + b3

    b = pl.program_id(0)
    erow = lax.broadcasted_iota(jnp.int32, (_B5 * NS, 1), 0)
    rglob = b * _B5 + (erow >> 4)
    slot = erow & (NS - 1)
    vb = ((nbrD_ref[...] <= R2) & (nbrI_ref[...] != rglob)
          & (slot < ns_ref[0, 0].astype(jnp.int32)))
    m3 = jnp.where(vb, msg, -_INF).reshape(_B5, NS, 128)
    out_ref[...] = jnp.maximum(jnp.max(m3, axis=1), msg_s)


def _mlp_max(g, qb, x, src16, nbrI2, nbrD2, ns, w1p, b1, w2, b2, w3, b3):
    nb = K // _B5
    return pl.pallas_call(
        _mlp_body,
        grid=(nb,),
        in_specs=[
            pl.BlockSpec((_B5 * NS, TW), lambda b: (b, 0)),
            pl.BlockSpec((_B5, TW), lambda b: (b, 0)),
            pl.BlockSpec((_B5, D), lambda b: (b, 0)),
            pl.BlockSpec((_B5, TW), lambda b: (b, 0)),
            pl.BlockSpec((_B5 * NS, 1), lambda b: (b, 0)),
            pl.BlockSpec((_B5 * NS, 1), lambda b: (b, 0)),
            pl.BlockSpec((1, 1), lambda b: (0, 0)),
            pl.BlockSpec((TW, D), lambda b: (0, 0)),
            pl.BlockSpec((1, D), lambda b: (0, 0)),
            pl.BlockSpec((D, D), lambda b: (0, 0)),
            pl.BlockSpec((1, D), lambda b: (0, 0)),
            pl.BlockSpec((D, 128), lambda b: (0, 0)),
            pl.BlockSpec((1, 128), lambda b: (0, 0)),
        ],
        out_specs=pl.BlockSpec((_B5, 128), lambda b: (b, 0)),
        out_shape=jax.ShapeDtypeStruct((K, 128), jnp.float32),
    )(g, qb, x, src16, nbrI2, nbrD2, ns, w1p, b1, w2, b2, w3, b3)



def kernel(x, score, pos, batch, num_samples, W1, b1, W2, b2, W3, b3):
    score = score.astype(jnp.float32)
    rank2d = _ranks(score)

    ibits = lax.bitcast_convert_type(jnp.arange(N, dtype=jnp.int32),
                                     jnp.float32).reshape(N, 1)
    bbits = lax.bitcast_convert_type(batch.astype(jnp.int32),
                                     jnp.float32).reshape(N, 1)
    src16 = jnp.concatenate(
        [pos, ibits, bbits, jnp.zeros((N, TW - 5), jnp.float32)], axis=1)

    qbuf = _sc_scatter(rank2d, src16)
    qb = qbuf[:K]

    posP = jnp.concatenate([pos, jnp.zeros((N, 5), jnp.float32)], axis=1)
    qT = jnp.concatenate([qbuf[:K, 0:3].T, jnp.zeros((5, K), jnp.float32)],
                         axis=0)
    nbrIT, nbrDT = _radius_topk(posP, qT)
    nbrI = nbrIT.T
    nbrD = nbrDT.T

    table = jnp.concatenate(
        [x, pos, jnp.zeros((N, TW - D - 3), jnp.float32)], axis=1)
    g = _sc_gather(table, nbrI.reshape(_E // 128, 128))

    ns = jnp.asarray(num_samples).astype(jnp.float32).reshape(1, 1)
    w1p = jnp.concatenate([W1, jnp.zeros((TW - (D + 3), D), jnp.float32)],
                          axis=0)
    out = _mlp_max(g, qb, x, src16, nbrI.reshape(_E, 1), nbrD.reshape(_E, 1),
                   ns, w1p, b1.reshape(1, D), W2, b2.reshape(1, D), W3,
                   b3.reshape(1, 128))

    q_out = qbuf[:K, 0:3]
    batch_out = lax.bitcast_convert_type(qbuf[:K, 4], jnp.int32)
    return out, q_out, batch_out

# --- scband reference (transcript-rebuilt; emitter-appended) ---
"""Pipeline reference for scband-top-k-point-net-pp-54700703482022 (READ-ONLY COPY).

The authoritative reference and input builder live on the scoring server;
editing this copy changes nothing except your own understanding.
"""

import jax, jax.numpy as jnp
import numpy as np

RATIO = 0.25
R = 0.5
N = 16384
D = 64

def _mlp(h, W1, b1, W2, b2, W3, b3):
    h = jax.nn.relu(h @ W1 + b1)
    h = jax.nn.relu(h @ W2 + b2)
    return h @ W3 + b3

def setup_inputs(seed: int = 0):
    key = jax.random.key(seed)
    ks = jax.random.split(key, 9)
    x = jax.random.normal(ks[0], (N, D), dtype=jnp.float32)
    score = jax.random.normal(ks[1], (N,), dtype=jnp.float32)
    pos = jax.random.normal(ks[2], (N, 3), dtype=jnp.float32)
    batch = jnp.zeros((N,), dtype=jnp.int32)
    W1 = jax.random.normal(ks[3], (D + 3, 64), dtype=jnp.float32) / np.sqrt(D + 3)
    b1 = jnp.zeros((64,), dtype=jnp.float32)
    W2 = jax.random.normal(ks[4], (64, 64), dtype=jnp.float32) / np.sqrt(64.0)
    b2 = jnp.zeros((64,), dtype=jnp.float32)
    W3 = jax.random.normal(ks[5], (64, 128), dtype=jnp.float32) / np.sqrt(64.0)
    b3 = jnp.zeros((128,), dtype=jnp.float32)
    return {"x": x, "score": score, "pos": pos, "batch": batch, "num_samples": 16,
            "W1": W1, "b1": b1, "W2": W2, "b2": b2, "W3": W3, "b3": b3}

def reference(x, score, pos, batch, num_samples, W1, b1, W2, b2, W3, b3):
    n = x.shape[0]
    k = int(np.ceil(RATIO * n))
    NS = 16
    # topk(score, ratio, batch): single graph (batch all zeros) -> global top-k
    _, idx = jax.lax.top_k(score, k)
    q = pos[idx]
    # radius(pos, pos[idx], r, max_num_neighbors=num_samples); non-differentiable in torch_cluster
    p_sg = jax.lax.stop_gradient(pos)
    q_sg = jax.lax.stop_gradient(q)
    d2 = jnp.sum((q_sg[:, None, :] - p_sg[None, :, :]) ** 2, axis=-1)
    neg = jnp.where(d2 <= R * R, -d2, -jnp.inf)
    vals, nbr = jax.lax.top_k(neg, NS)
    valid = (vals > -jnp.inf) & (jnp.arange(NS)[None, :] < num_samples)
    row = jnp.broadcast_to(jnp.arange(k)[:, None], (k, NS))
    col = nbr
    # PointConv(add_self_loops=True): remove self loops then add (i, i) for i < k
    valid = valid & (col != row)
    src = jnp.concatenate([col.reshape(-1), jnp.arange(k)])
    dst = jnp.concatenate([row.reshape(-1), jnp.arange(k)])
    vmask = jnp.concatenate([valid.reshape(-1), jnp.ones((k,), dtype=bool)])
    # message: local_nn(concat([x_j, pos_j - pos_i])), max aggregation
    h = jnp.concatenate([x[src], pos[src] - q[dst]], axis=-1)
    msg = _mlp(h, W1, b1, W2, b2, W3, b3)
    msg = jnp.where(vmask[:, None], msg, -jnp.inf)
    out = jax.ops.segment_max(msg, dst, num_segments=k)
    out = jnp.where(jnp.isfinite(out), out, 0.0)
    return out, q, batch[idx]

if __name__ == "__main__":
    import jax
    _d = setup_inputs()
    print(jax.jit(kernel)(*tuple(_d.values())))

</pallas_src>

<mosaic_0001>
#map = affine_map<(d0, d1) -> (0, 0)>
module attributes {stable_mosaic.version = 14 : i64} {
  func.func @k(%arg0: i32, %arg1: i32, %arg2: memref<128x128xi32, #tpu.memory_space<hbm>>, %arg3: memref<16384x128xf32, #tpu.memory_space<hbm>>, %arg4: memref<4104x128xf32, #tpu.memory_space<hbm>>, %arg5: memref<4x128xi32, #tpu.memory_space<vmem>>, %arg6: memref<4x128xi32, #tpu.memory_space<vmem>>, %arg7: memref<512x128xf32, #tpu.memory_space<vmem>>, %arg8: memref<!tpu.dma_semaphore, #tpu.memory_space<semaphore_mem>>) attributes {dimension_semantics = [#tpu.dimension_semantics<core_parallel>, #tpu.dimension_semantics<subcore_parallel>], iteration_bounds = array<i64: 2, 16>, scalar_prefetch = 0 : i64, scratch_operands = 4 : i64, tpu.core_type = #tpu.core_type<sc_vector_subcore>, window_params = [{transform_indices = #map}, {transform_indices = #map}, {transform_indices = #map}]} {
    %mul3A = arith.constant 2 : i32
    %mul3A_0 = arith.muli %arg1, %mul3A : i32
    %add3A = arith.addi %mul3A_0, %arg0 : i32
    %mul3A_1 = arith.constant 4 : i32
    %mul3A_2 = arith.muli %add3A, %mul3A_1 : i32
    "tpu.region"() ({
      %run_scoped3A = tpu.sem_alloc : memref<!tpu.dma_semaphore, #tpu.memory_space<semaphore_mem>>
      %dma_start3A_1037 = arith.constant 0 : i32
      %dma_start3A_1038 = tpu.memref_slice %arg2[%mul3A_2, %dma_start3A_1037] : memref<128x128xi32, #tpu.memory_space<hbm>> -> memref<4x128xi32, #tpu.memory_space<hbm>>
      %dma_start3A_1039 = arith.constant 0 : i32
      %dma_start3A_1040 = tpu.memref_slice %arg2[%mul3A_2, %dma_start3A_1039] : memref<128x128xi32, #tpu.memory_space<hbm>> -> memref<4x128xi32, #tpu.memory_space<hbm>>
      tpu.enqueue_dma source(%dma_start3A_1040 : memref<4x128xi32, #tpu.memory_space<hbm>>) target(%arg5 : memref<4x128xi32, #tpu.memory_space<vmem>>) target_semaphore(%run_scoped3A : memref<!tpu.dma_semaphore, #tpu.memory_space<semaphore_mem>>)
      %dma_wait3A_1041 = arith.constant 0 : i32
      %dma_wait3A_1042 = tpu.memref_slice %arg2[%mul3A_2, %dma_wait3A_1041] : memref<128x128xi32, #tpu.memory_space<hbm>> -> memref<4x128xi32, #tpu.memory_space<hbm>>
      %dma_wait3A_1043 = arith.constant 0 : i32
      %dma_wait3A_1044 = tpu.memref_slice %arg2[%mul3A_2, %dma_wait3A_1043] : memref<128x128xi32, #tpu.memory_space<hbm>> -> memref<4x128xi32, #tpu.memory_space<hbm>>
      tpu.wait_dma2 semaphore(%run_scoped3A : memref<!tpu.dma_semaphore, #tpu.memory_space<semaphore_mem>>) src(%dma_wait3A_1044 : memref<4x128xi32, #tpu.memory_space<hbm>>) dst(%arg5 : memref<4x128xi32, #tpu.memory_space<vmem>>)
      tpu.yield
    }) : () -> ()
    %mul3A_3 = arith.constant 512 : i32
    %mul3A_4 = arith.muli %add3A, %mul3A_3 : i32
    "tpu.region"() ({
      %run_scoped3A = tpu.sem_alloc : memref<!tpu.dma_semaphore, #tpu.memory_space<semaphore_mem>>
      %dma_start3A_1037 = arith.constant 0 : i32
      %dma_start3A_1038 = tpu.memref_slice %arg3[%mul3A_4, %dma_start3A_1037] : memref<16384x128xf32, #tpu.memory_space<hbm>> -> memref<512x128xf32, #tpu.memory_space<hbm>>
      %dma_start3A_1039 = arith.constant 0 : i32
      %dma_start3A_1040 = tpu.memref_slice %arg3[%mul3A_4, %dma_start3A_1039] : memref<16384x128xf32, #tpu.memory_space<hbm>> -> memref<512x128xf32, #tpu.memory_space<hbm>>
      tpu.enqueue_dma source(%dma_start3A_1040 : memref<512x128xf32, #tpu.memory_space<hbm>>) target(%arg7 : memref<512x128xf32, #tpu.memory_space<vmem>>) target_semaphore(%run_scoped3A : memref<!tpu.dma_semaphore, #tpu.memory_space<semaphore_mem>>)
      %dma_wait3A_1041 = arith.constant 0 : i32
      %dma_wait3A_1042 = tpu.memref_slice %arg3[%mul3A_4, %dma_wait3A_1041] : memref<16384x128xf32, #tpu.memory_space<hbm>> -> memref<512x128xf32, #tpu.memory_space<hbm>>
      %dma_wait3A_1043 = arith.constant 0 : i32
      %dma_wait3A_1044 = tpu.memref_slice %arg3[%mul3A_4, %dma_wait3A_1043] : memref<16384x128xf32, #tpu.memory_space<hbm>> -> memref<512x128xf32, #tpu.memory_space<hbm>>
      tpu.wait_dma2 semaphore(%run_scoped3A : memref<!tpu.dma_semaphore, #tpu.memory_space<semaphore_mem>>) src(%dma_wait3A_1044 : memref<512x128xf32, #tpu.memory_space<hbm>>) dst(%arg7 : memref<512x128xf32, #tpu.memory_space<vmem>>)
      tpu.yield
    }) : () -> ()
    %get3A = arith.constant 0 : i32
    %get3A_5 = arith.index_cast %get3A : i32 to index
    %get3A_6 = arith.constant 0 : index
    %get3A_7 = tpu.vector_load %arg5[%get3A_5, %get3A_6] {strides = array<i32>} : memref<4x128xi32, #tpu.memory_space<vmem>>, vector<1x16xi32>,
    %get3A_8 = vector.shape_cast %get3A_7 : vector<1x16xi32> to vector<16xi32>
    %mul3A_9 = arith.constant 512 : i32
    %mul3A_10 = arith.muli %add3A, %mul3A_9 : i32
    %add3A_11 = arith.constant 0 : i32
    %add3A_12 = arith.addi %mul3A_10, %add3A_11 : i32
    %add3A_13 = arith.constant 0 : i32
    %add3A_14 = arith.addi %add3A_12, %add3A_13 : i32
    %iota3A = tpu.iota {dimensions = array<i32: 0>} : vector<16xi32>
    %add3A_15 = vector.broadcast %add3A_14 : i32 to vector<16xi32>
    %add3A_16 = arith.addi %add3A_15, %iota3A : vector<16xi32>
    %lt3A = arith.constant 4096 : i32
    %lt3A_17 = vector.broadcast %lt3A : i32 to vector<16xi32>
    %lt3A_18 = arith.cmpi slt, %get3A_8, %lt3A_17 : vector<16xi32>
    %and3A = arith.constant 7 : i32
    %and3A_19 = vector.broadcast %and3A : i32 to vector<16xi32>
    %and3A_20 = arith.andi %add3A_16, %and3A_19 : vector<16xi32>
    %add3A_21 = arith.constant 4096 : i32
    %add3A_22 = vector.broadcast %add3A_21 : i32 to vector<16xi32>
    %add3A_23 = arith.addi %add3A_22, %and3A_20 : vector<16xi32>
    %select_n3A = arith.select %lt3A_18, %get3A_8, %add3A_23 : vector<16xi1>, vector<16xi32>
    %swap3A = arith.constant 0 : i32
    %swap3A_24 = arith.index_cast %swap3A : i32 to index
    %swap3A_25 = arith.constant 0 : index
    %swap3A_26 = tpu.vector_load %arg6[%swap3A_24, %swap3A_25] {strides = array<i32>} : memref<4x128xi32, #tpu.memory_space<vmem>>, vector<1x16xi32>,
    %swap3A_27 = vector.shape_cast %swap3A_26 : vector<1x16xi32> to vector<16xi32>
    %swap3A_28 = vector.shape_cast %select_n3A : vector<16xi32> to vector<1x16xi32>
    tpu.vector_store %arg6[%swap3A_24, %swap3A_25], %swap3A_28 {strides = array<i32>} : memref<4x128xi32, #tpu.memory_space<vmem>>, vector<1x16xi32>,
    %get3A_29 = arith.constant 0 : i32
    %get3A_30 = arith.index_cast %get3A_29 : i32 to index
    %get3A_31 = arith.constant 16 : index
    %get3A_32 = tpu.vector_load %arg5[%get3A_30, %get3A_31] {strides = array<i32>} : memref<4x128xi32, #tpu.memory_space<vmem>>, vector<1x16xi32>,
    %get3A_33 = vector.shape_cast %get3A_32 : vector<1x16xi32> to vector<16xi32>
    %mul3A_34 = arith.constant 512 : i32
    %mul3A_35 = arith.muli %add3A, %mul3A_34 : i32
    %add3A_36 = arith.constant 0 : i32
    %add3A_37 = arith.addi %mul3A_35, %add3A_36 : i32
    %add3A_38 = arith.constant 16 : i32
    %add3A_39 = arith.addi %add3A_37, %add3A_38 : i32
    %iota3A_40 = tpu.iota {dimensions = array<i32: 0>} : vector<16xi32>
    %add3A_41 = vector.broadcast %add3A_39 : i32 to vector<16xi32>
    %add3A_42 = arith.addi %add3A_41, %iota3A_40 : vector<16xi32>
    %lt3A_43 = arith.constant 4096 : i32
    %lt3A_44 = vector.broadcast %lt3A_43 : i32 to vector<16xi32>
    %lt3A_45 = arith.cmpi slt, %get3A_33, %lt3A_44 : vector<16xi32>
    %and3A_46 = arith.constant 7 : i32
    %and3A_47 = vector.broadcast %and3A_46 : i32 to vector<16xi32>
    %and3A_48 = arith.andi %add3A_42, %and3A_47 : vector<16xi32>
    %add3A_49 = arith.constant 4096 : i32
    %add3A_50 = vector.broadcast %add3A_49 : i32 to vector<16xi32>
    %add3A_51 = arith.addi %add3A_50, %and3A_48 : vector<16xi32>
    %select_n3A_52 = arith.select %lt3A_45, %get3A_33, %add3A_51 : vector<16xi1>, vector<16xi32>
    %swap3A_53 = arith.constant 0 : i32
    %swap3A_54 = arith.index_cast %swap3A_53 : i32 to index
    %swap3A_55 = arith.constant 16 : index
    %swap3A_56 = tpu.vector_load %arg6[%swap3A_54, %swap3A_55] {strides = array<i32>} : memref<4x128xi32, #tpu.memory_space<vmem>>, vector<1x16xi32>,
    %swap3A_57 = vector.shape_cast %swap3A_56 : vector<1x16xi32> to vector<16xi32>
    %swap3A_58 = vector.shape_cast %select_n3A_52 : vector<16xi32> to vector<1x16xi32>
    tpu.vector_store %arg6[%swap3A_54, %swap3A_55], %swap3A_58 {strides = array<i32>} : memref<4x128xi32, #tpu.memory_space<vmem>>, vector<1x16xi32>,
    %get3A_59 = arith.constant 0 : i32
    %get3A_60 = arith.index_cast %get3A_59 : i32 to index
    %get3A_61 = arith.constant 32 : index
    %get3A_62 = tpu.vector_load %arg5[%get3A_60, %get3A_61] {strides = array<i32>} : memref<4x128xi32, #tpu.memory_space<vmem>>, vector<1x16xi32>,
    %get3A_63 = vector.shape_cast %get3A_62 : vector<1x16xi32> to vector<16xi32>
    %mul3A_64 = arith.constant 512 : i32
    %mul3A_65 = arith.muli %add3A, %mul3A_64 : i32
    %add3A_66 = arith.constant 0 : i32
    %add3A_67 = arith.addi %mul3A_65, %add3A_66 : i32
    %add3A_68 = arith.constant 32 : i32
    %add3A_69 = arith.addi %add3A_67, %add3A_68 : i32
    %iota3A_70 = tpu.iota {dimensions = array<i32: 0>} : vector<16xi32>
    %add3A_71 = vector.broadcast %add3A_69 : i32 to vector<16xi32>
    %add3A_72 = arith.addi %add3A_71, %iota3A_70 : vector<16xi32>
    %lt3A_73 = arith.constant 4096 : i32
    %lt3A_74 = vector.broadcast %lt3A_73 : i32 to vector<16xi32>
    %lt3A_75 = arith.cmpi slt, %get3A_63, %lt3A_74 : vector<16xi32>
    %and3A_76 = arith.constant 7 : i32
    %and3A_77 = vector.broadcast %and3A_76 : i32 to vector<16xi32>
    %and3A_78 = arith.andi %add3A_72, %and3A_77 : vector<16xi32>
    %add3A_79 = arith.constant 4096 : i32
    %add3A_80 = vector.broadcast %add3A_79 : i32 to vector<16xi32>
    %add3A_81 = arith.addi %add3A_80, %and3A_78 : vector<16xi32>
    %select_n3A_82 = arith.select %lt3A_75, %get3A_63, %add3A_81 : vector<16xi1>, vector<16xi32>
    %swap3A_83 = arith.constant 0 : i32
    %swap3A_84 = arith.index_cast %swap3A_83 : i32 to index
    %swap3A_85 = arith.constant 32 : index
    %swap3A_86 = tpu.vector_load %arg6[%swap3A_84, %swap3A_85] {strides = array<i32>} : memref<4x128xi32, #tpu.memory_space<vmem>>, vector<1x16xi32>,
    %swap3A_87 = vector.shape_cast %swap3A_86 : vector<1x16xi32> to vector<16xi32>
    %swap3A_88 = vector.shape_cast %select_n3A_82 : vector<16xi32> to vector<1x16xi32>
    tpu.vector_store %arg6[%swap3A_84, %swap3A_85], %swap3A_88 {strides = array<i32>} : memref<4x128xi32, #tpu.memory_space<vmem>>, vector<1x16xi32>,
    %get3A_89 = arith.constant 0 : i32
    %get3A_90 = arith.index_cast %get3A_89 : i32 to index
    %get3A_91 = arith.constant 48 : index
    %get3A_92 = tpu.vector_load %arg5[%get3A_90, %get3A_91] {strides = array<i32>} : memref<4x128xi32, #tpu.memory_space<vmem>>, vector<1x16xi32>,
    %get3A_93 = vector.shape_cast %get3A_92 : vector<1x16xi32> to vector<16xi32>
    %mul3A_94 = arith.constant 512 : i32
    %mul3A_95 = arith.muli %add3A, %mul3A_94 : i32
    %add3A_96 = arith.constant 0 : i32
    %add3A_97 = arith.addi %mul3A_95, %add3A_96 : i32
    %add3A_98 = arith.constant 48 : i32
    %add3A_99 = arith.addi %add3A_97, %add3A_98 : i32
    %iota3A_100 = tpu.iota {dimensions = array<i32: 0>} : vector<16xi32>
    %add3A_101 = vector.broadcast %add3A_99 : i32 to vector<16xi32>
    %add3A_102 = arith.addi %add3A_101, %iota3A_100 : vector<16xi32>
    %lt3A_103 = arith.constant 4096 : i32
    %lt3A_104 = vector.broadcast %lt3A_103 : i32 to vector<16xi32>
    %lt3A_105 = arith.cmpi slt, %get3A_93, %lt3A_104 : vector<16xi32>
    %and3A_106 = arith.constant 7 : i32
    %and3A_107 = vector.broadcast %and3A_106 : i32 to vector<16xi32>
    %and3A_108 = arith.andi %add3A_102, %and3A_107 : vector<16xi32>
    %add3A_109 = arith.constant 4096 : i32
    %add3A_110 = vector.broadcast %add3A_109 : i32 to vector<16xi32>
    %add3A_111 = arith.addi %add3A_110, %and3A_108 : vector<16xi32>
    %select_n3A_112 = arith.select %lt3A_105, %get3A_93, %add3A_111 : vector<16xi1>, vector<16xi32>
    %swap3A_113 = arith.constant 0 : i32
    %swap3A_114 = arith.index_cast %swap3A_113 : i32 to index
    %swap3A_115 = arith.constant 48 : index
    %swap3A_116 = tpu.vector_load %arg6[%swap3A_114, %swap3A_115] {strides = array<i32>} : memref<4x128xi32, #tpu.memory_space<vmem>>, vector<1x16xi32>,
    %swap3A_117 = vector.shape_cast %swap3A_116 : vector<1x16xi32> to vector<16xi32>
    %swap3A_118 = vector.shape_cast %select_n3A_112 : vector<16xi32> to vector<1x16xi32>
    tpu.vector_store %arg6[%swap3A_114, %swap3A_115], %swap3A_118 {strides = array<i32>} : memref<4x128xi32, #tpu.memory_space<vmem>>, vector<1x16xi32>,
    %get3A_119 = arith.constant 0 : i32
    %get3A_120 = arith.index_cast %get3A_119 : i32 to index
    %get3A_121 = arith.constant 64 : index
    %get3A_122 = tpu.vector_load %arg5[%get3A_120, %get3A_121] {strides = array<i32>} : memref<4x128xi32, #tpu.memory_space<vmem>>, vector<1x16xi32>,
    %get3A_123 = vector.shape_cast %get3A_122 : vector<1x16xi32> to vector<16xi32>
    %mul3A_124 = arith.constant 512 : i32
    %mul3A_125 = arith.muli %add3A, %mul3A_124 : i32
    %add3A_126 = arith.constant 0 : i32
    %add3A_127 = arith.addi %mul3A_125, %add3A_126 : i32
    %add3A_128 = arith.constant 64 : i32
    %add3A_129 = arith.addi %add3A_127, %add3A_128 : i32
    %iota3A_130 = tpu.iota {dimensions = array<i32: 0>} : vector<16xi32>
    %add3A_131 = vector.broadcast %add3A_129 : i32 to vector<16xi32>
    %add3A_132 = arith.addi %add3A_131, %iota3A_130 : vector<16xi32>
    %lt3A_133 = arith.constant 4096 : i32
    %lt3A_134 = vector.broadcast %lt3A_133 : i32 to vector<16xi32>
    %lt3A_135 = arith.cmpi slt, %get3A_123, %lt3A_134 : vector<16xi32>
    %and3A_136 = arith.constant 7 : i32
    %and3A_137 = vector.broadcast %and3A_136 : i32 to vector<16xi32>
    %and3A_138 = arith.andi %add3A_132, %and3A_137 : vector<16xi32>
    %add3A_139 = arith.constant 4096 : i32
    %add3A_140 = vector.broadcast %add3A_139 : i32 to vector<16xi32>
    %add3A_141 = arith.addi %add3A_140, %and3A_138 : vector<16xi32>
    %select_n3A_142 = arith.select %lt3A_135, %get3A_123, %add3A_141 : vector<16xi1>, vector<16xi32>
    %swap3A_143 = arith.constant 0 : i32
    %swap3A_144 = arith.index_cast %swap3A_143 : i32 to index
    %swap3A_145 = arith.constant 64 : index
    %swap3A_146 = tpu.vector_load %arg6[%swap3A_144, %swap3A_145] {strides = array<i32>} : memref<4x128xi32, #tpu.memory_space<vmem>>, vector<1x16xi32>,
    %swap3A_147 = vector.shape_cast %swap3A_146 : vector<1x16xi32> to vector<16xi32>
    %swap3A_148 = vector.shape_cast %select_n3A_142 : vector<16xi32> to vector<1x16xi32>
    tpu.vector_store %arg6[%swap3A_144, %swap3A_145], %swap3A_148 {strides = array<i32>} : memref<4x128xi32, #tpu.memory_space<vmem>>, vector<1x16xi32>,
    %get3A_149 = arith.constant 0 : i32
    %get3A_150 = arith.index_cast %get3A_149 : i32 to index
    %get3A_151 = arith.constant 80 : index
    %get3A_152 = tpu.vector_load %arg5[%get3A_150, %get3A_151] {strides = array<i32>} : memref<4x128xi32, #tpu.memory_space<vmem>>, vector<1x16xi32>,
    %get3A_153 = vector.shape_cast %get3A_152 : vector<1x16xi32> to vector<16xi32>
    %mul3A_154 = arith.constant 512 : i32
    %mul3A_155 = arith.muli %add3A, %mul3A_154 : i32
    %add3A_156 = arith.constant 0 : i32
    %add3A_157 = arith.addi %mul3A_155, %add3A_156 : i32
    %add3A_158 = arith.constant 80 : i32
    %add3A_159 = arith.addi %add3A_157, %add3A_158 : i32
    %iota3A_160 = tpu.iota {dimensions = array<i32: 0>} : vector<16xi32>
    %add3A_161 = vector.broadcast %add3A_159 : i32 to vector<16xi32>
    %add3A_162 = arith.addi %add3A_161, %iota3A_160 : vector<16xi32>
    %lt3A_163 = arith.constant 4096 : i32
    %lt3A_164 = vector.broadcast %lt3A_163 : i32 to vector<16xi32>
    %lt3A_165 = arith.cmpi slt, %get3A_153, %lt3A_164 : vector<16xi32>
    %and3A_166 = arith.constant 7 : i32
    %and3A_167 = vector.broadcast %and3A_166 : i32 to vector<16xi32>
    %and3A_168 = arith.andi %add3A_162, %and3A_167 : vector<16xi32>
    %add3A_169 = arith.constant 4096 : i32
    %add3A_170 = vector.broadcast %add3A_169 : i32 to vector<16xi32>
    %add3A_171 = arith.addi %add3A_170, %and3A_168 : vector<16xi32>
    %select_n3A_172 = arith.select %lt3A_165, %get3A_153, %add3A_171 : vector<16xi1>, vector<16xi32>
    %swap3A_173 = arith.constant 0 : i32
    %swap3A_174 = arith.index_cast %swap3A_173 : i32 to index
    %swap3A_175 = arith.constant 80 : index
    %swap3A_176 = tpu.vector_load %arg6[%swap3A_174, %swap3A_175] {strides = array<i32>} : memref<4x128xi32, #tpu.memory_space<vmem>>, vector<1x16xi32>,
    %swap3A_177 = vector.shape_cast %swap3A_176 : vector<1x16xi32> to vector<16xi32>
    %swap3A_178 = vector.shape_cast %select_n3A_172 : vector<16xi32> to vector<1x16xi32>
    tpu.vector_store %arg6[%swap3A_174, %swap3A_175], %swap3A_178 {strides = array<i32>} : memref<4x128xi32, #tpu.memory_space<vmem>>, vector<1x16xi32>,
    %get3A_179 = arith.constant 0 : i32
    %get3A_180 = arith.index_cast %get3A_179 : i32 to index
    %get3A_181 = arith.constant 96 : index
    %get3A_182 = tpu.vector_load %arg5[%get3A_180, %get3A_181] {strides = array<i32>} : memref<4x128xi32, #tpu.memory_space<vmem>>, vector<1x16xi32>,
    %get3A_183 = vector.shape_cast %get3A_182 : vector<1x16xi32> to vector<16xi32>
    %mul3A_184 = arith.constant 512 : i32
    %mul3A_185 = arith.muli %add3A, %mul3A_184 : i32
    %add3A_186 = arith.constant 0 : i32
    %add3A_187 = arith.addi %mul3A_185, %add3A_186 : i32
    %add3A_188 = arith.constant 96 : i32
    %add3A_189 = arith.addi %add3A_187, %add3A_188 : i32
    %iota3A_190 = tpu.iota {dimensions = array<i32: 0>} : vector<16xi32>
    %add3A_191 = vector.broadcast %add3A_189 : i32 to vector<16xi32>
    %add3A_192 = arith.addi %add3A_191, %iota3A_190 : vector<16xi32>
    %lt3A_193 = arith.constant 4096 : i32
    %lt3A_194 = vector.broadcast %lt3A_193 : i32 to vector<16xi32>
    %lt3A_195 = arith.cmpi slt, %get3A_183, %lt3A_194 : vector<16xi32>
    %and3A_196 = arith.constant 7 : i32
    %and3A_197 = vector.broadcast %and3A_196 : i32 to vector<16xi32>
    %and3A_198 = arith.andi %add3A_192, %and3A_197 : vector<16xi32>
    %add3A_199 = arith.constant 4096 : i32
    %add3A_200 = vector.broadcast %add3A_199 : i32 to vector<16xi32>
    %add3A_201 = arith.addi %add3A_200, %and3A_198 : vector<16xi32>
    %select_n3A_202 = arith.select %lt3A_195, %get3A_183, %add3A_201 : vector<16xi1>, vector<16xi32>
    %swap3A_203 = arith.constant 0 : i32
    %swap3A_204 = arith.index_cast %swap3A_203 : i32 to index
    %swap3A_205 = arith.constant 96 : index
    %swap3A_206 = tpu.vector_load %arg6[%swap3A_204, %swap3A_205] {strides = array<i32>} : memref<4x128xi32, #tpu.memory_space<vmem>>, vector<1x16xi32>,
    %swap3A_207 = vector.shape_cast %swap3A_206 : vector<1x16xi32> to vector<16xi32>
    %swap3A_208 = vector.shape_cast %select_n3A_202 : vector<16xi32> to vector<1x16xi32>
    tpu.vector_store %arg6[%swap3A_204, %swap3A_205], %swap3A_208 {strides = array<i32>} : memref<4x128xi32, #tpu.memory_space<vmem>>, vector<1x16xi32>,
    %get3A_209 = arith.constant 0 : i32
    %get3A_210 = arith.index_cast %get3A_209 : i32 to index
    %get3A_211 = arith.constant 112 : index
    %get3A_212 = tpu.vector_load %arg5[%get3A_210, %get3A_211] {strides = array<i32>} : memref<4x128xi32, #tpu.memory_space<vmem>>, vector<1x16xi32>,
    %get3A_213 = vector.shape_cast %get3A_212 : vector<1x16xi32> to vector<16xi32>
    %mul3A_214 = arith.constant 512 : i32
    %mul3A_215 = arith.muli %add3A, %mul3A_214 : i32
    %add3A_216 = arith.constant 0 : i32
    %add3A_217 = arith.addi %mul3A_215, %add3A_216 : i32
    %add3A_218 = arith.constant 112 : i32
    %add3A_219 = arith.addi %add3A_217, %add3A_218 : i32
    %iota3A_220 = tpu.iota {dimensions = array<i32: 0>} : vector<16xi32>
    %add3A_221 = vector.broadcast %add3A_219 : i32 to vector<16xi32>
    %add3A_222 = arith.addi %add3A_221, %iota3A_220 : vector<16xi32>
    %lt3A_223 = arith.constant 4096 : i32
    %lt3A_224 = vector.broadcast %lt3A_223 : i32 to vector<16xi32>
    %lt3A_225 = arith.cmpi slt, %get3A_213, %lt3A_224 : vector<16xi32>
    %and3A_226 = arith.constant 7 : i32
    %and3A_227 = vector.broadcast %and3A_226 : i32 to vector<16xi32>
    %and3A_228 = arith.andi %add3A_222, %and3A_227 : vector<16xi32>
    %add3A_229 = arith.constant 4096 : i32
    %add3A_230 = vector.broadcast %add3A_229 : i32 to vector<16xi32>
    %add3A_231 = arith.addi %add3A_230, %and3A_228 : vector<16xi32>
    %select_n3A_232 = arith.select %lt3A_225, %get3A_213, %add3A_231 : vector<16xi1>, vector<16xi32>
    %swap3A_233 = arith.constant 0 : i32
    %swap3A_234 = arith.index_cast %swap3A_233 : i32 to index
    %swap3A_235 = arith.constant 112 : index
    %swap3A_236 = tpu.vector_load %arg6[%swap3A_234, %swap3A_235] {strides = array<i32>} : memref<4x128xi32, #tpu.memory_space<vmem>>, vector<1x16xi32>,
    %swap3A_237 = vector.shape_cast %swap3A_236 : vector<1x16xi32> to vector<16xi32>
    %swap3A_238 = vector.shape_cast %select_n3A_232 : vector<16xi32> to vector<1x16xi32>
    tpu.vector_store %arg6[%swap3A_234, %swap3A_235], %swap3A_238 {strides = array<i32>} : memref<4x128xi32, #tpu.memory_space<vmem>>, vector<1x16xi32>,
    %get3A_239 = arith.constant 1 : i32
    %get3A_240 = arith.index_cast %get3A_239 : i32 to index
    %get3A_241 = arith.constant 0 : index
    %get3A_242 = tpu.vector_load %arg5[%get3A_240, %get3A_241] {strides = array<i32>} : memref<4x128xi32, #tpu.memory_space<vmem>>, vector<1x16xi32>,
    %get3A_243 = vector.shape_cast %get3A_242 : vector<1x16xi32> to vector<16xi32>
    %mul3A_244 = arith.constant 512 : i32
    %mul3A_245 = arith.muli %add3A, %mul3A_244 : i32
    %add3A_246 = arith.constant 128 : i32
    %add3A_247 = arith.addi %mul3A_245, %add3A_246 : i32
    %add3A_248 = arith.constant 0 : i32
    %add3A_249 = arith.addi %add3A_247, %add3A_248 : i32
    %iota3A_250 = tpu.iota {dimensions = array<i32: 0>} : vector<16xi32>
    %add3A_251 = vector.broadcast %add3A_249 : i32 to vector<16xi32>
    %add3A_252 = arith.addi %add3A_251, %iota3A_250 : vector<16xi32>
    %lt3A_253 = arith.constant 4096 : i32
    %lt3A_254 = vector.broadcast %lt3A_253 : i32 to vector<16xi32>
    %lt3A_255 = arith.cmpi slt, %get3A_243, %lt3A_254 : vector<16xi32>
    %and3A_256 = arith.constant 7 : i32
    %and3A_257 = vector.broadcast %and3A_256 : i32 to vector<16xi32>
    %and3A_258 = arith.andi %add3A_252, %and3A_257 : vector<16xi32>
    %add3A_259 = arith.constant 4096 : i32
    %add3A_260 = vector.broadcast %add3A_259 : i32 to vector<16xi32>
    %add3A_261 = arith.addi %add3A_260, %and3A_258 : vector<16xi32>
    %select_n3A_262 = arith.select %lt3A_255, %get3A_243, %add3A_261 : vector<16xi1>, vector<16xi32>
    %swap3A_263 = arith.constant 1 : i32
    %swap3A_264 = arith.index_cast %swap3A_263 : i32 to index
    %swap3A_265 = arith.constant 0 : index
    %swap3A_266 = tpu.vector_load %arg6[%swap3A_264, %swap3A_265] {strides = array<i32>} : memref<4x128xi32, #tpu.memory_space<vmem>>, vector<1x16xi32>,
    %swap3A_267 = vector.shape_cast %swap3A_266 : vector<1x16xi32> to vector<16xi32>
    %swap3A_268 = vector.shape_cast %select_n3A_262 : vector<16xi32> to vector<1x16xi32>
    tpu.vector_store %arg6[%swap3A_264, %swap3A_265], %swap3A_268 {strides = array<i32>} : memref<4x128xi32, #tpu.memory_space<vmem>>, vector<1x16xi32>,
    %get3A_269 = arith.constant 1 : i32
    %get3A_270 = arith.index_cast %get3A_269 : i32 to index
    %get3A_271 = arith.constant 16 : index
    %get3A_272 = tpu.vector_load %arg5[%get3A_270, %get3A_271] {strides = array<i32>} : memref<4x128xi32, #tpu.memory_space<vmem>>, vector<1x16xi32>,
    %get3A_273 = vector.shape_cast %get3A_272 : vector<1x16xi32> to vector<16xi32>
    %mul3A_274 = arith.constant 512 : i32
    %mul3A_275 = arith.muli %add3A, %mul3A_274 : i32
    %add3A_276 = arith.constant 128 : i32
    %add3A_277 = arith.addi %mul3A_275, %add3A_276 : i32
    %add3A_278 = arith.constant 16 : i32
    %add3A_279 = arith.addi %add3A_277, %add3A_278 : i32
    %iota3A_280 = tpu.iota {dimensions = array<i32: 0>} : vector<16xi32>
    %add3A_281 = vector.broadcast %add3A_279 : i32 to vector<16xi32>
    %add3A_282 = arith.addi %add3A_281, %iota3A_280 : vector<16xi32>
    %lt3A_283 = arith.constant 4096 : i32
    %lt3A_284 = vector.broadcast %lt3A_283 : i32 to vector<16xi32>
    %lt3A_285 = arith.cmpi slt, %get3A_273, %lt3A_284 : vector<16xi32>
    %and3A_286 = arith.constant 7 : i32
    %and3A_287 = vector.broadcast %and3A_286 : i32 to vector<16xi32>
    %and3A_288 = arith.andi %add3A_282, %and3A_287 : vector<16xi32>
    %add3A_289 = arith.constant 4096 : i32
    %add3A_290 = vector.broadcast %add3A_289 : i32 to vector<16xi32>
    %add3A_291 = arith.addi %add3A_290, %and3A_288 : vector<16xi32>
    %select_n3A_292 = arith.select %lt3A_285, %get3A_273, %add3A_291 : vector<16xi1>, vector<16xi32>
    %swap3A_293 = arith.constant 1 : i32
    %swap3A_294 = arith.index_cast %swap3A_293 : i32 to index
    %swap3A_295 = arith.constant 16 : index
    %swap3A_296 = tpu.vector_load %arg6[%swap3A_294, %swap3A_295] {strides = array<i32>} : memref<4x128xi32, #tpu.memory_space<vmem>>, vector<1x16xi32>,
    %swap3A_297 = vector.shape_cast %swap3A_296 : vector<1x16xi32> to vector<16xi32>
    %swap3A_298 = vector.shape_cast %select_n3A_292 : vector<16xi32> to vector<1x16xi32>
    tpu.vector_store %arg6[%swap3A_294, %swap3A_295], %swap3A_298 {strides = array<i32>} : memref<4x128xi32, #tpu.memory_space<vmem>>, vector<1x16xi32>,
    %get3A_299 = arith.constant 1 : i32
    %get3A_300 = arith.index_cast %get3A_299 : i32 to index
    %get3A_301 = arith.constant 32 : index
    %get3A_302 = tpu.vector_load %arg5[%get3A_300, %get3A_301] {strides = array<i32>} : memref<4x128xi32, #tpu.memory_space<vmem>>, vector<1x16xi32>,
    %get3A_303 = vector.shape_cast %get3A_302 : vector<1x16xi32> to vector<16xi32>
    %mul3A_304 = arith.constant 512 : i32
    %mul3A_305 = arith.muli %add3A, %mul3A_304 : i32
    %add3A_306 = arith.constant 128 : i32
    %add3A_307 = arith.addi %mul3A_305, %add3A_306 : i32
    %add3A_308 = arith.constant 32 : i32
    %add3A_309 = arith.addi %add3A_307, %add3A_308 : i32
    %iota3A_310 = tpu.iota {dimensions = array<i32: 0>} : vector<16xi32>
    %add3A_311 = vector.broadcast %add3A_309 : i32 to vector<16xi32>
    %add3A_312 = arith.addi %add3A_311, %iota3A_310 : vector<16xi32>
    %lt3A_313 = arith.constant 4096 : i32
    %lt3A_314 = vector.broadcast %lt3A_313 : i32 to vector<16xi32>
    %lt3A_315 = arith.cmpi slt, %get3A_303, %lt3A_314 : vector<16xi32>
    %and3A_316 = arith.constant 7 : i32
    %and3A_317 = vector.broadcast %and3A_316 : i32 to vector<16xi32>
    %and3A_318 = arith.andi %add3A_312, %and3A_317 : vector<16xi32>
    %add3A_319 = arith.constant 4096 : i32
    %add3A_320 = vector.broadcast %add3A_319 : i32 to vector<16xi32>
    %add3A_321 = arith.addi %add3A_320, %and3A_318 : vector<16xi32>
    %select_n3A_322 = arith.select %lt3A_315, %get3A_303, %add3A_321 : vector<16xi1>, vector<16xi32>
    %swap3A_323 = arith.constant 1 : i32
    %swap3A_324 = arith.index_cast %swap3A_323 : i32 to index
    %swap3A_325 = arith.constant 32 : index
    %swap3A_326 = tpu.vector_load %arg6[%swap3A_324, %swap3A_325] {strides = array<i32>} : memref<4x128xi32, #tpu.memory_space<vmem>>, vector<1x16xi32>,
    %swap3A_327 = vector.shape_cast %swap3A_326 : vector<1x16xi32> to vector<16xi32>
    %swap3A_328 = vector.shape_cast %select_n3A_322 : vector<16xi32> to vector<1x16xi32>
    tpu.vector_store %arg6[%swap3A_324, %swap3A_325], %swap3A_328 {strides = array<i32>} : memref<4x128xi32, #tpu.memory_space<vmem>>, vector<1x16xi32>,
    %get3A_329 = arith.constant 1 : i32
    %get3A_330 = arith.index_cast %get3A_329 : i32 to index
    %get3A_331 = arith.constant 48 : index
    %get3A_332 = tpu.vector_load %arg5[%get3A_330, %get3A_331] {strides = array<i32>} : memref<4x128xi32, #tpu.memory_space<vmem>>, vector<1x16xi32>,
    %get3A_333 = vector.shape_cast %get3A_332 : vector<1x16xi32> to vector<16xi32>
    %mul3A_334 = arith.constant 512 : i32
    %mul3A_335 = arith.muli %add3A, %mul3A_334 : i32
    %add3A_336 = arith.constant 128 : i32
    %add3A_337 = arith.addi %mul3A_335, %add3A_336 : i32
    %add3A_338 = arith.constant 48 : i32
    %add3A_339 = arith.addi %add3A_337, %add3A_338 : i32
    %iota3A_340 = tpu.iota {dimensions = array<i32: 0>} : vector<16xi32>
    %add3A_341 = vector.broadcast %add3A_339 : i32 to vector<16xi32>
    %add3A_342 = arith.addi %add3A_341, %iota3A_340 : vector<16xi32>
    %lt3A_343 = arith.constant 4096 : i32
    %lt3A_344 = vector.broadcast %lt3A_343 : i32 to vector<16xi32>
    %lt3A_345 = arith.cmpi slt, %get3A_333, %lt3A_344 : vector<16xi32>
    %and3A_346 = arith.constant 7 : i32
    %and3A_347 = vector.broadcast %and3A_346 : i32 to vector<16xi32>
    %and3A_348 = arith.andi %add3A_342, %and3A_347 : vector<16xi32>
    %add3A_349 = arith.constant 4096 : i32
    %add3A_350 = vector.broadcast %add3A_349 : i32 to vector<16xi32>
    %add3A_351 = arith.addi %add3A_350, %and3A_348 : vector<16xi32>
    %select_n3A_352 = arith.select %lt3A_345, %get3A_333, %add3A_351 : vector<16xi1>, vector<16xi32>
    %swap3A_353 = arith.constant 1 : i32
    %swap3A_354 = arith.index_cast %swap3A_353 : i32 to index
    %swap3A_355 = arith.constant 48 : index
    %swap3A_356 = tpu.vector_load %arg6[%swap3A_354, %swap3A_355] {strides = array<i32>} : memref<4x128xi32, #tpu.memory_space<vmem>>, vector<1x16xi32>,
    %swap3A_357 = vector.shape_cast %swap3A_356 : vector<1x16xi32> to vector<16xi32>
    %swap3A_358 = vector.shape_cast %select_n3A_352 : vector<16xi32> to vector<1x16xi32>
    tpu.vector_store %arg6[%swap3A_354, %swap3A_355], %swap3A_358 {strides = array<i32>} : memref<4x128xi32, #tpu.memory_space<vmem>>, vector<1x16xi32>,
    %get3A_359 = arith.constant 1 : i32
    %get3A_360 = arith.index_cast %get3A_359 : i32 to index
    %get3A_361 = arith.constant 64 : index
    %get3A_362 = tpu.vector_load %arg5[%get3A_360, %get3A_361] {strides = array<i32>} : memref<4x128xi32, #tpu.memory_space<vmem>>, vector<1x16xi32>,
    %get3A_363 = vector.shape_cast %get3A_362 : vector<1x16xi32> to vector<16xi32>
    %mul3A_364 = arith.constant 512 : i32
    %mul3A_365 = arith.muli %add3A, %mul3A_364 : i32
    %add3A_366 = arith.constant 128 : i32
    %add3A_367 = arith.addi %mul3A_365, %add3A_366 : i32
    %add3A_368 = arith.constant 64 : i32
    %add3A_369 = arith.addi %add3A_367, %add3A_368 : i32
    %iota3A_370 = tpu.iota {dimensions = array<i32: 0>} : vector<16xi32>
    %add3A_371 = vector.broadcast %add3A_369 : i32 to vector<16xi32>
    %add3A_372 = arith.addi %add3A_371, %iota3A_370 : vector<16xi32>
    %lt3A_373 = arith.constant 4096 : i32
    %lt3A_374 = vector.broadcast %lt3A_373 : i32 to vector<16xi32>
    %lt3A_375 = arith.cmpi slt, %get3A_363, %lt3A_374 : vector<16xi32>
    %and3A_376 = arith.constant 7 : i32
    %and3A_377 = vector.broadcast %and3A_376 : i32 to vector<16xi32>
    %and3A_378 = arith.andi %add3A_372, %and3A_377 : vector<16xi32>
    %add3A_379 = arith.constant 4096 : i32
    %add3A_380 = vector.broadcast %add3A_379 : i32 to vector<16xi32>
    %add3A_381 = arith.addi %add3A_380, %and3A_378 : vector<16xi32>
    %select_n3A_382 = arith.select %lt3A_375, %get3A_363, %add3A_381 : vector<16xi1>, vector<16xi32>
    %swap3A_383 = arith.constant 1 : i32
    %swap3A_384 = arith.index_cast %swap3A_383 : i32 to index
    %swap3A_385 = arith.constant 64 : index
    %swap3A_386 = tpu.vector_load %arg6[%swap3A_384, %swap3A_385] {strides = array<i32>} : memref<4x128xi32, #tpu.memory_space<vmem>>, vector<1x16xi32>,
    %swap3A_387 = vector.shape_cast %swap3A_386 : vector<1x16xi32> to vector<16xi32>
    %swap3A_388 = vector.shape_cast %select_n3A_382 : vector<16xi32> to vector<1x16xi32>
    tpu.vector_store %arg6[%swap3A_384, %swap3A_385], %swap3A_388 {strides = array<i32>} : memref<4x128xi32, #tpu.memory_space<vmem>>, vector<1x16xi32>,
    %get3A_389 = arith.constant 1 : i32
    %get3A_390 = arith.index_cast %get3A_389 : i32 to index
    %get3A_391 = arith.constant 80 : index
    %get3A_392 = tpu.vector_load %arg5[%get3A_390, %get3A_391] {strides = array<i32>} : memref<4x128xi32, #tpu.memory_space<vmem>>, vector<1x16xi32>,
    %get3A_393 = vector.shape_cast %get3A_392 : vector<1x16xi32> to vector<16xi32>
    %mul3A_394 = arith.constant 512 : i32
    %mul3A_395 = arith.muli %add3A, %mul3A_394 : i32
    %add3A_396 = arith.constant 128 : i32
    %add3A_397 = arith.addi %mul3A_395, %add3A_396 : i32
    %add3A_398 = arith.constant 80 : i32
    %add3A_399 = arith.addi %add3A_397, %add3A_398 : i32
    %iota3A_400 = tpu.iota {dimensions = array<i32: 0>} : vector<16xi32>
    %add3A_401 = vector.broadcast %add3A_399 : i32 to vector<16xi32>
    %add3A_402 = arith.addi %add3A_401, %iota3A_400 : vector<16xi32>
    %lt3A_403 = arith.constant 4096 : i32
    %lt3A_404 = vector.broadcast %lt3A_403 : i32 to vector<16xi32>
    %lt3A_405 = arith.cmpi slt, %get3A_393, %lt3A_404 : vector<16xi32>
    %and3A_406 = arith.constant 7 : i32
    %and3A_407 = vector.broadcast %and3A_406 : i32 to vector<16xi32>
    %and3A_408 = arith.andi %add3A_402, %and3A_407 : vector<16xi32>
    %add3A_409 = arith.constant 4096 : i32
    %add3A_410 = vector.broadcast %add3A_409 : i32 to vector<16xi32>
    %add3A_411 = arith.addi %add3A_410, %and3A_408 : vector<16xi32>
    %select_n3A_412 = arith.select %lt3A_405, %get3A_393, %add3A_411 : vector<16xi1>, vector<16xi32>
    %swap3A_413 = arith.constant 1 : i32
    %swap3A_414 = arith.index_cast %swap3A_413 : i32 to index
    %swap3A_415 = arith.constant 80 : index
    %swap3A_416 = tpu.vector_load %arg6[%swap3A_414, %swap3A_415] {strides = array<i32>} : memref<4x128xi32, #tpu.memory_space<vmem>>, vector<1x16xi32>,
    %swap3A_417 = vector.shape_cast %swap3A_416 : vector<1x16xi32> to vector<16xi32>
    %swap3A_418 = vector.shape_cast %select_n3A_412 : vector<16xi32> to vector<1x16xi32>
    tpu.vector_store %arg6[%swap3A_414, %swap3A_415], %swap3A_418 {strides = array<i32>} : memref<4x128xi32, #tpu.memory_space<vmem>>, vector<1x16xi32>,
    %get3A_419 = arith.constant 1 : i32
    %get3A_420 = arith.index_cast %get3A_419 : i32 to index
    %get3A_421 = arith.constant 96 : index
    %get3A_422 = tpu.vector_load %arg5[%get3A_420, %get3A_421] {strides = array<i32>} : memref<4x128xi32, #tpu.memory_space<vmem>>, vector<1x16xi32>,
    %get3A_423 = vector.shape_cast %get3A_422 : vector<1x16xi32> to vector<16xi32>
    %mul3A_424 = arith.constant 512 : i32
    %mul3A_425 = arith.muli %add3A, %mul3A_424 : i32
    %add3A_426 = arith.constant 128 : i32
    %add3A_427 = arith.addi %mul3A_425, %add3A_426 : i32
    %add3A_428 = arith.constant 96 : i32
    %add3A_429 = arith.addi %add3A_427, %add3A_428 : i32
    %iota3A_430 = tpu.iota {dimensions = array<i32: 0>} : vector<16xi32>
    %add3A_431 = vector.broadcast %add3A_429 : i32 to vector<16xi32>
    %add3A_432 = arith.addi %add3A_431, %iota3A_430 : vector<16xi32>
    %lt3A_433 = arith.constant 4096 : i32
    %lt3A_434 = vector.broadcast %lt3A_433 : i32 to vector<16xi32>
    %lt3A_435 = arith.cmpi slt, %get3A_423, %lt3A_434 : vector<16xi32>
    %and3A_436 = arith.constant 7 : i32
    %and3A_437 = vector.broadcast %and3A_436 : i32 to vector<16xi32>
    %and3A_438 = arith.andi %add3A_432, %and3A_437 : vector<16xi32>
    %add3A_439 = arith.constant 4096 : i32
    %add3A_440 = vector.broadcast %add3A_439 : i32 to vector<16xi32>
    %add3A_441 = arith.addi %add3A_440, %and3A_438 : vector<16xi32>
    %select_n3A_442 = arith.select %lt3A_435, %get3A_423, %add3A_441 : vector<16xi1>, vector<16xi32>
    %swap3A_443 = arith.constant 1 : i32
    %swap3A_444 = arith.index_cast %swap3A_443 : i32 to index
    %swap3A_445 = arith.constant 96 : index
    %swap3A_446 = tpu.vector_load %arg6[%swap3A_444, %swap3A_445] {strides = array<i32>} : memref<4x128xi32, #tpu.memory_space<vmem>>, vector<1x16xi32>,
    %swap3A_447 = vector.shape_cast %swap3A_446 : vector<1x16xi32> to vector<16xi32>
    %swap3A_448 = vector.shape_cast %select_n3A_442 : vector<16xi32> to vector<1x16xi32>
    tpu.vector_store %arg6[%swap3A_444, %swap3A_445], %swap3A_448 {strides = array<i32>} : memref<4x128xi32, #tpu.memory_space<vmem>>, vector<1x16xi32>,
    %get3A_449 = arith.constant 1 : i32
    %get3A_450 = arith.index_cast %get3A_449 : i32 to index
    %get3A_451 = arith.constant 112 : index
    %get3A_452 = tpu.vector_load %arg5[%get3A_450, %get3A_451] {strides = array<i32>} : memref<4x128xi32, #tpu.memory_space<vmem>>, vector<1x16xi32>,
    %get3A_453 = vector.shape_cast %get3A_452 : vector<1x16xi32> to vector<16xi32>
    %mul3A_454 = arith.constant 512 : i32
    %mul3A_455 = arith.muli %add3A, %mul3A_454 : i32
    %add3A_456 = arith.constant 128 : i32
    %add3A_457 = arith.addi %mul3A_455, %add3A_456 : i32
    %add3A_458 = arith.constant 112 : i32
    %add3A_459 = arith.addi %add3A_457, %add3A_458 : i32
    %iota3A_460 = tpu.iota {dimensions = array<i32: 0>} : vector<16xi32>
    %add3A_461 = vector.broadcast %add3A_459 : i32 to vector<16xi32>
    %add3A_462 = arith.addi %add3A_461, %iota3A_460 : vector<16xi32>
    %lt3A_463 = arith.constant 4096 : i32
    %lt3A_464 = vector.broadcast %lt3A_463 : i32 to vector<16xi32>
    %lt3A_465 = arith.cmpi slt, %get3A_453, %lt3A_464 : vector<16xi32>
    %and3A_466 = arith.constant 7 : i32
    %and3A_467 = vector.broadcast %and3A_466 : i32 to vector<16xi32>
    %and3A_468 = arith.andi %add3A_462, %and3A_467 : vector<16xi32>
    %add3A_469 = arith.constant 4096 : i32
    %add3A_470 = vector.broadcast %add3A_469 : i32 to vector<16xi32>
    %add3A_471 = arith.addi %add3A_470, %and3A_468 : vector<16xi32>
    %select_n3A_472 = arith.select %lt3A_465, %get3A_453, %add3A_471 : vector<16xi1>, vector<16xi32>
    %swap3A_473 = arith.constant 1 : i32
    %swap3A_474 = arith.index_cast %swap3A_473 : i32 to index
    %swap3A_475 = arith.constant 112 : index
    %swap3A_476 = tpu.vector_load %arg6[%swap3A_474, %swap3A_475] {strides = array<i32>} : memref<4x128xi32, #tpu.memory_space<vmem>>, vector<1x16xi32>,
    %swap3A_477 = vector.shape_cast %swap3A_476 : vector<1x16xi32> to vector<16xi32>
    %swap3A_478 = vector.shape_cast %select_n3A_472 : vector<16xi32> to vector<1x16xi32>
    tpu.vector_store %arg6[%swap3A_474, %swap3A_475], %swap3A_478 {strides = array<i32>} : memref<4x128xi32, #tpu.memory_space<vmem>>, vector<1x16xi32>,
    %get3A_479 = arith.constant 2 : i32
    %get3A_480 = arith.index_cast %get3A_479 : i32 to index
    %get3A_481 = arith.constant 0 : index
    %get3A_482 = tpu.vector_load %arg5[%get3A_480, %get3A_481] {strides = array<i32>} : memref<4x128xi32, #tpu.memory_space<vmem>>, vector<1x16xi32>,
    %get3A_483 = vector.shape_cast %get3A_482 : vector<1x16xi32> to vector<16xi32>
    %mul3A_484 = arith.constant 512 : i32
    %mul3A_485 = arith.muli %add3A, %mul3A_484 : i32
    %add3A_486 = arith.constant 256 : i32
    %add3A_487 = arith.addi %mul3A_485, %add3A_486 : i32
    %add3A_488 = arith.constant 0 : i32
    %add3A_489 = arith.addi %add3A_487, %add3A_488 : i32
    %iota3A_490 = tpu.iota {dimensions = array<i32: 0>} : vector<16xi32>
    %add3A_491 = vector.broadcast %add3A_489 : i32 to vector<16xi32>
    %add3A_492 = arith.addi %add3A_491, %iota3A_490 : vector<16xi32>
    %lt3A_493 = arith.constant 4096 : i32
    %lt3A_494 = vector.broadcast %lt3A_493 : i32 to vector<16xi32>
    %lt3A_495 = arith.cmpi slt, %get3A_483, %lt3A_494 : vector<16xi32>
    %and3A_496 = arith.constant 7 : i32
    %and3A_497 = vector.broadcast %and3A_496 : i32 to vector<16xi32>
    %and3A_498 = arith.andi %add3A_492, %and3A_497 : vector<16xi32>
    %add3A_499 = arith.constant 4096 : i32
    %add3A_500 = vector.broadcast %add3A_499 : i32 to vector<16xi32>
    %add3A_501 = arith.addi %add3A_500, %and3A_498 : vector<16xi32>
    %select_n3A_502 = arith.select %lt3A_495, %get3A_483, %add3A_501 : vector<16xi1>, vector<16xi32>
    %swap3A_503 = arith.constant 2 : i32
    %swap3A_504 = arith.index_cast %swap3A_503 : i32 to index
    %swap3A_505 = arith.constant 0 : index
    %swap3A_506 = tpu.vector_load %arg6[%swap3A_504, %swap3A_505] {strides = array<i32>} : memref<4x128xi32, #tpu.memory_space<vmem>>, vector<1x16xi32>,
    %swap3A_507 = vector.shape_cast %swap3A_506 : vector<1x16xi32> to vector<16xi32>
    %swap3A_508 = vector.shape_cast %select_n3A_502 : vector<16xi32> to vector<1x16xi32>
    tpu.vector_store %arg6[%swap3A_504, %swap3A_505], %swap3A_508 {strides = array<i32>} : memref<4x128xi32, #tpu.memory_space<vmem>>, vector<1x16xi32>,
    %get3A_509 = arith.constant 2 : i32
    %get3A_510 = arith.index_cast %get3A_509 : i32 to index
    %get3A_511 = arith.constant 16 : index
    %get3A_512 = tpu.vector_load %arg5[%get3A_510, %get3A_511] {strides = array<i32>} : memref<4x128xi32, #tpu.memory_space<vmem>>, vector<1x16xi32>,
    %get3A_513 = vector.shape_cast %get3A_512 : vector<1x16xi32> to vector<16xi32>
    %mul3A_514 = arith.constant 512 : i32
    %mul3A_515 = arith.muli %add3A, %mul3A_514 : i32
    %add3A_516 = arith.constant 256 : i32
    %add3A_517 = arith.addi %mul3A_515, %add3A_516 : i32
    %add3A_518 = arith.constant 16 : i32
    %add3A_519 = arith.addi %add3A_517, %add3A_518 : i32
    %iota3A_520 = tpu.iota {dimensions = array<i32: 0>} : vector<16xi32>
    %add3A_521 = vector.broadcast %add3A_519 : i32 to vector<16xi32>
    %add3A_522 = arith.addi %add3A_521, %iota3A_520 : vector<16xi32>
    %lt3A_523 = arith.constant 4096 : i32
    %lt3A_524 = vector.broadcast %lt3A_523 : i32 to vector<16xi32>
    %lt3A_525 = arith.cmpi slt, %get3A_513, %lt3A_524 : vector<16xi32>
    %and3A_526 = arith.constant 7 : i32
    %and3A_527 = vector.broadcast %and3A_526 : i32 to vector<16xi32>
    %and3A_528 = arith.andi %add3A_522, %and3A_527 : vector<16xi32>
    %add3A_529 = arith.constant 4096 : i32
    %add3A_530 = vector.broadcast %add3A_529 : i32 to vector<16xi32>
    %add3A_531 = arith.addi %add3A_530, %and3A_528 : vector<16xi32>
    %select_n3A_532 = arith.select %lt3A_525, %get3A_513, %add3A_531 : vector<16xi1>, vector<16xi32>
    %swap3A_533 = arith.constant 2 : i32
    %swap3A_534 = arith.index_cast %swap3A_533 : i32 to index
    %swap3A_535 = arith.constant 16 : index
    %swap3A_536 = tpu.vector_load %arg6[%swap3A_534, %swap3A_535] {strides = array<i32>} : memref<4x128xi32, #tpu.memory_space<vmem>>, vector<1x16xi32>,
    %swap3A_537 = vector.shape_cast %swap3A_536 : vector<1x16xi32> to vector<16xi32>
    %swap3A_538 = vector.shape_cast %select_n3A_532 : vector<16xi32> to vector<1x16xi32>
    tpu.vector_store %arg6[%swap3A_534, %swap3A_535], %swap3A_538 {strides = array<i32>} : memref<4x128xi32, #tpu.memory_space<vmem>>, vector<1x16xi32>,
    %get3A_539 = arith.constant 2 : i32
    %get3A_540 = arith.index_cast %get3A_539 : i32 to index
    %get3A_541 = arith.constant 32 : index
    %get3A_542 = tpu.vector_load %arg5[%get3A_540, %get3A_541] {strides = array<i32>} : memref<4x128xi32, #tpu.memory_space<vmem>>, vector<1x16xi32>,
    %get3A_543 = vector.shape_cast %get3A_542 : vector<1x16xi32> to vector<16xi32>
    %mul3A_544 = arith.constant 512 : i32
    %mul3A_545 = arith.muli %add3A, %mul3A_544 : i32
    %add3A_546 = arith.constant 256 : i32
    %add3A_547 = arith.addi %mul3A_545, %add3A_546 : i32
    %add3A_548 = arith.constant 32 : i32
    %add3A_549 = arith.addi %add3A_547, %add3A_548 : i32
    %iota3A_550 = tpu.iota {dimensions = array<i32: 0>} : vector<16xi32>
    %add3A_551 = vector.broadcast %add3A_549 : i32 to vector<16xi32>
    %add3A_552 = arith.addi %add3A_551, %iota3A_550 : vector<16xi32>
    %lt3A_553 = arith.constant 4096 : i32
    %lt3A_554 = vector.broadcast %lt3A_553 : i32 to vector<16xi32>
    %lt3A_555 = arith.cmpi slt, %get3A_543, %lt3A_554 : vector<16xi32>
    %and3A_556 = arith.constant 7 : i32
    %and3A_557 = vector.broadcast %and3A_556 : i32 to vector<16xi32>
    %and3A_558 = arith.andi %add3A_552, %and3A_557 : vector<16xi32>
    %add3A_559 = arith.constant 4096 : i32
    %add3A_560 = vector.broadcast %add3A_559 : i32 to vector<16xi32>
    %add3A_561 = arith.addi %add3A_560, %and3A_558 : vector<16xi32>
    %select_n3A_562 = arith.select %lt3A_555, %get3A_543, %add3A_561 : vector<16xi1>, vector<16xi32>
    %swap3A_563 = arith.constant 2 : i32
    %swap3A_564 = arith.index_cast %swap3A_563 : i32 to index
    %swap3A_565 = arith.constant 32 : index
    %swap3A_566 = tpu.vector_load %arg6[%swap3A_564, %swap3A_565] {strides = array<i32>} : memref<4x128xi32, #tpu.memory_space<vmem>>, vector<1x16xi32>,
    %swap3A_567 = vector.shape_cast %swap3A_566 : vector<1x16xi32> to vector<16xi32>
    %swap3A_568 = vector.shape_cast %select_n3A_562 : vector<16xi32> to vector<1x16xi32>
    tpu.vector_store %arg6[%swap3A_564, %swap3A_565], %swap3A_568 {strides = array<i32>} : memref<4x128xi32, #tpu.memory_space<vmem>>, vector<1x16xi32>,
    %get3A_569 = arith.constant 2 : i32
    %get3A_570 = arith.index_cast %get3A_569 : i32 to index
    %get3A_571 = arith.constant 48 : index
    %get3A_572 = tpu.vector_load %arg5[%get3A_570, %get3A_571] {strides = array<i32>} : memref<4x128xi32, #tpu.memory_space<vmem>>, vector<1x16xi32>,
    %get3A_573 = vector.shape_cast %get3A_572 : vector<1x16xi32> to vector<16xi32>
    %mul3A_574 = arith.constant 512 : i32
    %mul3A_575 = arith.muli %add3A, %mul3A_574 : i32
    %add3A_576 = arith.constant 256 : i32
    %add3A_577 = arith.addi %mul3A_575, %add3A_576 : i32
    %add3A_578 = arith.constant 48 : i32
    %add3A_579 = arith.addi %add3A_577, %add3A_578 : i32
    %iota3A_580 = tpu.iota {dimensions = array<i32: 0>} : vector<16xi32>
    %add3A_581 = vector.broadcast %add3A_579 : i32 to vector<16xi32>
    %add3A_582 = arith.addi %add3A_581, %iota3A_580 : vector<16xi32>
    %lt3A_583 = arith.constant 4096 : i32
    %lt3A_584 = vector.broadcast %lt3A_583 : i32 to vector<16xi32>
    %lt3A_585 = arith.cmpi slt, %get3A_573, %lt3A_584 : vector<16xi32>
    %and3A_586 = arith.constant 7 : i32
    %and3A_587 = vector.broadcast %and3A_586 : i32 to vector<16xi32>
    %and3A_588 = arith.andi %add3A_582, %and3A_587 : vector<16xi32>
    %add3A_589 = arith.constant 4096 : i32
    %add3A_590 = vector.broadcast %add3A_589 : i32 to vector<16xi32>
    %add3A_591 = arith.addi %add3A_590, %and3A_588 : vector<16xi32>
    %select_n3A_592 = arith.select %lt3A_585, %get3A_573, %add3A_591 : vector<16xi1>, vector<16xi32>
    %swap3A_593 = arith.constant 2 : i32
    %swap3A_594 = arith.index_cast %swap3A_593 : i32 to index
    %swap3A_595 = arith.constant 48 : index
    %swap3A_596 = tpu.vector_load %arg6[%swap3A_594, %swap3A_595] {strides = array<i32>} : memref<4x128xi32, #tpu.memory_space<vmem>>, vector<1x16xi32>,
    %swap3A_597 = vector.shape_cast %swap3A_596 : vector<1x16xi32> to vector<16xi32>
    %swap3A_598 = vector.shape_cast %select_n3A_592 : vector<16xi32> to vector<1x16xi32>
    tpu.vector_store %arg6[%swap3A_594, %swap3A_595], %swap3A_598 {strides = array<i32>} : memref<4x128xi32, #tpu.memory_space<vmem>>, vector<1x16xi32>,
    %get3A_599 = arith.constant 2 : i32
    %get3A_600 = arith.index_cast %get3A_599 : i32 to index
    %get3A_601 = arith.constant 64 : index
    %get3A_602 = tpu.vector_load %arg5[%get3A_600, %get3A_601] {strides = array<i32>} : memref<4x128xi32, #tpu.memory_space<vmem>>, vector<1x16xi32>,
    %get3A_603 = vector.shape_cast %get3A_602 : vector<1x16xi32> to vector<16xi32>
    %mul3A_604 = arith.constant 512 : i32
    %mul3A_605 = arith.muli %add3A, %mul3A_604 : i32
    %add3A_606 = arith.constant 256 : i32
    %add3A_607 = arith.addi %mul3A_605, %add3A_606 : i32
    %add3A_608 = arith.constant 64 : i32
    %add3A_609 = arith.addi %add3A_607, %add3A_608 : i32
    %iota3A_610 = tpu.iota {dimensions = array<i32: 0>} : vector<16xi32>
    %add3A_611 = vector.broadcast %add3A_609 : i32 to vector<16xi32>
    %add3A_612 = arith.addi %add3A_611, %iota3A_610 : vector<16xi32>
    %lt3A_613 = arith.constant 4096 : i32
    %lt3A_614 = vector.broadcast %lt3A_613 : i32 to vector<16xi32>
    %lt3A_615 = arith.cmpi slt, %get3A_603, %lt3A_614 : vector<16xi32>
    %and3A_616 = arith.constant 7 : i32
    %and3A_617 = vector.broadcast %and3A_616 : i32 to vector<16xi32>
    %and3A_618 = arith.andi %add3A_612, %and3A_617 : vector<16xi32>
    %add3A_619 = arith.constant 4096 : i32
    %add3A_620 = vector.broadcast %add3A_619 : i32 to vector<16xi32>
    %add3A_621 = arith.addi %add3A_620, %and3A_618 : vector<16xi32>
    %select_n3A_622 = arith.select %lt3A_615, %get3A_603, %add3A_621 : vector<16xi1>, vector<16xi32>
    %swap3A_623 = arith.constant 2 : i32
    %swap3A_624 = arith.index_cast %swap3A_623 : i32 to index
    %swap3A_625 = arith.constant 64 : index
    %swap3A_626 = tpu.vector_load %arg6[%swap3A_624, %swap3A_625] {strides = array<i32>} : memref<4x128xi32, #tpu.memory_space<vmem>>, vector<1x16xi32>,
    %swap3A_627 = vector.shape_cast %swap3A_626 : vector<1x16xi32> to vector<16xi32>
    %swap3A_628 = vector.shape_cast %select_n3A_622 : vector<16xi32> to vector<1x16xi32>
    tpu.vector_store %arg6[%swap3A_624, %swap3A_625], %swap3A_628 {strides = array<i32>} : memref<4x128xi32, #tpu.memory_space<vmem>>, vector<1x16xi32>,
    %get3A_629 = arith.constant 2 : i32
    %get3A_630 = arith.index_cast %get3A_629 : i32 to index
    %get3A_631 = arith.constant 80 : index
    %get3A_632 = tpu.vector_load %arg5[%get3A_630, %get3A_631] {strides = array<i32>} : memref<4x128xi32, #tpu.memory_space<vmem>>, vector<1x16xi32>,
    %get3A_633 = vector.shape_cast %get3A_632 : vector<1x16xi32> to vector<16xi32>
    %mul3A_634 = arith.constant 512 : i32
    %mul3A_635 = arith.muli %add3A, %mul3A_634 : i32
    %add3A_636 = arith.constant 256 : i32
    %add3A_637 = arith.addi %mul3A_635, %add3A_636 : i32
    %add3A_638 = arith.constant 80 : i32
    %add3A_639 = arith.addi %add3A_637, %add3A_638 : i32
    %iota3A_640 = tpu.iota {dimensions = array<i32: 0>} : vector<16xi32>
    %add3A_641 = vector.broadcast %add3A_639 : i32 to vector<16xi32>
    %add3A_642 = arith.addi %add3A_641, %iota3A_640 : vector<16xi32>
    %lt3A_643 = arith.constant 4096 : i32
    %lt3A_644 = vector.broadcast %lt3A_643 : i32 to vector<16xi32>
    %lt3A_645 = arith.cmpi slt, %get3A_633, %lt3A_644 : vector<16xi32>
    %and3A_646 = arith.constant 7 : i32
    %and3A_647 = vector.broadcast %and3A_646 : i32 to vector<16xi32>
    %and3A_648 = arith.andi %add3A_642, %and3A_647 : vector<16xi32>
    %add3A_649 = arith.constant 4096 : i32
    %add3A_650 = vector.broadcast %add3A_649 : i32 to vector<16xi32>
    %add3A_651 = arith.addi %add3A_650, %and3A_648 : vector<16xi32>
    %select_n3A_652 = arith.select %lt3A_645, %get3A_633, %add3A_651 : vector<16xi1>, vector<16xi32>
    %swap3A_653 = arith.constant 2 : i32
    %swap3A_654 = arith.index_cast %swap3A_653 : i32 to index
    %swap3A_655 = arith.constant 80 : index
    %swap3A_656 = tpu.vector_load %arg6[%swap3A_654, %swap3A_655] {strides = array<i32>} : memref<4x128xi32, #tpu.memory_space<vmem>>, vector<1x16xi32>,
    %swap3A_657 = vector.shape_cast %swap3A_656 : vector<1x16xi32> to vector<16xi32>
    %swap3A_658 = vector.shape_cast %select_n3A_652 : vector<16xi32> to vector<1x16xi32>
    tpu.vector_store %arg6[%swap3A_654, %swap3A_655], %swap3A_658 {strides = array<i32>} : memref<4x128xi32, #tpu.memory_space<vmem>>, vector<1x16xi32>,
    %get3A_659 = arith.constant 2 : i32
    %get3A_660 = arith.index_cast %get3A_659 : i32 to index
    %get3A_661 = arith.constant 96 : index
    %get3A_662 = tpu.vector_load %arg5[%get3A_660, %get3A_661] {strides = array<i32>} : memref<4x128xi32, #tpu.memory_space<vmem>>, vector<1x16xi32>,
    %get3A_663 = vector.shape_cast %get3A_662 : vector<1x16xi32> to vector<16xi32>
    %mul3A_664 = arith.constant 512 : i32
    %mul3A_665 = arith.muli %add3A, %mul3A_664 : i32
    %add3A_666 = arith.constant 256 : i32
    %add3A_667 = arith.addi %mul3A_665, %add3A_666 : i32
    %add3A_668 = arith.constant 96 : i32
    %add3A_669 = arith.addi %add3A_667, %add3A_668 : i32
    %iota3A_670 = tpu.iota {dimensions = array<i32: 0>} : vector<16xi32>
    %add3A_671 = vector.broadcast %add3A_669 : i32 to vector<16xi32>
    %add3A_672 = arith.addi %add3A_671, %iota3A_670 : vector<16xi32>
    %lt3A_673 = arith.constant 4096 : i32
    %lt3A_674 = vector.broadcast %lt3A_673 : i32 to vector<16xi32>
    %lt3A_675 = arith.cmpi slt, %get3A_663, %lt3A_674 : vector<16xi32>
    %and3A_676 = arith.constant 7 : i32
    %and3A_677 = vector.broadcast %and3A_676 : i32 to vector<16xi32>
    %and3A_678 = arith.andi %add3A_672, %and3A_677 : vector<16xi32>
    %add3A_679 = arith.constant 4096 : i32
    %add3A_680 = vector.broadcast %add3A_679 : i32 to vector<16xi32>
    %add3A_681 = arith.addi %add3A_680, %and3A_678 : vector<16xi32>
    %select_n3A_682 = arith.select %lt3A_675, %get3A_663, %add3A_681 : vector<16xi1>, vector<16xi32>
    %swap3A_683 = arith.constant 2 : i32
    %swap3A_684 = arith.index_cast %swap3A_683 : i32 to index
    %swap3A_685 = arith.constant 96 : index
    %swap3A_686 = tpu.vector_load %arg6[%swap3A_684, %swap3A_685] {strides = array<i32>} : memref<4x128xi32, #tpu.memory_space<vmem>>, vector<1x16xi32>,
    %swap3A_687 = vector.shape_cast %swap3A_686 : vector<1x16xi32> to vector<16xi32>
    %swap3A_688 = vector.shape_cast %select_n3A_682 : vector<16xi32> to vector<1x16xi32>
    tpu.vector_store %arg6[%swap3A_684, %swap3A_685], %swap3A_688 {strides = array<i32>} : memref<4x128xi32, #tpu.memory_space<vmem>>, vector<1x16xi32>,
    %get3A_689 = arith.constant 2 : i32
    %get3A_690 = arith.index_cast %get3A_689 : i32 to index
    %get3A_691 = arith.constant 112 : index
    %get3A_692 = tpu.vector_load %arg5[%get3A_690, %get3A_691] {strides = array<i32>} : memref<4x128xi32, #tpu.memory_space<vmem>>, vector<1x16xi32>,
    %get3A_693 = vector.shape_cast %get3A_692 : vector<1x16xi32> to vector<16xi32>
    %mul3A_694 = arith.constant 512 : i32
    %mul3A_695 = arith.muli %add3A, %mul3A_694 : i32
    %add3A_696 = arith.constant 256 : i32
    %add3A_697 = arith.addi %mul3A_695, %add3A_696 : i32
    %add3A_698 = arith.constant 112 : i32
    %add3A_699 = arith.addi %add3A_697, %add3A_698 : i32
    %iota3A_700 = tpu.iota {dimensions = array<i32: 0>} : vector<16xi32>
    %add3A_701 = vector.broadcast %add3A_699 : i32 to vector<16xi32>
    %add3A_702 = arith.addi %add3A_701, %iota3A_700 : vector<16xi32>
    %lt3A_703 = arith.constant 4096 : i32
    %lt3A_704 = vector.broadcast %lt3A_703 : i32 to vector<16xi32>
    %lt3A_705 = arith.cmpi slt, %get3A_693, %lt3A_704 : vector<16xi32>
    %and3A_706 = arith.constant 7 : i32
    %and3A_707 = vector.broadcast %and3A_706 : i32 to vector<16xi32>
    %and3A_708 = arith.andi %add3A_702, %and3A_707 : vector<16xi32>
    %add3A_709 = arith.constant 4096 : i32
    %add3A_710 = vector.broadcast %add3A_709 : i32 to vector<16xi32>
    %add3A_711 = arith.addi %add3A_710, %and3A_708 : vector<16xi32>
    %select_n3A_712 = arith.select %lt3A_705, %get3A_693, %add3A_711 : vector<16xi1>, vector<16xi32>
    %swap3A_713 = arith.constant 2 : i32
    %swap3A_714 = arith.index_cast %swap3A_713 : i32 to index
    %swap3A_715 = arith.constant 112 : index
    %swap3A_716 = tpu.vector_load %arg6[%swap3A_714, %swap3A_715] {strides = array<i32>} : memref<4x128xi32, #tpu.memory_space<vmem>>, vector<1x16xi32>,
    %swap3A_717 = vector.shape_cast %swap3A_716 : vector<1x16xi32> to vector<16xi32>
    %swap3A_718 = vector.shape_cast %select_n3A_712 : vector<16xi32> to vector<1x16xi32>
    tpu.vector_store %arg6[%swap3A_714, %swap3A_715], %swap3A_718 {strides = array<i32>} : memref<4x128xi32, #tpu.memory_space<vmem>>, vector<1x16xi32>,
    %get3A_719 = arith.constant 3 : i32
    %get3A_720 = arith.index_cast %get3A_719 : i32 to index
    %get3A_721 = arith.constant 0 : index
    %get3A_722 = tpu.vector_load %arg5[%get3A_720, %get3A_721] {strides = array<i32>} : memref<4x128xi32, #tpu.memory_space<vmem>>, vector<1x16xi32>,
    %get3A_723 = vector.shape_cast %get3A_722 : vector<1x16xi32> to vector<16xi32>
    %mul3A_724 = arith.constant 512 : i32
    %mul3A_725 = arith.muli %add3A, %mul3A_724 : i32
    %add3A_726 = arith.constant 384 : i32
    %add3A_727 = arith.addi %mul3A_725, %add3A_726 : i32
    %add3A_728 = arith.constant 0 : i32
    %add3A_729 = arith.addi %add3A_727, %add3A_728 : i32
    %iota3A_730 = tpu.iota {dimensions = array<i32: 0>} : vector<16xi32>
    %add3A_731 = vector.broadcast %add3A_729 : i32 to vector<16xi32>
    %add3A_732 = arith.addi %add3A_731, %iota3A_730 : vector<16xi32>
    %lt3A_733 = arith.constant 4096 : i32
    %lt3A_734 = vector.broadcast %lt3A_733 : i32 to vector<16xi32>
    %lt3A_735 = arith.cmpi slt, %get3A_723, %lt3A_734 : vector<16xi32>
    %and3A_736 = arith.constant 7 : i32
    %and3A_737 = vector.broadcast %and3A_736 : i32 to vector<16xi32>
    %and3A_738 = arith.andi %add3A_732, %and3A_737 : vector<16xi32>
    %add3A_739 = arith.constant 4096 : i32
    %add3A_740 = vector.broadcast %add3A_739 : i32 to vector<16xi32>
    %add3A_741 = arith.addi %add3A_740, %and3A_738 : vector<16xi32>
    %select_n3A_742 = arith.select %lt3A_735, %get3A_723, %add3A_741 : vector<16xi1>, vector<16xi32>
    %swap3A_743 = arith.constant 3 : i32
    %swap3A_744 = arith.index_cast %swap3A_743 : i32 to index
    %swap3A_745 = arith.constant 0 : index
    %swap3A_746 = tpu.vector_load %arg6[%swap3A_744, %swap3A_745] {strides = array<i32>} : memref<4x128xi32, #tpu.memory_space<vmem>>, vector<1x16xi32>,
    %swap3A_747 = vector.shape_cast %swap3A_746 : vector<1x16xi32> to vector<16xi32>
    %swap3A_748 = vector.shape_cast %select_n3A_742 : vector<16xi32> to vector<1x16xi32>
    tpu.vector_store %arg6[%swap3A_744, %swap3A_745], %swap3A_748 {strides = array<i32>} : memref<4x128xi32, #tpu.memory_space<vmem>>, vector<1x16xi32>,
    %get3A_749 = arith.constant 3 : i32
    %get3A_750 = arith.index_cast %get3A_749 : i32 to index
    %get3A_751 = arith.constant 16 : index
    %get3A_752 = tpu.vector_load %arg5[%get3A_750, %get3A_751] {strides = array<i32>} : memref<4x128xi32, #tpu.memory_space<vmem>>, vector<1x16xi32>,
    %get3A_753 = vector.shape_cast %get3A_752 : vector<1x16xi32> to vector<16xi32>
    %mul3A_754 = arith.constant 512 : i32
    %mul3A_755 = arith.muli %add3A, %mul3A_754 : i32
    %add3A_756 = arith.constant 384 : i32
    %add3A_757 = arith.addi %mul3A_755, %add3A_756 : i32
    %add3A_758 = arith.constant 16 : i32
    %add3A_759 = arith.addi %add3A_757, %add3A_758 : i32
    %iota3A_760 = tpu.iota {dimensions = array<i32: 0>} : vector<16xi32>
    %add3A_761 = vector.broadcast %add3A_759 : i32 to vector<16xi32>
    %add3A_762 = arith.addi %add3A_761, %iota3A_760 : vector<16xi32>
    %lt3A_763 = arith.constant 4096 : i32
    %lt3A_764 = vector.broadcast %lt3A_763 : i32 to vector<16xi32>
    %lt3A_765 = arith.cmpi slt, %get3A_753, %lt3A_764 : vector<16xi32>
    %and3A_766 = arith.constant 7 : i32
    %and3A_767 = vector.broadcast %and3A_766 : i32 to vector<16xi32>
    %and3A_768 = arith.andi %add3A_762, %and3A_767 : vector<16xi32>
    %add3A_769 = arith.constant 4096 : i32
    %add3A_770 = vector.broadcast %add3A_769 : i32 to vector<16xi32>
    %add3A_771 = arith.addi %add3A_770, %and3A_768 : vector<16xi32>
    %select_n3A_772 = arith.select %lt3A_765, %get3A_753, %add3A_771 : vector<16xi1>, vector<16xi32>
    %swap3A_773 = arith.constant 3 : i32
    %swap3A_774 = arith.index_cast %swap3A_773 : i32 to index
    %swap3A_775 = arith.constant 16 : index
    %swap3A_776 = tpu.vector_load %arg6[%swap3A_774, %swap3A_775] {strides = array<i32>} : memref<4x128xi32, #tpu.memory_space<vmem>>, vector<1x16xi32>,
    %swap3A_777 = vector.shape_cast %swap3A_776 : vector<1x16xi32> to vector<16xi32>
    %swap3A_778 = vector.shape_cast %select_n3A_772 : vector<16xi32> to vector<1x16xi32>
    tpu.vector_store %arg6[%swap3A_774, %swap3A_775], %swap3A_778 {strides = array<i32>} : memref<4x128xi32, #tpu.memory_space<vmem>>, vector<1x16xi32>,
    %get3A_779 = arith.constant 3 : i32
    %get3A_780 = arith.index_cast %get3A_779 : i32 to index
    %get3A_781 = arith.constant 32 : index
    %get3A_782 = tpu.vector_load %arg5[%get3A_780, %get3A_781] {strides = array<i32>} : memref<4x128xi32, #tpu.memory_space<vmem>>, vector<1x16xi32>,
    %get3A_783 = vector.shape_cast %get3A_782 : vector<1x16xi32> to vector<16xi32>
    %mul3A_784 = arith.constant 512 : i32
    %mul3A_785 = arith.muli %add3A, %mul3A_784 : i32
    %add3A_786 = arith.constant 384 : i32
    %add3A_787 = arith.addi %mul3A_785, %add3A_786 : i32
    %add3A_788 = arith.constant 32 : i32
    %add3A_789 = arith.addi %add3A_787, %add3A_788 : i32
    %iota3A_790 = tpu.iota {dimensions = array<i32: 0>} : vector<16xi32>
    %add3A_791 = vector.broadcast %add3A_789 : i32 to vector<16xi32>
    %add3A_792 = arith.addi %add3A_791, %iota3A_790 : vector<16xi32>
    %lt3A_793 = arith.constant 4096 : i32
    %lt3A_794 = vector.broadcast %lt3A_793 : i32 to vector<16xi32>
    %lt3A_795 = arith.cmpi slt, %get3A_783, %lt3A_794 : vector<16xi32>
    %and3A_796 = arith.constant 7 : i32
    %and3A_797 = vector.broadcast %and3A_796 : i32 to vector<16xi32>
    %and3A_798 = arith.andi %add3A_792, %and3A_797 : vector<16xi32>
    %add3A_799 = arith.constant 4096 : i32
    %add3A_800 = vector.broadcast %add3A_799 : i32 to vector<16xi32>
    %add3A_801 = arith.addi %add3A_800, %and3A_798 : vector<16xi32>
    %select_n3A_802 = arith.select %lt3A_795, %get3A_783, %add3A_801 : vector<16xi1>, vector<16xi32>
    %swap3A_803 = arith.constant 3 : i32
    %swap3A_804 = arith.index_cast %swap3A_803 : i32 to index
    %swap3A_805 = arith.constant 32 : index
    %swap3A_806 = tpu.vector_load %arg6[%swap3A_804, %swap3A_805] {strides = array<i32>} : memref<4x128xi32, #tpu.memory_space<vmem>>, vector<1x16xi32>,
    %swap3A_807 = vector.shape_cast %swap3A_806 : vector<1x16xi32> to vector<16xi32>
    %swap3A_808 = vector.shape_cast %select_n3A_802 : vector<16xi32> to vector<1x16xi32>
    tpu.vector_store %arg6[%swap3A_804, %swap3A_805], %swap3A_808 {strides = array<i32>} : memref<4x128xi32, #tpu.memory_space<vmem>>, vector<1x16xi32>,
    %get3A_809 = arith.constant 3 : i32
    %get3A_810 = arith.index_cast %get3A_809 : i32 to index
    %get3A_811 = arith.constant 48 : index
    %get3A_812 = tpu.vector_load %arg5[%get3A_810, %get3A_811] {strides = array<i32>} : memref<4x128xi32, #tpu.memory_space<vmem>>, vector<1x16xi32>,
    %get3A_813 = vector.shape_cast %get3A_812 : vector<1x16xi32> to vector<16xi32>
    %mul3A_814 = arith.constant 512 : i32
    %mul3A_815 = arith.muli %add3A, %mul3A_814 : i32
    %add3A_816 = arith.constant 384 : i32
    %add3A_817 = arith.addi %mul3A_815, %add3A_816 : i32
    %add3A_818 = arith.constant 48 : i32
    %add3A_819 = arith.addi %add3A_817, %add3A_818 : i32
    %iota3A_820 = tpu.iota {dimensions = array<i32: 0>} : vector<16xi32>
    %add3A_821 = vector.broadcast %add3A_819 : i32 to vector<16xi32>
    %add3A_822 = arith.addi %add3A_821, %iota3A_820 : vector<16xi32>
    %lt3A_823 = arith.constant 4096 : i32
    %lt3A_824 = vector.broadcast %lt3A_823 : i32 to vector<16xi32>
    %lt3A_825 = arith.cmpi slt, %get3A_813, %lt3A_824 : vector<16xi32>
    %and3A_826 = arith.constant 7 : i32
    %and3A_827 = vector.broadcast %and3A_826 : i32 to vector<16xi32>
    %and3A_828 = arith.andi %add3A_822, %and3A_827 : vector<16xi32>
    %add3A_829 = arith.constant 4096 : i32
    %add3A_830 = vector.broadcast %add3A_829 : i32 to vector<16xi32>
    %add3A_831 = arith.addi %add3A_830, %and3A_828 : vector<16xi32>
    %select_n3A_832 = arith.select %lt3A_825, %get3A_813, %add3A_831 : vector<16xi1>, vector<16xi32>
    %swap3A_833 = arith.constant 3 : i32
    %swap3A_834 = arith.index_cast %swap3A_833 : i32 to index
    %swap3A_835 = arith.constant 48 : index
    %swap3A_836 = tpu.vector_load %arg6[%swap3A_834, %swap3A_835] {strides = array<i32>} : memref<4x128xi32, #tpu.memory_space<vmem>>, vector<1x16xi32>,
    %swap3A_837 = vector.shape_cast %swap3A_836 : vector<1x16xi32> to vector<16xi32>
    %swap3A_838 = vector.shape_cast %select_n3A_832 : vector<16xi32> to vector<1x16xi32>
    tpu.vector_store %arg6[%swap3A_834, %swap3A_835], %swap3A_838 {strides = array<i32>} : memref<4x128xi32, #tpu.memory_space<vmem>>, vector<1x16xi32>,
    %get3A_839 = arith.constant 3 : i32
    %get3A_840 = arith.index_cast %get3A_839 : i32 to index
    %get3A_841 = arith.constant 64 : index
    %get3A_842 = tpu.vector_load %arg5[%get3A_840, %get3A_841] {strides = array<i32>} : memref<4x128xi32, #tpu.memory_space<vmem>>, vector<1x16xi32>,
    %get3A_843 = vector.shape_cast %get3A_842 : vector<1x16xi32> to vector<16xi32>
    %mul3A_844 = arith.constant 512 : i32
    %mul3A_845 = arith.muli %add3A, %mul3A_844 : i32
    %add3A_846 = arith.constant 384 : i32
    %add3A_847 = arith.addi %mul3A_845, %add3A_846 : i32
    %add3A_848 = arith.constant 64 : i32
    %add3A_849 = arith.addi %add3A_847, %add3A_848 : i32
    %iota3A_850 = tpu.iota {dimensions = array<i32: 0>} : vector<16xi32>
    %add3A_851 = vector.broadcast %add3A_849 : i32 to vector<16xi32>
    %add3A_852 = arith.addi %add3A_851, %iota3A_850 : vector<16xi32>
    %lt3A_853 = arith.constant 4096 : i32
    %lt3A_854 = vector.broadcast %lt3A_853 : i32 to vector<16xi32>
    %lt3A_855 = arith.cmpi slt, %get3A_843, %lt3A_854 : vector<16xi32>
    %and3A_856 = arith.constant 7 : i32
    %and3A_857 = vector.broadcast %and3A_856 : i32 to vector<16xi32>
    %and3A_858 = arith.andi %add3A_852, %and3A_857 : vector<16xi32>
    %add3A_859 = arith.constant 4096 : i32
    %add3A_860 = vector.broadcast %add3A_859 : i32 to vector<16xi32>
    %add3A_861 = arith.addi %add3A_860, %and3A_858 : vector<16xi32>
    %select_n3A_862 = arith.select %lt3A_855, %get3A_843, %add3A_861 : vector<16xi1>, vector<16xi32>
    %swap3A_863 = arith.constant 3 : i32
    %swap3A_864 = arith.index_cast %swap3A_863 : i32 to index
    %swap3A_865 = arith.constant 64 : index
    %swap3A_866 = tpu.vector_load %arg6[%swap3A_864, %swap3A_865] {strides = array<i32>} : memref<4x128xi32, #tpu.memory_space<vmem>>, vector<1x16xi32>,
    %swap3A_867 = vector.shape_cast %swap3A_866 : vector<1x16xi32> to vector<16xi32>
    %swap3A_868 = vector.shape_cast %select_n3A_862 : vector<16xi32> to vector<1x16xi32>
    tpu.vector_store %arg6[%swap3A_864, %swap3A_865], %swap3A_868 {strides = array<i32>} : memref<4x128xi32, #tpu.memory_space<vmem>>, vector<1x16xi32>,
    %get3A_869 = arith.constant 3 : i32
    %get3A_870 = arith.index_cast %get3A_869 : i32 to index
    %get3A_871 = arith.constant 80 : index
    %get3A_872 = tpu.vector_load %arg5[%get3A_870, %get3A_871] {strides = array<i32>} : memref<4x128xi32, #tpu.memory_space<vmem>>, vector<1x16xi32>,
    %get3A_873 = vector.shape_cast %get3A_872 : vector<1x16xi32> to vector<16xi32>
    %mul3A_874 = arith.constant 512 : i32
    %mul3A_875 = arith.muli %add3A, %mul3A_874 : i32
    %add3A_876 = arith.constant 384 : i32
    %add3A_877 = arith.addi %mul3A_875, %add3A_876 : i32
    %add3A_878 = arith.constant 80 : i32
    %add3A_879 = arith.addi %add3A_877, %add3A_878 : i32
    %iota3A_880 = tpu.iota {dimensions = array<i32: 0>} : vector<16xi32>
    %add3A_881 = vector.broadcast %add3A_879 : i32 to vector<16xi32>
    %add3A_882 = arith.addi %add3A_881, %iota3A_880 : vector<16xi32>
    %lt3A_883 = arith.constant 4096 : i32
    %lt3A_884 = vector.broadcast %lt3A_883 : i32 to vector<16xi32>
    %lt3A_885 = arith.cmpi slt, %get3A_873, %lt3A_884 : vector<16xi32>
    %and3A_886 = arith.constant 7 : i32
    %and3A_887 = vector.broadcast %and3A_886 : i32 to vector<16xi32>
    %and3A_888 = arith.andi %add3A_882, %and3A_887 : vector<16xi32>
    %add3A_889 = arith.constant 4096 : i32
    %add3A_890 = vector.broadcast %add3A_889 : i32 to vector<16xi32>
    %add3A_891 = arith.addi %add3A_890, %and3A_888 : vector<16xi32>
    %select_n3A_892 = arith.select %lt3A_885, %get3A_873, %add3A_891 : vector<16xi1>, vector<16xi32>
    %swap3A_893 = arith.constant 3 : i32
    %swap3A_894 = arith.index_cast %swap3A_893 : i32 to index
    %swap3A_895 = arith.constant 80 : index
    %swap3A_896 = tpu.vector_load %arg6[%swap3A_894, %swap3A_895] {strides = array<i32>} : memref<4x128xi32, #tpu.memory_space<vmem>>, vector<1x16xi32>,
    %swap3A_897 = vector.shape_cast %swap3A_896 : vector<1x16xi32> to vector<16xi32>
    %swap3A_898 = vector.shape_cast %select_n3A_892 : vector<16xi32> to vector<1x16xi32>
    tpu.vector_store %arg6[%swap3A_894, %swap3A_895], %swap3A_898 {strides = array<i32>} : memref<4x128xi32, #tpu.memory_space<vmem>>, vector<1x16xi32>,
    %get3A_899 = arith.constant 3 : i32
    %get3A_900 = arith.index_cast %get3A_899 : i32 to index
    %get3A_901 = arith.constant 96 : index
    %get3A_902 = tpu.vector_load %arg5[%get3A_900, %get3A_901] {strides = array<i32>} : memref<4x128xi32, #tpu.memory_space<vmem>>, vector<1x16xi32>,
    %get3A_903 = vector.shape_cast %get3A_902 : vector<1x16xi32> to vector<16xi32>
    %mul3A_904 = arith.constant 512 : i32
    %mul3A_905 = arith.muli %add3A, %mul3A_904 : i32
    %add3A_906 = arith.constant 384 : i32
    %add3A_907 = arith.addi %mul3A_905, %add3A_906 : i32
    %add3A_908 = arith.constant 96 : i32
    %add3A_909 = arith.addi %add3A_907, %add3A_908 : i32
    %iota3A_910 = tpu.iota {dimensions = array<i32: 0>} : vector<16xi32>
    %add3A_911 = vector.broadcast %add3A_909 : i32 to vector<16xi32>
    %add3A_912 = arith.addi %add3A_911, %iota3A_910 : vector<16xi32>
    %lt3A_913 = arith.constant 4096 : i32
    %lt3A_914 = vector.broadcast %lt3A_913 : i32 to vector<16xi32>
    %lt3A_915 = arith.cmpi slt, %get3A_903, %lt3A_914 : vector<16xi32>
    %and3A_916 = arith.constant 7 : i32
    %and3A_917 = vector.broadcast %and3A_916 : i32 to vector<16xi32>
    %and3A_918 = arith.andi %add3A_912, %and3A_917 : vector<16xi32>
    %add3A_919 = arith.constant 4096 : i32
    %add3A_920 = vector.broadcast %add3A_919 : i32 to vector<16xi32>
    %add3A_921 = arith.addi %add3A_920, %and3A_918 : vector<16xi32>
    %select_n3A_922 = arith.select %lt3A_915, %get3A_903, %add3A_921 : vector<16xi1>, vector<16xi32>
    %swap3A_923 = arith.constant 3 : i32
    %swap3A_924 = arith.index_cast %swap3A_923 : i32 to index
    %swap3A_925 = arith.constant 96 : index
    %swap3A_926 = tpu.vector_load %arg6[%swap3A_924, %swap3A_925] {strides = array<i32>} : memref<4x128xi32, #tpu.memory_space<vmem>>, vector<1x16xi32>,
    %swap3A_927 = vector.shape_cast %swap3A_926 : vector<1x16xi32> to vector<16xi32>
    %swap3A_928 = vector.shape_cast %select_n3A_922 : vector<16xi32> to vector<1x16xi32>
    tpu.vector_store %arg6[%swap3A_924, %swap3A_925], %swap3A_928 {strides = array<i32>} : memref<4x128xi32, #tpu.memory_space<vmem>>, vector<1x16xi32>,
    %get3A_929 = arith.constant 3 : i32
    %get3A_930 = arith.index_cast %get3A_929 : i32 to index
    %get3A_931 = arith.constant 112 : index
    %get3A_932 = tpu.vector_load %arg5[%get3A_930, %get3A_931] {strides = array<i32>} : memref<4x128xi32, #tpu.memory_space<vmem>>, vector<1x16xi32>,
    %get3A_933 = vector.shape_cast %get3A_932 : vector<1x16xi32> to vector<16xi32>
    %mul3A_934 = arith.constant 512 : i32
    %mul3A_935 = arith.muli %add3A, %mul3A_934 : i32
    %add3A_936 = arith.constant 384 : i32
    %add3A_937 = arith.addi %mul3A_935, %add3A_936 : i32
    %add3A_938 = arith.constant 112 : i32
    %add3A_939 = arith.addi %add3A_937, %add3A_938 : i32
    %iota3A_940 = tpu.iota {dimensions = array<i32: 0>} : vector<16xi32>
    %add3A_941 = vector.broadcast %add3A_939 : i32 to vector<16xi32>
    %add3A_942 = arith.addi %add3A_941, %iota3A_940 : vector<16xi32>
    %lt3A_943 = arith.constant 4096 : i32
    %lt3A_944 = vector.broadcast %lt3A_943 : i32 to vector<16xi32>
    %lt3A_945 = arith.cmpi slt, %get3A_933, %lt3A_944 : vector<16xi32>
    %and3A_946 = arith.constant 7 : i32
    %and3A_947 = vector.broadcast %and3A_946 : i32 to vector<16xi32>
    %and3A_948 = arith.andi %add3A_942, %and3A_947 : vector<16xi32>
    %add3A_949 = arith.constant 4096 : i32
    %add3A_950 = vector.broadcast %add3A_949 : i32 to vector<16xi32>
    %add3A_951 = arith.addi %add3A_950, %and3A_948 : vector<16xi32>
    %select_n3A_952 = arith.select %lt3A_945, %get3A_933, %add3A_951 : vector<16xi1>, vector<16xi32>
    %swap3A_953 = arith.constant 3 : i32
    %swap3A_954 = arith.index_cast %swap3A_953 : i32 to index
    %swap3A_955 = arith.constant 112 : index
    %swap3A_956 = tpu.vector_load %arg6[%swap3A_954, %swap3A_955] {strides = array<i32>} : memref<4x128xi32, #tpu.memory_space<vmem>>, vector<1x16xi32>,
    %swap3A_957 = vector.shape_cast %swap3A_956 : vector<1x16xi32> to vector<16xi32>
    %swap3A_958 = vector.shape_cast %select_n3A_952 : vector<16xi32> to vector<1x16xi32>
    tpu.vector_store %arg6[%swap3A_954, %swap3A_955], %swap3A_958 {strides = array<i32>} : memref<4x128xi32, #tpu.memory_space<vmem>>, vector<1x16xi32>,
    %dma_start3A = arith.constant 0 : i32
    %dma_start3A_959 = arith.constant 0 : i32
    %dma_start3A_960 = arith.constant 0 : i32
    %dma_start3A_961 = tpu.memref_slice %arg7[%dma_start3A_959, %dma_start3A_960] : memref<512x128xf32, #tpu.memory_space<vmem>> -> memref<128x128xf32, #tpu.memory_space<vmem>>
    %dma_start3A_962 = arith.constant 0 : i32
    %dma_start3A_963 = tpu.memref_slice %arg6[%dma_start3A, %dma_start3A_962] : memref<4x128xi32, #tpu.memory_space<vmem>> -> memref<1x128xi32, #tpu.memory_space<vmem>>
    %dma_start3A_964 = tpu.memref_squeeze %dma_start3A_963 : memref<1x128xi32, #tpu.memory_space<vmem>> -> memref<128xi32, #tpu.memory_space<vmem>>
    %dma_start3A_965 = arith.constant 0 : i32
    %dma_start3A_966 = arith.constant 0 : i32
    %dma_start3A_967 = tpu.memref_slice %arg4[%dma_start3A_965, %dma_start3A_966] : memref<4104x128xf32, #tpu.memory_space<hbm>> -> memref<4104x128xf32, #tpu.memory_space<hbm>>
    tpu.enqueue_indirect_dma source(%dma_start3A_961 : memref<128x128xf32, #tpu.memory_space<vmem>>) target(%dma_start3A_967 : memref<4104x128xf32, #tpu.memory_space<hbm>>) offsets(%dma_start3A_964 : memref<128xi32, #tpu.memory_space<vmem>>) semaphore(%arg8 : memref<!tpu.dma_semaphore, #tpu.memory_space<semaphore_mem>>)
    %dma_start3A_968 = arith.constant 1 : i32
    %dma_start3A_969 = arith.constant 128 : i32
    %dma_start3A_970 = arith.constant 0 : i32
    %dma_start3A_971 = tpu.memref_slice %arg7[%dma_start3A_969, %dma_start3A_970] : memref<512x128xf32, #tpu.memory_space<vmem>> -> memref<128x128xf32, #tpu.memory_space<vmem>>
    %dma_start3A_972 = arith.constant 0 : i32
    %dma_start3A_973 = tpu.memref_slice %arg6[%dma_start3A_968, %dma_start3A_972] : memref<4x128xi32, #tpu.memory_space<vmem>> -> memref<1x128xi32, #tpu.memory_space<vmem>>
    %dma_start3A_974 = tpu.memref_squeeze %dma_start3A_973 : memref<1x128xi32, #tpu.memory_space<vmem>> -> memref<128xi32, #tpu.memory_space<vmem>>
    %dma_start3A_975 = arith.constant 0 : i32
    %dma_start3A_976 = arith.constant 0 : i32
    %dma_start3A_977 = tpu.memref_slice %arg4[%dma_start3A_975, %dma_start3A_976] : memref<4104x128xf32, #tpu.memory_space<hbm>> -> memref<4104x128xf32, #tpu.memory_space<hbm>>
    tpu.enqueue_indirect_dma source(%dma_start3A_971 : memref<128x128xf32, #tpu.memory_space<vmem>>) target(%dma_start3A_977 : memref<4104x128xf32, #tpu.memory_space<hbm>>) offsets(%dma_start3A_974 : memref<128xi32, #tpu.memory_space<vmem>>) semaphore(%arg8 : memref<!tpu.dma_semaphore, #tpu.memory_space<semaphore_mem>>)
    %dma_start3A_978 = arith.constant 2 : i32
    %dma_start3A_979 = arith.constant 256 : i32
    %dma_start3A_980 = arith.constant 0 : i32
    %dma_start3A_981 = tpu.memref_slice %arg7[%dma_start3A_979, %dma_start3A_980] : memref<512x128xf32, #tpu.memory_space<vmem>> -> memref<128x128xf32, #tpu.memory_space<vmem>>
    %dma_start3A_982 = arith.constant 0 : i32
    %dma_start3A_983 = tpu.memref_slice %arg6[%dma_start3A_978, %dma_start3A_982] : memref<4x128xi32, #tpu.memory_space<vmem>> -> memref<1x128xi32, #tpu.memory_space<vmem>>
    %dma_start3A_984 = tpu.memref_squeeze %dma_start3A_983 : memref<1x128xi32, #tpu.memory_space<vmem>> -> memref<128xi32, #tpu.memory_space<vmem>>
    %dma_start3A_985 = arith.constant 0 : i32
    %dma_start3A_986 = arith.constant 0 : i32
    %dma_start3A_987 = tpu.memref_slice %arg4[%dma_start3A_985, %dma_start3A_986] : memref<4104x128xf32, #tpu.memory_space<hbm>> -> memref<4104x128xf32, #tpu.memory_space<hbm>>
    tpu.enqueue_indirect_dma source(%dma_start3A_981 : memref<128x128xf32, #tpu.memory_space<vmem>>) target(%dma_start3A_987 : memref<4104x128xf32, #tpu.memory_space<hbm>>) offsets(%dma_start3A_984 : memref<128xi32, #tpu.memory_space<vmem>>) semaphore(%arg8 : memref<!tpu.dma_semaphore, #tpu.memory_space<semaphore_mem>>)
    %dma_start3A_988 = arith.constant 3 : i32
    %dma_start3A_989 = arith.constant 384 : i32
    %dma_start3A_990 = arith.constant 0 : i32
    %dma_start3A_991 = tpu.memref_slice %arg7[%dma_start3A_989, %dma_start3A_990] : memref<512x128xf32, #tpu.memory_space<vmem>> -> memref<128x128xf32, #tpu.memory_space<vmem>>
    %dma_start3A_992 = arith.constant 0 : i32
    %dma_start3A_993 = tpu.memref_slice %arg6[%dma_start3A_988, %dma_start3A_992] : memref<4x128xi32, #tpu.memory_space<vmem>> -> memref<1x128xi32, #tpu.memory_space<vmem>>
    %dma_start3A_994 = tpu.memref_squeeze %dma_start3A_993 : memref<1x128xi32, #tpu.memory_space<vmem>> -> memref<128xi32, #tpu.memory_space<vmem>>
    %dma_start3A_995 = arith.constant 0 : i32
    %dma_start3A_996 = arith.constant 0 : i32
    %dma_start3A_997 = tpu.memref_slice %arg4[%dma_start3A_995, %dma_start3A_996] : memref<4104x128xf32, #tpu.memory_space<hbm>> -> memref<4104x128xf32, #tpu.memory_space<hbm>>
    tpu.enqueue_indirect_dma source(%dma_start3A_991 : memref<128x128xf32, #tpu.memory_space<vmem>>) target(%dma_start3A_997 : memref<4104x128xf32, #tpu.memory_space<hbm>>) offsets(%dma_start3A_994 : memref<128xi32, #tpu.memory_space<vmem>>) semaphore(%arg8 : memref<!tpu.dma_semaphore, #tpu.memory_space<semaphore_mem>>)
    %dma_wait3A = arith.constant 0 : i32
    %dma_wait3A_998 = arith.constant 0 : i32
    %dma_wait3A_999 = arith.constant 0 : i32
    %dma_wait3A_1000 = tpu.memref_slice %arg7[%dma_wait3A_998, %dma_wait3A_999] : memref<512x128xf32, #tpu.memory_space<vmem>> -> memref<128x128xf32, #tpu.memory_space<vmem>>
    %dma_wait3A_1001 = arith.constant 0 : i32
    %dma_wait3A_1002 = tpu.memref_slice %arg6[%dma_wait3A, %dma_wait3A_1001] : memref<4x128xi32, #tpu.memory_space<vmem>> -> memref<1x128xi32, #tpu.memory_space<vmem>>
    %dma_wait3A_1003 = tpu.memref_squeeze %dma_wait3A_1002 : memref<1x128xi32, #tpu.memory_space<vmem>> -> memref<128xi32, #tpu.memory_space<vmem>>
    %dma_wait3A_1004 = arith.constant 0 : i32
    %dma_wait3A_1005 = arith.constant 0 : i32
    %dma_wait3A_1006 = tpu.memref_slice %arg4[%dma_wait3A_1004, %dma_wait3A_1005] : memref<4104x128xf32, #tpu.memory_space<hbm>> -> memref<4104x128xf32, #tpu.memory_space<hbm>>
    tpu.wait_indirect_dma semaphore(%arg8 : memref<!tpu.dma_semaphore, #tpu.memory_space<semaphore_mem>>) src(%dma_wait3A_1000 : memref<128x128xf32, #tpu.memory_space<vmem>>) dst(%dma_wait3A_1006 : memref<4104x128xf32, #tpu.memory_space<hbm>>)
    %dma_wait3A_1007 = arith.constant 1 : i32
    %dma_wait3A_1008 = arith.constant 128 : i32
    %dma_wait3A_1009 = arith.constant 0 : i32
    %dma_wait3A_1010 = tpu.memref_slice %arg7[%dma_wait3A_1008, %dma_wait3A_1009] : memref<512x128xf32, #tpu.memory_space<vmem>> -> memref<128x128xf32, #tpu.memory_space<vmem>>
    %dma_wait3A_1011 = arith.constant 0 : i32
    %dma_wait3A_1012 = tpu.memref_slice %arg6[%dma_wait3A_1007, %dma_wait3A_1011] : memref<4x128xi32, #tpu.memory_space<vmem>> -> memref<1x128xi32, #tpu.memory_space<vmem>>
    %dma_wait3A_1013 = tpu.memref_squeeze %dma_wait3A_1012 : memref<1x128xi32, #tpu.memory_space<vmem>> -> memref<128xi32, #tpu.memory_space<vmem>>
    %dma_wait3A_1014 = arith.constant 0 : i32
    %dma_wait3A_1015 = arith.constant 0 : i32
    %dma_wait3A_1016 = tpu.memref_slice %arg4[%dma_wait3A_1014, %dma_wait3A_1015] : memref<4104x128xf32, #tpu.memory_space<hbm>> -> memref<4104x128xf32, #tpu.memory_space<hbm>>
    tpu.wait_indirect_dma semaphore(%arg8 : memref<!tpu.dma_semaphore, #tpu.memory_space<semaphore_mem>>) src(%dma_wait3A_1010 : memref<128x128xf32, #tpu.memory_space<vmem>>) dst(%dma_wait3A_1016 : memref<4104x128xf32, #tpu.memory_space<hbm>>)
    %dma_wait3A_1017 = arith.constant 2 : i32
    %dma_wait3A_1018 = arith.constant 256 : i32
    %dma_wait3A_1019 = arith.constant 0 : i32
    %dma_wait3A_1020 = tpu.memref_slice %arg7[%dma_wait3A_1018, %dma_wait3A_1019] : memref<512x128xf32, #tpu.memory_space<vmem>> -> memref<128x128xf32, #tpu.memory_space<vmem>>
    %dma_wait3A_1021 = arith.constant 0 : i32
    %dma_wait3A_1022 = tpu.memref_slice %arg6[%dma_wait3A_1017, %dma_wait3A_1021] : memref<4x128xi32, #tpu.memory_space<vmem>> -> memref<1x128xi32, #tpu.memory_space<vmem>>
    %dma_wait3A_1023 = tpu.memref_squeeze %dma_wait3A_1022 : memref<1x128xi32, #tpu.memory_space<vmem>> -> memref<128xi32, #tpu.memory_space<vmem>>
    %dma_wait3A_1024 = arith.constant 0 : i32
    %dma_wait3A_1025 = arith.constant 0 : i32
    %dma_wait3A_1026 = tpu.memref_slice %arg4[%dma_wait3A_1024, %dma_wait3A_1025] : memref<4104x128xf32, #tpu.memory_space<hbm>> -> memref<4104x128xf32, #tpu.memory_space<hbm>>
    tpu.wait_indirect_dma semaphore(%arg8 : memref<!tpu.dma_semaphore, #tpu.memory_space<semaphore_mem>>) src(%dma_wait3A_1020 : memref<128x128xf32, #tpu.memory_space<vmem>>) dst(%dma_wait3A_1026 : memref<4104x128xf32, #tpu.memory_space<hbm>>)
    %dma_wait3A_1027 = arith.constant 3 : i32
    %dma_wait3A_1028 = arith.constant 384 : i32
    %dma_wait3A_1029 = arith.constant 0 : i32
    %dma_wait3A_1030 = tpu.memref_slice %arg7[%dma_wait3A_1028, %dma_wait3A_1029] : memref<512x128xf32, #tpu.memory_space<vmem>> -> memref<128x128xf32, #tpu.memory_space<vmem>>
    %dma_wait3A_1031 = arith.constant 0 : i32
    %dma_wait3A_1032 = tpu.memref_slice %arg6[%dma_wait3A_1027, %dma_wait3A_1031] : memref<4x128xi32, #tpu.memory_space<vmem>> -> memref<1x128xi32, #tpu.memory_space<vmem>>
    %dma_wait3A_1033 = tpu.memref_squeeze %dma_wait3A_1032 : memref<1x128xi32, #tpu.memory_space<vmem>> -> memref<128xi32, #tpu.memory_space<vmem>>
    %dma_wait3A_1034 = arith.constant 0 : i32
    %dma_wait3A_1035 = arith.constant 0 : i32
    %dma_wait3A_1036 = tpu.memref_slice %arg4[%dma_wait3A_1034, %dma_wait3A_1035] : memref<4104x128xf32, #tpu.memory_space<hbm>> -> memref<4104x128xf32, #tpu.memory_space<hbm>>
    tpu.wait_indirect_dma semaphore(%arg8 : memref<!tpu.dma_semaphore, #tpu.memory_space<semaphore_mem>>) src(%dma_wait3A_1030 : memref<128x128xf32, #tpu.memory_space<vmem>>) dst(%dma_wait3A_1036 : memref<4104x128xf32, #tpu.memory_space<hbm>>)
    return
  }
}

#map = affine_map<(d0, d1) -> (0, 0)>
module attributes {stable_mosaic.version = 14 : i64} {
  func.func @k(%arg0: i32, %arg1: i32, %arg2: memref<16384x128xf32, #tpu.memory_space<hbm>>, %arg3: memref<512x128xi32, #tpu.memory_space<hbm>>, %arg4: memref<65536x128xf32, #tpu.memory_space<hbm>>, %arg5: memref<16x128xi32, #tpu.memory_space<vmem>>, %arg6: memref<128x128xf32, #tpu.memory_space<vmem>>, %arg7: memref<128x128xf32, #tpu.memory_space<vmem>>, %arg8: memref<128x128xf32, #tpu.memory_space<vmem>>, %arg9: memref<128x128xf32, #tpu.memory_space<vmem>>, %arg10: memref<!tpu.dma_semaphore, #tpu.memory_space<semaphore_mem>>, %arg11: memref<!tpu.dma_semaphore, #tpu.memory_space<semaphore_mem>>, %arg12: memref<!tpu.dma_semaphore, #tpu.memory_space<semaphore_mem>>, %arg13: memref<!tpu.dma_semaphore, #tpu.memory_space<semaphore_mem>>) attributes {dimension_semantics = [#tpu.dimension_semantics<core_parallel>, #tpu.dimension_semantics<subcore_parallel>], iteration_bounds = array<i64: 2, 16>, scalar_prefetch = 0 : i64, scratch_operands = 9 : i64, tpu.core_type = #tpu.core_type<sc_vector_subcore>, window_params = [{transform_indices = #map}, {transform_indices = #map}, {transform_indices = #map}]} {
    %mul3A = arith.constant 2 : i32
    %mul3A_0 = arith.muli %arg1, %mul3A : i32
    %add3A = arith.addi %mul3A_0, %arg0 : i32
    %mul3A_1 = arith.constant 16 : i32
    %mul3A_2 = arith.muli %add3A, %mul3A_1 : i32
    "tpu.region"() ({
      %run_scoped3A = tpu.sem_alloc : memref<!tpu.dma_semaphore, #tpu.memory_space<semaphore_mem>>
      %dma_start3A_289 = arith.constant 0 : i32
      %dma_start3A_290 = tpu.memref_slice %arg3[%mul3A_2, %dma_start3A_289] : memref<512x128xi32, #tpu.memory_space<hbm>> -> memref<16x128xi32, #tpu.memory_space<hbm>>
      %dma_start3A_291 = arith.constant 0 : i32
      %dma_start3A_292 = tpu.memref_slice %arg3[%mul3A_2, %dma_start3A_291] : memref<512x128xi32, #tpu.memory_space<hbm>> -> memref<16x128xi32, #tpu.memory_space<hbm>>
      tpu.enqueue_dma source(%dma_start3A_292 : memref<16x128xi32, #tpu.memory_space<hbm>>) target(%arg5 : memref<16x128xi32, #tpu.memory_space<vmem>>) target_semaphore(%run_scoped3A : memref<!tpu.dma_semaphore, #tpu.memory_space<semaphore_mem>>)
      %dma_wait3A_293 = arith.constant 0 : i32
      %dma_wait3A_294 = tpu.memref_slice %arg3[%mul3A_2, %dma_wait3A_293] : memref<512x128xi32, #tpu.memory_space<hbm>> -> memref<16x128xi32, #tpu.memory_space<hbm>>
      %dma_wait3A_295 = arith.constant 0 : i32
      %dma_wait3A_296 = tpu.memref_slice %arg3[%mul3A_2, %dma_wait3A_295] : memref<512x128xi32, #tpu.memory_space<hbm>> -> memref<16x128xi32, #tpu.memory_space<hbm>>
      tpu.wait_dma2 semaphore(%run_scoped3A : memref<!tpu.dma_semaphore, #tpu.memory_space<semaphore_mem>>) src(%dma_wait3A_296 : memref<16x128xi32, #tpu.memory_space<hbm>>) dst(%arg5 : memref<16x128xi32, #tpu.memory_space<vmem>>)
      tpu.yield
    }) : () -> ()
    %dma_start3A = arith.constant 0 : i32
    %dma_start3A_3 = arith.constant 0 : i32
    %dma_start3A_4 = tpu.memref_slice %arg5[%dma_start3A, %dma_start3A_3] : memref<16x128xi32, #tpu.memory_space<vmem>> -> memref<1x128xi32, #tpu.memory_space<vmem>>
    %dma_start3A_5 = tpu.memref_squeeze %dma_start3A_4 : memref<1x128xi32, #tpu.memory_space<vmem>> -> memref<128xi32, #tpu.memory_space<vmem>>
    %dma_start3A_6 = arith.constant 0 : i32
    %dma_start3A_7 = arith.constant 0 : i32
    %dma_start3A_8 = tpu.memref_slice %arg2[%dma_start3A_6, %dma_start3A_7] : memref<16384x128xf32, #tpu.memory_space<hbm>> -> memref<16384x128xf32, #tpu.memory_space<hbm>>
    tpu.enqueue_indirect_dma source(%dma_start3A_8 : memref<16384x128xf32, #tpu.memory_space<hbm>>) target(%arg6 : memref<128x128xf32, #tpu.memory_space<vmem>>) offsets(%dma_start3A_5 : memref<128xi32, #tpu.memory_space<vmem>>) semaphore(%arg10 : memref<!tpu.dma_semaphore, #tpu.memory_space<semaphore_mem>>)
    %dma_start3A_9 = arith.constant 1 : i32
    %dma_start3A_10 = arith.constant 0 : i32
    %dma_start3A_11 = tpu.memref_slice %arg5[%dma_start3A_9, %dma_start3A_10] : memref<16x128xi32, #tpu.memory_space<vmem>> -> memref<1x128xi32, #tpu.memory_space<vmem>>
    %dma_start3A_12 = tpu.memref_squeeze %dma_start3A_11 : memref<1x128xi32, #tpu.memory_space<vmem>> -> memref<128xi32, #tpu.memory_space<vmem>>
    %dma_start3A_13 = arith.constant 0 : i32
    %dma_start3A_14 = arith.constant 0 : i32
    %dma_start3A_15 = tpu.memref_slice %arg2[%dma_start3A_13, %dma_start3A_14] : memref<16384x128xf32, #tpu.memory_space<hbm>> -> memref<16384x128xf32, #tpu.memory_space<hbm>>
    tpu.enqueue_indirect_dma source(%dma_start3A_15 : memref<16384x128xf32, #tpu.memory_space<hbm>>) target(%arg7 : memref<128x128xf32, #tpu.memory_space<vmem>>) offsets(%dma_start3A_12 : memref<128xi32, #tpu.memory_space<vmem>>) semaphore(%arg11 : memref<!tpu.dma_semaphore, #tpu.memory_space<semaphore_mem>>)
    %dma_start3A_16 = arith.constant 2 : i32
    %dma_start3A_17 = arith.constant 0 : i32
    %dma_start3A_18 = tpu.memref_slice %arg5[%dma_start3A_16, %dma_start3A_17] : memref<16x128xi32, #tpu.memory_space<vmem>> -> memref<1x128xi32, #tpu.memory_space<vmem>>
    %dma_start3A_19 = tpu.memref_squeeze %dma_start3A_18 : memref<1x128xi32, #tpu.memory_space<vmem>> -> memref<128xi32, #tpu.memory_space<vmem>>
    %dma_start3A_20 = arith.constant 0 : i32
    %dma_start3A_21 = arith.constant 0 : i32
    %dma_start3A_22 = tpu.memref_slice %arg2[%dma_start3A_20, %dma_start3A_21] : memref<16384x128xf32, #tpu.memory_space<hbm>> -> memref<16384x128xf32, #tpu.memory_space<hbm>>
    tpu.enqueue_indirect_dma source(%dma_start3A_22 : memref<16384x128xf32, #tpu.memory_space<hbm>>) target(%arg8 : memref<128x128xf32, #tpu.memory_space<vmem>>) offsets(%dma_start3A_19 : memref<128xi32, #tpu.memory_space<vmem>>) semaphore(%arg12 : memref<!tpu.dma_semaphore, #tpu.memory_space<semaphore_mem>>)
    %dma_start3A_23 = arith.constant 3 : i32
    %dma_start3A_24 = arith.constant 0 : i32
    %dma_start3A_25 = tpu.memref_slice %arg5[%dma_start3A_23, %dma_start3A_24] : memref<16x128xi32, #tpu.memory_space<vmem>> -> memref<1x128xi32, #tpu.memory_space<vmem>>
    %dma_start3A_26 = tpu.memref_squeeze %dma_start3A_25 : memref<1x128xi32, #tpu.memory_space<vmem>> -> memref<128xi32, #tpu.memory_space<vmem>>
    %dma_start3A_27 = arith.constant 0 : i32
    %dma_start3A_28 = arith.constant 0 : i32
    %dma_start3A_29 = tpu.memref_slice %arg2[%dma_start3A_27, %dma_start3A_28] : memref<16384x128xf32, #tpu.memory_space<hbm>> -> memref<16384x128xf32, #tpu.memory_space<hbm>>
    tpu.enqueue_indirect_dma source(%dma_start3A_29 : memref<16384x128xf32, #tpu.memory_space<hbm>>) target(%arg9 : memref<128x128xf32, #tpu.memory_space<vmem>>) offsets(%dma_start3A_26 : memref<128xi32, #tpu.memory_space<vmem>>) semaphore(%arg13 : memref<!tpu.dma_semaphore, #tpu.memory_space<semaphore_mem>>)
    %dma_wait3A = arith.constant 0 : i32
    %dma_wait3A_30 = arith.constant 0 : i32
    %dma_wait3A_31 = tpu.memref_slice %arg5[%dma_wait3A, %dma_wait3A_30] : memref<16x128xi32, #tpu.memory_space<vmem>> -> memref<1x128xi32, #tpu.memory_space<vmem>>
    %dma_wait3A_32 = tpu.memref_squeeze %dma_wait3A_31 : memref<1x128xi32, #tpu.memory_space<vmem>> -> memref<128xi32, #tpu.memory_space<vmem>>
    %dma_wait3A_33 = arith.constant 0 : i32
    %dma_wait3A_34 = arith.constant 0 : i32
    %dma_wait3A_35 = tpu.memref_slice %arg2[%dma_wait3A_33, %dma_wait3A_34] : memref<16384x128xf32, #tpu.memory_space<hbm>> -> memref<16384x128xf32, #tpu.memory_space<hbm>>
    tpu.wait_indirect_dma semaphore(%arg10 : memref<!tpu.dma_semaphore, #tpu.memory_space<semaphore_mem>>) src(%dma_wait3A_35 : memref<16384x128xf32, #tpu.memory_space<hbm>>) dst(%arg6 : memref<128x128xf32, #tpu.memory_space<vmem>>)
    %mul3A_36 = arith.constant 2048 : i32
    %mul3A_37 = arith.muli %add3A, %mul3A_36 : i32
    %add3A_38 = arith.constant 0 : i32
    %add3A_39 = arith.addi %mul3A_37, %add3A_38 : i32
    "tpu.region"() ({
      %run_scoped3A = tpu.sem_alloc : memref<!tpu.dma_semaphore, #tpu.memory_space<semaphore_mem>>
      %dma_start3A_289 = arith.constant 0 : i32
      %dma_start3A_290 = tpu.memref_slice %arg4[%add3A_39, %dma_start3A_289] : memref<65536x128xf32, #tpu.memory_space<hbm>> -> memref<128x128xf32, #tpu.memory_space<hbm>>
      %dma_start3A_291 = arith.constant 0 : i32
      %dma_start3A_292 = tpu.memref_slice %arg4[%add3A_39, %dma_start3A_291] : memref<65536x128xf32, #tpu.memory_space<hbm>> -> memref<128x128xf32, #tpu.memory_space<hbm>>
      tpu.enqueue_dma source(%arg6 : memref<128x128xf32, #tpu.memory_space<vmem>>) target(%dma_start3A_292 : memref<128x128xf32, #tpu.memory_space<hbm>>) target_semaphore(%run_scoped3A : memref<!tpu.dma_semaphore, #tpu.memory_space<semaphore_mem>>)
      %dma_wait3A_293 = arith.constant 0 : i32
      %dma_wait3A_294 = tpu.memref_slice %arg4[%add3A_39, %dma_wait3A_293] : memref<65536x128xf32, #tpu.memory_space<hbm>> -> memref<128x128xf32, #tpu.memory_space<hbm>>
      %dma_wait3A_295 = arith.constant 0 : i32
      %dma_wait3A_296 = tpu.memref_slice %arg4[%add3A_39, %dma_wait3A_295] : memref<65536x128xf32, #tpu.memory_space<hbm>> -> memref<128x128xf32, #tpu.memory_space<hbm>>
      tpu.wait_dma2 semaphore(%run_scoped3A : memref<!tpu.dma_semaphore, #tpu.memory_space<semaphore_mem>>) src(%arg6 : memref<128x128xf32, #tpu.memory_space<vmem>>) dst(%dma_wait3A_296 : memref<128x128xf32, #tpu.memory_space<hbm>>)
      tpu.yield
    }) : () -> ()
    %dma_start3A_40 = arith.constant 4 : i32
    %dma_start3A_41 = arith.constant 0 : i32
    %dma_start3A_42 = tpu.memref_slice %arg5[%dma_start3A_40, %dma_start3A_41] : memref<16x128xi32, #tpu.memory_space<vmem>> -> memref<1x128xi32, #tpu.memory_space<vmem>>
    %dma_start3A_43 = tpu.memref_squeeze %dma_start3A_42 : memref<1x128xi32, #tpu.memory_space<vmem>> -> memref<128xi32, #tpu.memory_space<vmem>>
    %dma_start3A_44 = arith.constant 0 : i32
    %dma_start3A_45 = arith.constant 0 : i32
    %dma_start3A_46 = tpu.memref_slice %arg2[%dma_start3A_44, %dma_start3A_45] : memref<16384x128xf32, #tpu.memory_space<hbm>> -> memref<16384x128xf32, #tpu.memory_space<hbm>>
    tpu.enqueue_indirect_dma source(%dma_start3A_46 : memref<16384x128xf32, #tpu.memory_space<hbm>>) target(%arg6 : memref<128x128xf32, #tpu.memory_space<vmem>>) offsets(%dma_start3A_43 : memref<128xi32, #tpu.memory_space<vmem>>) semaphore(%arg10 : memref<!tpu.dma_semaphore, #tpu.memory_space<semaphore_mem>>)
    %dma_wait3A_47 = arith.constant 1 : i32
    %dma_wait3A_48 = arith.constant 0 : i32
    %dma_wait3A_49 = tpu.memref_slice %arg5[%dma_wait3A_47, %dma_wait3A_48] : memref<16x128xi32, #tpu.memory_space<vmem>> -> memref<1x128xi32, #tpu.memory_space<vmem>>
    %dma_wait3A_50 = tpu.memref_squeeze %dma_wait3A_49 : memref<1x128xi32, #tpu.memory_space<vmem>> -> memref<128xi32, #tpu.memory_space<vmem>>
    %dma_wait3A_51 = arith.constant 0 : i32
    %dma_wait3A_52 = arith.constant 0 : i32
    %dma_wait3A_53 = tpu.memref_slice %arg2[%dma_wait3A_51, %dma_wait3A_52] : memref<16384x128xf32, #tpu.memory_space<hbm>> -> memref<16384x128xf32, #tpu.memory_space<hbm>>
    tpu.wait_indirect_dma semaphore(%arg11 : memref<!tpu.dma_semaphore, #tpu.memory_space<semaphore_mem>>) src(%dma_wait3A_53 : memref<16384x128xf32, #tpu.memory_space<hbm>>) dst(%arg7 : memref<128x128xf32, #tpu.memory_space<vmem>>)
    %mul3A_54 = arith.constant 2048 : i32
    %mul3A_55 = arith.muli %add3A, %mul3A_54 : i32
    %add3A_56 = arith.constant 128 : i32
    %add3A_57 = arith.addi %mul3A_55, %add3A_56 : i32
    "tpu.region"() ({
      %run_scoped3A = tpu.sem_alloc : memref<!tpu.dma_semaphore, #tpu.memory_space<semaphore_mem>>
      %dma_start3A_289 = arith.constant 0 : i32
      %dma_start3A_290 = tpu.memref_slice %arg4[%add3A_57, %dma_start3A_289] : memref<65536x128xf32, #tpu.memory_space<hbm>> -> memref<128x128xf32, #tpu.memory_space<hbm>>
      %dma_start3A_291 = arith.constant 0 : i32
      %dma_start3A_292 = tpu.memref_slice %arg4[%add3A_57, %dma_start3A_291] : memref<65536x128xf32, #tpu.memory_space<hbm>> -> memref<128x128xf32, #tpu.memory_space<hbm>>
      tpu.enqueue_dma source(%arg7 : memref<128x128xf32, #tpu.memory_space<vmem>>) target(%dma_start3A_292 : memref<128x128xf32, #tpu.memory_space<hbm>>) target_semaphore(%run_scoped3A : memref<!tpu.dma_semaphore, #tpu.memory_space<semaphore_mem>>)
      %dma_wait3A_293 = arith.constant 0 : i32
      %dma_wait3A_294 = tpu.memref_slice %arg4[%add3A_57, %dma_wait3A_293] : memref<65536x128xf32, #tpu.memory_space<hbm>> -> memref<128x128xf32, #tpu.memory_space<hbm>>
      %dma_wait3A_295 = arith.constant 0 : i32
      %dma_wait3A_296 = tpu.memref_slice %arg4[%add3A_57, %dma_wait3A_295] : memref<65536x128xf32, #tpu.memory_space<hbm>> -> memref<128x128xf32, #tpu.memory_space<hbm>>
      tpu.wait_dma2 semaphore(%run_scoped3A : memref<!tpu.dma_semaphore, #tpu.memory_space<semaphore_mem>>) src(%arg7 : memref<128x128xf32, #tpu.memory_space<vmem>>) dst(%dma_wait3A_296 : memref<128x128xf32, #tpu.memory_space<hbm>>)
      tpu.yield
    }) : () -> ()
    %dma_start3A_58 = arith.constant 5 : i32
    %dma_start3A_59 = arith.constant 0 : i32
    %dma_start3A_60 = tpu.memref_slice %arg5[%dma_start3A_58, %dma_start3A_59] : memref<16x128xi32, #tpu.memory_space<vmem>> -> memref<1x128xi32, #tpu.memory_space<vmem>>
    %dma_start3A_61 = tpu.memref_squeeze %dma_start3A_60 : memref<1x128xi32, #tpu.memory_space<vmem>> -> memref<128xi32, #tpu.memory_space<vmem>>
    %dma_start3A_62 = arith.constant 0 : i32
    %dma_start3A_63 = arith.constant 0 : i32
    %dma_start3A_64 = tpu.memref_slice %arg2[%dma_start3A_62, %dma_start3A_63] : memref<16384x128xf32, #tpu.memory_space<hbm>> -> memref<16384x128xf32, #tpu.memory_space<hbm>>
    tpu.enqueue_indirect_dma source(%dma_start3A_64 : memref<16384x128xf32, #tpu.memory_space<hbm>>) target(%arg7 : memref<128x128xf32, #tpu.memory_space<vmem>>) offsets(%dma_start3A_61 : memref<128xi32, #tpu.memory_space<vmem>>) semaphore(%arg11 : memref<!tpu.dma_semaphore, #tpu.memory_space<semaphore_mem>>)
    %dma_wait3A_65 = arith.constant 2 : i32
    %dma_wait3A_66 = arith.constant 0 : i32
    %dma_wait3A_67 = tpu.memref_slice %arg5[%dma_wait3A_65, %dma_wait3A_66] : memref<16x128xi32, #tpu.memory_space<vmem>> -> memref<1x128xi32, #tpu.memory_space<vmem>>
    %dma_wait3A_68 = tpu.memref_squeeze %dma_wait3A_67 : memref<1x128xi32, #tpu.memory_space<vmem>> -> memref<128xi32, #tpu.memory_space<vmem>>
    %dma_wait3A_69 = arith.constant 0 : i32
    %dma_wait3A_70 = arith.constant 0 : i32
    %dma_wait3A_71 = tpu.memref_slice %arg2[%dma_wait3A_69, %dma_wait3A_70] : memref<16384x128xf32, #tpu.memory_space<hbm>> -> memref<16384x128xf32, #tpu.memory_space<hbm>>
    tpu.wait_indirect_dma semaphore(%arg12 : memref<!tpu.dma_semaphore, #tpu.memory_space<semaphore_mem>>) src(%dma_wait3A_71 : memref<16384x128xf32, #tpu.memory_space<hbm>>) dst(%arg8 : memref<128x128xf32, #tpu.memory_space<vmem>>)
    %mul3A_72 = arith.constant 2048 : i32
    %mul3A_73 = arith.muli %add3A, %mul3A_72 : i32
    %add3A_74 = arith.constant 256 : i32
    %add3A_75 = arith.addi %mul3A_73, %add3A_74 : i32
    "tpu.region"() ({
      %run_scoped3A = tpu.sem_alloc : memref<!tpu.dma_semaphore, #tpu.memory_space<semaphore_mem>>
      %dma_start3A_289 = arith.constant 0 : i32
      %dma_start3A_290 = tpu.memref_slice %arg4[%add3A_75, %dma_start3A_289] : memref<65536x128xf32, #tpu.memory_space<hbm>> -> memref<128x128xf32, #tpu.memory_space<hbm>>
      %dma_start3A_291 = arith.constant 0 : i32
      %dma_start3A_292 = tpu.memref_slice %arg4[%add3A_75, %dma_start3A_291] : memref<65536x128xf32, #tpu.memory_space<hbm>> -> memref<128x128xf32, #tpu.memory_space<hbm>>
      tpu.enqueue_dma source(%arg8 : memref<128x128xf32, #tpu.memory_space<vmem>>) target(%dma_start3A_292 : memref<128x128xf32, #tpu.memory_space<hbm>>) target_semaphore(%run_scoped3A : memref<!tpu.dma_semaphore, #tpu.memory_space<semaphore_mem>>)
      %dma_wait3A_293 = arith.constant 0 : i32
      %dma_wait3A_294 = tpu.memref_slice %arg4[%add3A_75, %dma_wait3A_293] : memref<65536x128xf32, #tpu.memory_space<hbm>> -> memref<128x128xf32, #tpu.memory_space<hbm>>
      %dma_wait3A_295 = arith.constant 0 : i32
      %dma_wait3A_296 = tpu.memref_slice %arg4[%add3A_75, %dma_wait3A_295] : memref<65536x128xf32, #tpu.memory_space<hbm>> -> memref<128x128xf32, #tpu.memory_space<hbm>>
      tpu.wait_dma2 semaphore(%run_scoped3A : memref<!tpu.dma_semaphore, #tpu.memory_space<semaphore_mem>>) src(%arg8 : memref<128x128xf32, #tpu.memory_space<vmem>>) dst(%dma_wait3A_296 : memref<128x128xf32, #tpu.memory_space<hbm>>)
      tpu.yield
    }) : () -> ()
    %dma_start3A_76 = arith.constant 6 : i32
    %dma_start3A_77 = arith.constant 0 : i32
    %dma_start3A_78 = tpu.memref_slice %arg5[%dma_start3A_76, %dma_start3A_77] : memref<16x128xi32, #tpu.memory_space<vmem>> -> memref<1x128xi32, #tpu.memory_space<vmem>>
    %dma_start3A_79 = tpu.memref_squeeze %dma_start3A_78 : memref<1x128xi32, #tpu.memory_space<vmem>> -> memref<128xi32, #tpu.memory_space<vmem>>
    %dma_start3A_80 = arith.constant 0 : i32
    %dma_start3A_81 = arith.constant 0 : i32
    %dma_start3A_82 = tpu.memref_slice %arg2[%dma_start3A_80, %dma_start3A_81] : memref<16384x128xf32, #tpu.memory_space<hbm>> -> memref<16384x128xf32, #tpu.memory_space<hbm>>
    tpu.enqueue_indirect_dma source(%dma_start3A_82 : memref<16384x128xf32, #tpu.memory_space<hbm>>) target(%arg8 : memref<128x128xf32, #tpu.memory_space<vmem>>) offsets(%dma_start3A_79 : memref<128xi32, #tpu.memory_space<vmem>>) semaphore(%arg12 : memref<!tpu.dma_semaphore, #tpu.memory_space<semaphore_mem>>)
    %dma_wait3A_83 = arith.constant 3 : i32
    %dma_wait3A_84 = arith.constant 0 : i32
    %dma_wait3A_85 = tpu.memref_slice %arg5[%dma_wait3A_83, %dma_wait3A_84] : memref<16x128xi32, #tpu.memory_space<vmem>> -> memref<1x128xi32, #tpu.memory_space<vmem>>
    %dma_wait3A_86 = tpu.memref_squeeze %dma_wait3A_85 : memref<1x128xi32, #tpu.memory_space<vmem>> -> memref<128xi32, #tpu.memory_space<vmem>>
    %dma_wait3A_87 = arith.constant 0 : i32
    %dma_wait3A_88 = arith.constant 0 : i32
    %dma_wait3A_89 = tpu.memref_slice %arg2[%dma_wait3A_87, %dma_wait3A_88] : memref<16384x128xf32, #tpu.memory_space<hbm>> -> memref<16384x128xf32, #tpu.memory_space<hbm>>
    tpu.wait_indirect_dma semaphore(%arg13 : memref<!tpu.dma_semaphore, #tpu.memory_space<semaphore_mem>>) src(%dma_wait3A_89 : memref<16384x128xf32, #tpu.memory_space<hbm>>) dst(%arg9 : memref<128x128xf32, #tpu.memory_space<vmem>>)
    %mul3A_90 = arith.constant 2048 : i32
    %mul3A_91 = arith.muli %add3A, %mul3A_90 : i32
    %add3A_92 = arith.constant 384 : i32
    %add3A_93 = arith.addi %mul3A_91, %add3A_92 : i32
    "tpu.region"() ({
      %run_scoped3A = tpu.sem_alloc : memref<!tpu.dma_semaphore, #tpu.memory_space<semaphore_mem>>
      %dma_start3A_289 = arith.constant 0 : i32
      %dma_start3A_290 = tpu.memref_slice %arg4[%add3A_93, %dma_start3A_289] : memref<65536x128xf32, #tpu.memory_space<hbm>> -> memref<128x128xf32, #tpu.memory_space<hbm>>
      %dma_start3A_291 = arith.constant 0 : i32
      %dma_start3A_292 = tpu.memref_slice %arg4[%add3A_93, %dma_start3A_291] : memref<65536x128xf32, #tpu.memory_space<hbm>> -> memref<128x128xf32, #tpu.memory_space<hbm>>
      tpu.enqueue_dma source(%arg9 : memref<128x128xf32, #tpu.memory_space<vmem>>) target(%dma_start3A_292 : memref<128x128xf32, #tpu.memory_space<hbm>>) target_semaphore(%run_scoped3A : memref<!tpu.dma_semaphore, #tpu.memory_space<semaphore_mem>>)
      %dma_wait3A_293 = arith.constant 0 : i32
      %dma_wait3A_294 = tpu.memref_slice %arg4[%add3A_93, %dma_wait3A_293] : memref<65536x128xf32, #tpu.memory_space<hbm>> -> memref<128x128xf32, #tpu.memory_space<hbm>>
      %dma_wait3A_295 = arith.constant 0 : i32
      %dma_wait3A_296 = tpu.memref_slice %arg4[%add3A_93, %dma_wait3A_295] : memref<65536x128xf32, #tpu.memory_space<hbm>> -> memref<128x128xf32, #tpu.memory_space<hbm>>
      tpu.wait_dma2 semaphore(%run_scoped3A : memref<!tpu.dma_semaphore, #tpu.memory_space<semaphore_mem>>) src(%arg9 : memref<128x128xf32, #tpu.memory_space<vmem>>) dst(%dma_wait3A_296 : memref<128x128xf32, #tpu.memory_space<hbm>>)
      tpu.yield
    }) : () -> ()
    %dma_start3A_94 = arith.constant 7 : i32
    %dma_start3A_95 = arith.constant 0 : i32
    %dma_start3A_96 = tpu.memref_slice %arg5[%dma_start3A_94, %dma_start3A_95] : memref<16x128xi32, #tpu.memory_space<vmem>> -> memref<1x128xi32, #tpu.memory_space<vmem>>
    %dma_start3A_97 = tpu.memref_squeeze %dma_start3A_96 : memref<1x128xi32, #tpu.memory_space<vmem>> -> memref<128xi32, #tpu.memory_space<vmem>>
    %dma_start3A_98 = arith.constant 0 : i32
    %dma_start3A_99 = arith.constant 0 : i32
    %dma_start3A_100 = tpu.memref_slice %arg2[%dma_start3A_98, %dma_start3A_99] : memref<16384x128xf32, #tpu.memory_space<hbm>> -> memref<16384x128xf32, #tpu.memory_space<hbm>>
    tpu.enqueue_indirect_dma source(%dma_start3A_100 : memref<16384x128xf32, #tpu.memory_space<hbm>>) target(%arg9 : memref<128x128xf32, #tpu.memory_space<vmem>>) offsets(%dma_start3A_97 : memref<128xi32, #tpu.memory_space<vmem>>) semaphore(%arg13 : memref<!tpu.dma_semaphore, #tpu.memory_space<semaphore_mem>>)
    %dma_wait3A_101 = arith.constant 4 : i32
    %dma_wait3A_102 = arith.constant 0 : i32
    %dma_wait3A_103 = tpu.memref_slice %arg5[%dma_wait3A_101, %dma_wait3A_102] : memref<16x128xi32, #tpu.memory_space<vmem>> -> memref<1x128xi32, #tpu.memory_space<vmem>>
    %dma_wait3A_104 = tpu.memref_squeeze %dma_wait3A_103 : memref<1x128xi32, #tpu.memory_space<vmem>> -> memref<128xi32, #tpu.memory_space<vmem>>
    %dma_wait3A_105 = arith.constant 0 : i32
    %dma_wait3A_106 = arith.constant 0 : i32
    %dma_wait3A_107 = tpu.memref_slice %arg2[%dma_wait3A_105, %dma_wait3A_106] : memref<16384x128xf32, #tpu.memory_space<hbm>> -> memref<16384x128xf32, #tpu.memory_space<hbm>>
    tpu.wait_indirect_dma semaphore(%arg10 : memref<!tpu.dma_semaphore, #tpu.memory_space<semaphore_mem>>) src(%dma_wait3A_107 : memref<16384x128xf32, #tpu.memory_space<hbm>>) dst(%arg6 : memref<128x128xf32, #tpu.memory_space<vmem>>)
    %mul3A_108 = arith.constant 2048 : i32
    %mul3A_109 = arith.muli %add3A, %mul3A_108 : i32
    %add3A_110 = arith.constant 512 : i32
    %add3A_111 = arith.addi %mul3A_109, %add3A_110 : i32
    "tpu.region"() ({
      %run_scoped3A = tpu.sem_alloc : memref<!tpu.dma_semaphore, #tpu.memory_space<semaphore_mem>>
      %dma_start3A_289 = arith.constant 0 : i32
      %dma_start3A_290 = tpu.memref_slice %arg4[%add3A_111, %dma_start3A_289] : memref<65536x128xf32, #tpu.memory_space<hbm>> -> memref<128x128xf32, #tpu.memory_space<hbm>>
      %dma_start3A_291 = arith.constant 0 : i32
      %dma_start3A_292 = tpu.memref_slice %arg4[%add3A_111, %dma_start3A_291] : memref<65536x128xf32, #tpu.memory_space<hbm>> -> memref<128x128xf32, #tpu.memory_space<hbm>>
      tpu.enqueue_dma source(%arg6 : memref<128x128xf32, #tpu.memory_space<vmem>>) target(%dma_start3A_292 : memref<128x128xf32, #tpu.memory_space<hbm>>) target_semaphore(%run_scoped3A : memref<!tpu.dma_semaphore, #tpu.memory_space<semaphore_mem>>)
      %dma_wait3A_293 = arith.constant 0 : i32
      %dma_wait3A_294 = tpu.memref_slice %arg4[%add3A_111, %dma_wait3A_293] : memref<65536x128xf32, #tpu.memory_space<hbm>> -> memref<128x128xf32, #tpu.memory_space<hbm>>
      %dma_wait3A_295 = arith.constant 0 : i32
      %dma_wait3A_296 = tpu.memref_slice %arg4[%add3A_111, %dma_wait3A_295] : memref<65536x128xf32, #tpu.memory_space<hbm>> -> memref<128x128xf32, #tpu.memory_space<hbm>>
      tpu.wait_dma2 semaphore(%run_scoped3A : memref<!tpu.dma_semaphore, #tpu.memory_space<semaphore_mem>>) src(%arg6 : memref<128x128xf32, #tpu.memory_space<vmem>>) dst(%dma_wait3A_296 : memref<128x128xf32, #tpu.memory_space<hbm>>)
      tpu.yield
    }) : () -> ()
    %dma_start3A_112 = arith.constant 8 : i32
    %dma_start3A_113 = arith.constant 0 : i32
    %dma_start3A_114 = tpu.memref_slice %arg5[%dma_start3A_112, %dma_start3A_113] : memref<16x128xi32, #tpu.memory_space<vmem>> -> memref<1x128xi32, #tpu.memory_space<vmem>>
    %dma_start3A_115 = tpu.memref_squeeze %dma_start3A_114 : memref<1x128xi32, #tpu.memory_space<vmem>> -> memref<128xi32, #tpu.memory_space<vmem>>
    %dma_start3A_116 = arith.constant 0 : i32
    %dma_start3A_117 = arith.constant 0 : i32
    %dma_start3A_118 = tpu.memref_slice %arg2[%dma_start3A_116, %dma_start3A_117] : memref<16384x128xf32, #tpu.memory_space<hbm>> -> memref<16384x128xf32, #tpu.memory_space<hbm>>
    tpu.enqueue_indirect_dma source(%dma_start3A_118 : memref<16384x128xf32, #tpu.memory_space<hbm>>) target(%arg6 : memref<128x128xf32, #tpu.memory_space<vmem>>) offsets(%dma_start3A_115 : memref<128xi32, #tpu.memory_space<vmem>>) semaphore(%arg10 : memref<!tpu.dma_semaphore, #tpu.memory_space<semaphore_mem>>)
    %dma_wait3A_119 = arith.constant 5 : i32
    %dma_wait3A_120 = arith.constant 0 : i32
    %dma_wait3A_121 = tpu.memref_slice %arg5[%dma_wait3A_119, %dma_wait3A_120] : memref<16x128xi32, #tpu.memory_space<vmem>> -> memref<1x128xi32, #tpu.memory_space<vmem>>
    %dma_wait3A_122 = tpu.memref_squeeze %dma_wait3A_121 : memref<1x128xi32, #tpu.memory_space<vmem>> -> memref<128xi32, #tpu.memory_space<vmem>>
    %dma_wait3A_123 = arith.constant 0 : i32
    %dma_wait3A_124 = arith.constant 0 : i32
    %dma_wait3A_125 = tpu.memref_slice %arg2[%dma_wait3A_123, %dma_wait3A_124] : memref<16384x128xf32, #tpu.memory_space<hbm>> -> memref<16384x128xf32, #tpu.memory_space<hbm>>
    tpu.wait_indirect_dma semaphore(%arg11 : memref<!tpu.dma_semaphore, #tpu.memory_space<semaphore_mem>>) src(%dma_wait3A_125 : memref<16384x128xf32, #tpu.memory_space<hbm>>) dst(%arg7 : memref<128x128xf32, #tpu.memory_space<vmem>>)
    %mul3A_126 = arith.constant 2048 : i32
    %mul3A_127 = arith.muli %add3A, %mul3A_126 : i32
    %add3A_128 = arith.constant 640 : i32
    %add3A_129 = arith.addi %mul3A_127, %add3A_128 : i32
    "tpu.region"() ({
      %run_scoped3A = tpu.sem_alloc : memref<!tpu.dma_semaphore, #tpu.memory_space<semaphore_mem>>
      %dma_start3A_289 = arith.constant 0 : i32
      %dma_start3A_290 = tpu.memref_slice %arg4[%add3A_129, %dma_start3A_289] : memref<65536x128xf32, #tpu.memory_space<hbm>> -> memref<128x128xf32, #tpu.memory_space<hbm>>
      %dma_start3A_291 = arith.constant 0 : i32
      %dma_start3A_292 = tpu.memref_slice %arg4[%add3A_129, %dma_start3A_291] : memref<65536x128xf32, #tpu.memory_space<hbm>> -> memref<128x128xf32, #tpu.memory_space<hbm>>
      tpu.enqueue_dma source(%arg7 : memref<128x128xf32, #tpu.memory_space<vmem>>) target(%dma_start3A_292 : memref<128x128xf32, #tpu.memory_space<hbm>>) target_semaphore(%run_scoped3A : memref<!tpu.dma_semaphore, #tpu.memory_space<semaphore_mem>>)
      %dma_wait3A_293 = arith.constant 0 : i32
      %dma_wait3A_294 = tpu.memref_slice %arg4[%add3A_129, %dma_wait3A_293] : memref<65536x128xf32, #tpu.memory_space<hbm>> -> memref<128x128xf32, #tpu.memory_space<hbm>>
      %dma_wait3A_295 = arith.constant 0 : i32
      %dma_wait3A_296 = tpu.memref_slice %arg4[%add3A_129, %dma_wait3A_295] : memref<65536x128xf32, #tpu.memory_space<hbm>> -> memref<128x128xf32, #tpu.memory_space<hbm>>
      tpu.wait_dma2 semaphore(%run_scoped3A : memref<!tpu.dma_semaphore, #tpu.memory_space<semaphore_mem>>) src(%arg7 : memref<128x128xf32, #tpu.memory_space<vmem>>) dst(%dma_wait3A_296 : memref<128x128xf32, #tpu.memory_space<hbm>>)
      tpu.yield
    }) : () -> ()
    %dma_start3A_130 = arith.constant 9 : i32
    %dma_start3A_131 = arith.constant 0 : i32
    %dma_start3A_132 = tpu.memref_slice %arg5[%dma_start3A_130, %dma_start3A_131] : memref<16x128xi32, #tpu.memory_space<vmem>> -> memref<1x128xi32, #tpu.memory_space<vmem>>
    %dma_start3A_133 = tpu.memref_squeeze %dma_start3A_132 : memref<1x128xi32, #tpu.memory_space<vmem>> -> memref<128xi32, #tpu.memory_space<vmem>>
    %dma_start3A_134 = arith.constant 0 : i32
    %dma_start3A_135 = arith.constant 0 : i32
    %dma_start3A_136 = tpu.memref_slice %arg2[%dma_start3A_134, %dma_start3A_135] : memref<16384x128xf32, #tpu.memory_space<hbm>> -> memref<16384x128xf32, #tpu.memory_space<hbm>>
    tpu.enqueue_indirect_dma source(%dma_start3A_136 : memref<16384x128xf32, #tpu.memory_space<hbm>>) target(%arg7 : memref<128x128xf32, #tpu.memory_space<vmem>>) offsets(%dma_start3A_133 : memref<128xi32, #tpu.memory_space<vmem>>) semaphore(%arg11 : memref<!tpu.dma_semaphore, #tpu.memory_space<semaphore_mem>>)
    %dma_wait3A_137 = arith.constant 6 : i32
    %dma_wait3A_138 = arith.constant 0 : i32
    %dma_wait3A_139 = tpu.memref_slice %arg5[%dma_wait3A_137, %dma_wait3A_138] : memref<16x128xi32, #tpu.memory_space<vmem>> -> memref<1x128xi32, #tpu.memory_space<vmem>>
    %dma_wait3A_140 = tpu.memref_squeeze %dma_wait3A_139 : memref<1x128xi32, #tpu.memory_space<vmem>> -> memref<128xi32, #tpu.memory_space<vmem>>
    %dma_wait3A_141 = arith.constant 0 : i32
    %dma_wait3A_142 = arith.constant 0 : i32
    %dma_wait3A_143 = tpu.memref_slice %arg2[%dma_wait3A_141, %dma_wait3A_142] : memref<16384x128xf32, #tpu.memory_space<hbm>> -> memref<16384x128xf32, #tpu.memory_space<hbm>>
    tpu.wait_indirect_dma semaphore(%arg12 : memref<!tpu.dma_semaphore, #tpu.memory_space<semaphore_mem>>) src(%dma_wait3A_143 : memref<16384x128xf32, #tpu.memory_space<hbm>>) dst(%arg8 : memref<128x128xf32, #tpu.memory_space<vmem>>)
    %mul3A_144 = arith.constant 2048 : i32
    %mul3A_145 = arith.muli %add3A, %mul3A_144 : i32
    %add3A_146 = arith.constant 768 : i32
    %add3A_147 = arith.addi %mul3A_145, %add3A_146 : i32
    "tpu.region"() ({
      %run_scoped3A = tpu.sem_alloc : memref<!tpu.dma_semaphore, #tpu.memory_space<semaphore_mem>>
      %dma_start3A_289 = arith.constant 0 : i32
      %dma_start3A_290 = tpu.memref_slice %arg4[%add3A_147, %dma_start3A_289] : memref<65536x128xf32, #tpu.memory_space<hbm>> -> memref<128x128xf32, #tpu.memory_space<hbm>>
      %dma_start3A_291 = arith.constant 0 : i32
      %dma_start3A_292 = tpu.memref_slice %arg4[%add3A_147, %dma_start3A_291] : memref<65536x128xf32, #tpu.memory_space<hbm>> -> memref<128x128xf32, #tpu.memory_space<hbm>>
      tpu.enqueue_dma source(%arg8 : memref<128x128xf32, #tpu.memory_space<vmem>>) target(%dma_start3A_292 : memref<128x128xf32, #tpu.memory_space<hbm>>) target_semaphore(%run_scoped3A : memref<!tpu.dma_semaphore, #tpu.memory_space<semaphore_mem>>)
      %dma_wait3A_293 = arith.constant 0 : i32
      %dma_wait3A_294 = tpu.memref_slice %arg4[%add3A_147, %dma_wait3A_293] : memref<65536x128xf32, #tpu.memory_space<hbm>> -> memref<128x128xf32, #tpu.memory_space<hbm>>
      %dma_wait3A_295 = arith.constant 0 : i32
      %dma_wait3A_296 = tpu.memref_slice %arg4[%add3A_147, %dma_wait3A_295] : memref<65536x128xf32, #tpu.memory_space<hbm>> -> memref<128x128xf32, #tpu.memory_space<hbm>>
      tpu.wait_dma2 semaphore(%run_scoped3A : memref<!tpu.dma_semaphore, #tpu.memory_space<semaphore_mem>>) src(%arg8 : memref<128x128xf32, #tpu.memory_space<vmem>>) dst(%dma_wait3A_296 : memref<128x128xf32, #tpu.memory_space<hbm>>)
      tpu.yield
    }) : () -> ()
    %dma_start3A_148 = arith.constant 10 : i32
    %dma_start3A_149 = arith.constant 0 : i32
    %dma_start3A_150 = tpu.memref_slice %arg5[%dma_start3A_148, %dma_start3A_149] : memref<16x128xi32, #tpu.memory_space<vmem>> -> memref<1x128xi32, #tpu.memory_space<vmem>>
    %dma_start3A_151 = tpu.memref_squeeze %dma_start3A_150 : memref<1x128xi32, #tpu.memory_space<vmem>> -> memref<128xi32, #tpu.memory_space<vmem>>
    %dma_start3A_152 = arith.constant 0 : i32
    %dma_start3A_153 = arith.constant 0 : i32
    %dma_start3A_154 = tpu.memref_slice %arg2[%dma_start3A_152, %dma_start3A_153] : memref<16384x128xf32, #tpu.memory_space<hbm>> -> memref<16384x128xf32, #tpu.memory_space<hbm>>
    tpu.enqueue_indirect_dma source(%dma_start3A_154 : memref<16384x128xf32, #tpu.memory_space<hbm>>) target(%arg8 : memref<128x128xf32, #tpu.memory_space<vmem>>) offsets(%dma_start3A_151 : memref<128xi32, #tpu.memory_space<vmem>>) semaphore(%arg12 : memref<!tpu.dma_semaphore, #tpu.memory_space<semaphore_mem>>)
    %dma_wait3A_155 = arith.constant 7 : i32
    %dma_wait3A_156 = arith.constant 0 : i32
    %dma_wait3A_157 = tpu.memref_slice %arg5[%dma_wait3A_155, %dma_wait3A_156] : memref<16x128xi32, #tpu.memory_space<vmem>> -> memref<1x128xi32, #tpu.memory_space<vmem>>
    %dma_wait3A_158 = tpu.memref_squeeze %dma_wait3A_157 : memref<1x128xi32, #tpu.memory_space<vmem>> -> memref<128xi32, #tpu.memory_space<vmem>>
    %dma_wait3A_159 = arith.constant 0 : i32
    %dma_wait3A_160 = arith.constant 0 : i32
    %dma_wait3A_161 = tpu.memref_slice %arg2[%dma_wait3A_159, %dma_wait3A_160] : memref<16384x128xf32, #tpu.memory_space<hbm>> -> memref<16384x128xf32, #tpu.memory_space<hbm>>
    tpu.wait_indirect_dma semaphore(%arg13 : memref<!tpu.dma_semaphore, #tpu.memory_space<semaphore_mem>>) src(%dma_wait3A_161 : memref<16384x128xf32, #tpu.memory_space<hbm>>) dst(%arg9 : memref<128x128xf32, #tpu.memory_space<vmem>>)
    %mul3A_162 = arith.constant 2048 : i32
    %mul3A_163 = arith.muli %add3A, %mul3A_162 : i32
    %add3A_164 = arith.constant 896 : i32
    %add3A_165 = arith.addi %mul3A_163, %add3A_164 : i32
    "tpu.region"() ({
      %run_scoped3A = tpu.sem_alloc : memref<!tpu.dma_semaphore, #tpu.memory_space<semaphore_mem>>
      %dma_start3A_289 = arith.constant 0 : i32
      %dma_start3A_290 = tpu.memref_slice %arg4[%add3A_165, %dma_start3A_289] : memref<65536x128xf32, #tpu.memory_space<hbm>> -> memref<128x128xf32, #tpu.memory_space<hbm>>
      %dma_start3A_291 = arith.constant 0 : i32
      %dma_start3A_292 = tpu.memref_slice %arg4[%add3A_165, %dma_start3A_291] : memref<65536x128xf32, #tpu.memory_space<hbm>> -> memref<128x128xf32, #tpu.memory_space<hbm>>
      tpu.enqueue_dma source(%arg9 : memref<128x128xf32, #tpu.memory_space<vmem>>) target(%dma_start3A_292 : memref<128x128xf32, #tpu.memory_space<hbm>>) target_semaphore(%run_scoped3A : memref<!tpu.dma_semaphore, #tpu.memory_space<semaphore_mem>>)
      %dma_wait3A_293 = arith.constant 0 : i32
      %dma_wait3A_294 = tpu.memref_slice %arg4[%add3A_165, %dma_wait3A_293] : memref<65536x128xf32, #tpu.memory_space<hbm>> -> memref<128x128xf32, #tpu.memory_space<hbm>>
      %dma_wait3A_295 = arith.constant 0 : i32
      %dma_wait3A_296 = tpu.memref_slice %arg4[%add3A_165, %dma_wait3A_295] : memref<65536x128xf32, #tpu.memory_space<hbm>> -> memref<128x128xf32, #tpu.memory_space<hbm>>
      tpu.wait_dma2 semaphore(%run_scoped3A : memref<!tpu.dma_semaphore, #tpu.memory_space<semaphore_mem>>) src(%arg9 : memref<128x128xf32, #tpu.memory_space<vmem>>) dst(%dma_wait3A_296 : memref<128x128xf32, #tpu.memory_space<hbm>>)
      tpu.yield
    }) : () -> ()
    %dma_start3A_166 = arith.constant 11 : i32
    %dma_start3A_167 = arith.constant 0 : i32
    %dma_start3A_168 = tpu.memref_slice %arg5[%dma_start3A_166, %dma_start3A_167] : memref<16x128xi32, #tpu.memory_space<vmem>> -> memref<1x128xi32, #tpu.memory_space<vmem>>
    %dma_start3A_169 = tpu.memref_squeeze %dma_start3A_168 : memref<1x128xi32, #tpu.memory_space<vmem>> -> memref<128xi32, #tpu.memory_space<vmem>>
    %dma_start3A_170 = arith.constant 0 : i32
    %dma_start3A_171 = arith.constant 0 : i32
    %dma_start3A_172 = tpu.memref_slice %arg2[%dma_start3A_170, %dma_start3A_171] : memref<16384x128xf32, #tpu.memory_space<hbm>> -> memref<16384x128xf32, #tpu.memory_space<hbm>>
    tpu.enqueue_indirect_dma source(%dma_start3A_172 : memref<16384x128xf32, #tpu.memory_space<hbm>>) target(%arg9 : memref<128x128xf32, #tpu.memory_space<vmem>>) offsets(%dma_start3A_169 : memref<128xi32, #tpu.memory_space<vmem>>) semaphore(%arg13 : memref<!tpu.dma_semaphore, #tpu.memory_space<semaphore_mem>>)
    %dma_wait3A_173 = arith.constant 8 : i32
    %dma_wait3A_174 = arith.constant 0 : i32
    %dma_wait3A_175 = tpu.memref_slice %arg5[%dma_wait3A_173, %dma_wait3A_174] : memref<16x128xi32, #tpu.memory_space<vmem>> -> memref<1x128xi32, #tpu.memory_space<vmem>>
    %dma_wait3A_176 = tpu.memref_squeeze %dma_wait3A_175 : memref<1x128xi32, #tpu.memory_space<vmem>> -> memref<128xi32, #tpu.memory_space<vmem>>
    %dma_wait3A_177 = arith.constant 0 : i32
    %dma_wait3A_178 = arith.constant 0 : i32
    %dma_wait3A_179 = tpu.memref_slice %arg2[%dma_wait3A_177, %dma_wait3A_178] : memref<16384x128xf32, #tpu.memory_space<hbm>> -> memref<16384x128xf32, #tpu.memory_space<hbm>>
    tpu.wait_indirect_dma semaphore(%arg10 : memref<!tpu.dma_semaphore, #tpu.memory_space<semaphore_mem>>) src(%dma_wait3A_179 : memref<16384x128xf32, #tpu.memory_space<hbm>>) dst(%arg6 : memref<128x128xf32, #tpu.memory_space<vmem>>)
    %mul3A_180 = arith.constant 2048 : i32
    %mul3A_181 = arith.muli %add3A, %mul3A_180 : i32
    %add3A_182 = arith.constant 1024 : i32
    %add3A_183 = arith.addi %mul3A_181, %add3A_182 : i32
    "tpu.region"() ({
      %run_scoped3A = tpu.sem_alloc : memref<!tpu.dma_semaphore, #tpu.memory_space<semaphore_mem>>
      %dma_start3A_289 = arith.constant 0 : i32
      %dma_start3A_290 = tpu.memref_slice %arg4[%add3A_183, %dma_start3A_289] : memref<65536x128xf32, #tpu.memory_space<hbm>> -> memref<128x128xf32, #tpu.memory_space<hbm>>
      %dma_start3A_291 = arith.constant 0 : i32
      %dma_start3A_292 = tpu.memref_slice %arg4[%add3A_183, %dma_start3A_291] : memref<65536x128xf32, #tpu.memory_space<hbm>> -> memref<128x128xf32, #tpu.memory_space<hbm>>
      tpu.enqueue_dma source(%arg6 : memref<128x128xf32, #tpu.memory_space<vmem>>) target(%dma_start3A_292 : memref<128x128xf32, #tpu.memory_space<hbm>>) target_semaphore(%run_scoped3A : memref<!tpu.dma_semaphore, #tpu.memory_space<semaphore_mem>>)
      %dma_wait3A_293 = arith.constant 0 : i32
      %dma_wait3A_294 = tpu.memref_slice %arg4[%add3A_183, %dma_wait3A_293] : memref<65536x128xf32, #tpu.memory_space<hbm>> -> memref<128x128xf32, #tpu.memory_space<hbm>>
      %dma_wait3A_295 = arith.constant 0 : i32
      %dma_wait3A_296 = tpu.memref_slice %arg4[%add3A_183, %dma_wait3A_295] : memref<65536x128xf32, #tpu.memory_space<hbm>> -> memref<128x128xf32, #tpu.memory_space<hbm>>
      tpu.wait_dma2 semaphore(%run_scoped3A : memref<!tpu.dma_semaphore, #tpu.memory_space<semaphore_mem>>) src(%arg6 : memref<128x128xf32, #tpu.memory_space<vmem>>) dst(%dma_wait3A_296 : memref<128x128xf32, #tpu.memory_space<hbm>>)
      tpu.yield
    }) : () -> ()
    %dma_start3A_184 = arith.constant 12 : i32
    %dma_start3A_185 = arith.constant 0 : i32
    %dma_start3A_186 = tpu.memref_slice %arg5[%dma_start3A_184, %dma_start3A_185] : memref<16x128xi32, #tpu.memory_space<vmem>> -> memref<1x128xi32, #tpu.memory_space<vmem>>
    %dma_start3A_187 = tpu.memref_squeeze %dma_start3A_186 : memref<1x128xi32, #tpu.memory_space<vmem>> -> memref<128xi32, #tpu.memory_space<vmem>>
    %dma_start3A_188 = arith.constant 0 : i32
    %dma_start3A_189 = arith.constant 0 : i32
    %dma_start3A_190 = tpu.memref_slice %arg2[%dma_start3A_188, %dma_start3A_189] : memref<16384x128xf32, #tpu.memory_space<hbm>> -> memref<16384x128xf32, #tpu.memory_space<hbm>>
    tpu.enqueue_indirect_dma source(%dma_start3A_190 : memref<16384x128xf32, #tpu.memory_space<hbm>>) target(%arg6 : memref<128x128xf32, #tpu.memory_space<vmem>>) offsets(%dma_start3A_187 : memref<128xi32, #tpu.memory_space<vmem>>) semaphore(%arg10 : memref<!tpu.dma_semaphore, #tpu.memory_space<semaphore_mem>>)
    %dma_wait3A_191 = arith.constant 9 : i32
    %dma_wait3A_192 = arith.constant 0 : i32
    %dma_wait3A_193 = tpu.memref_slice %arg5[%dma_wait3A_191, %dma_wait3A_192] : memref<16x128xi32, #tpu.memory_space<vmem>> -> memref<1x128xi32, #tpu.memory_space<vmem>>
    %dma_wait3A_194 = tpu.memref_squeeze %dma_wait3A_193 : memref<1x128xi32, #tpu.memory_space<vmem>> -> memref<128xi32, #tpu.memory_space<vmem>>
    %dma_wait3A_195 = arith.constant 0 : i32
    %dma_wait3A_196 = arith.constant 0 : i32
    %dma_wait3A_197 = tpu.memref_slice %arg2[%dma_wait3A_195, %dma_wait3A_196] : memref<16384x128xf32, #tpu.memory_space<hbm>> -> memref<16384x128xf32, #tpu.memory_space<hbm>>
    tpu.wait_indirect_dma semaphore(%arg11 : memref<!tpu.dma_semaphore, #tpu.memory_space<semaphore_mem>>) src(%dma_wait3A_197 : memref<16384x128xf32, #tpu.memory_space<hbm>>) dst(%arg7 : memref<128x128xf32, #tpu.memory_space<vmem>>)
    %mul3A_198 = arith.constant 2048 : i32
    %mul3A_199 = arith.muli %add3A, %mul3A_198 : i32
    %add3A_200 = arith.constant 1152 : i32
    %add3A_201 = arith.addi %mul3A_199, %add3A_200 : i32
    "tpu.region"() ({
      %run_scoped3A = tpu.sem_alloc : memref<!tpu.dma_semaphore, #tpu.memory_space<semaphore_mem>>
      %dma_start3A_289 = arith.constant 0 : i32
      %dma_start3A_290 = tpu.memref_slice %arg4[%add3A_201, %dma_start3A_289] : memref<65536x128xf32, #tpu.memory_space<hbm>> -> memref<128x128xf32, #tpu.memory_space<hbm>>
      %dma_start3A_291 = arith.constant 0 : i32
      %dma_start3A_292 = tpu.memref_slice %arg4[%add3A_201, %dma_start3A_291] : memref<65536x128xf32, #tpu.memory_space<hbm>> -> memref<128x128xf32, #tpu.memory_space<hbm>>
      tpu.enqueue_dma source(%arg7 : memref<128x128xf32, #tpu.memory_space<vmem>>) target(%dma_start3A_292 : memref<128x128xf32, #tpu.memory_space<hbm>>) target_semaphore(%run_scoped3A : memref<!tpu.dma_semaphore, #tpu.memory_space<semaphore_mem>>)
      %dma_wait3A_293 = arith.constant 0 : i32
      %dma_wait3A_294 = tpu.memref_slice %arg4[%add3A_201, %dma_wait3A_293] : memref<65536x128xf32, #tpu.memory_space<hbm>> -> memref<128x128xf32, #tpu.memory_space<hbm>>
      %dma_wait3A_295 = arith.constant 0 : i32
      %dma_wait3A_296 = tpu.memref_slice %arg4[%add3A_201, %dma_wait3A_295] : memref<65536x128xf32, #tpu.memory_space<hbm>> -> memref<128x128xf32, #tpu.memory_space<hbm>>
      tpu.wait_dma2 semaphore(%run_scoped3A : memref<!tpu.dma_semaphore, #tpu.memory_space<semaphore_mem>>) src(%arg7 : memref<128x128xf32, #tpu.memory_space<vmem>>) dst(%dma_wait3A_296 : memref<128x128xf32, #tpu.memory_space<hbm>>)
      tpu.yield
    }) : () -> ()
    %dma_start3A_202 = arith.constant 13 : i32
    %dma_start3A_203 = arith.constant 0 : i32
    %dma_start3A_204 = tpu.memref_slice %arg5[%dma_start3A_202, %dma_start3A_203] : memref<16x128xi32, #tpu.memory_space<vmem>> -> memref<1x128xi32, #tpu.memory_space<vmem>>
    %dma_start3A_205 = tpu.memref_squeeze %dma_start3A_204 : memref<1x128xi32, #tpu.memory_space<vmem>> -> memref<128xi32, #tpu.memory_space<vmem>>
    %dma_start3A_206 = arith.constant 0 : i32
    %dma_start3A_207 = arith.constant 0 : i32
    %dma_start3A_208 = tpu.memref_slice %arg2[%dma_start3A_206, %dma_start3A_207] : memref<16384x128xf32, #tpu.memory_space<hbm>> -> memref<16384x128xf32, #tpu.memory_space<hbm>>
    tpu.enqueue_indirect_dma source(%dma_start3A_208 : memref<16384x128xf32, #tpu.memory_space<hbm>>) target(%arg7 : memref<128x128xf32, #tpu.memory_space<vmem>>) offsets(%dma_start3A_205 : memref<128xi32, #tpu.memory_space<vmem>>) semaphore(%arg11 : memref<!tpu.dma_semaphore, #tpu.memory_space<semaphore_mem>>)
    %dma_wait3A_209 = arith.constant 10 : i32
    %dma_wait3A_210 = arith.constant 0 : i32
    %dma_wait3A_211 = tpu.memref_slice %arg5[%dma_wait3A_209, %dma_wait3A_210] : memref<16x128xi32, #tpu.memory_space<vmem>> -> memref<1x128xi32, #tpu.memory_space<vmem>>
    %dma_wait3A_212 = tpu.memref_squeeze %dma_wait3A_211 : memref<1x128xi32, #tpu.memory_space<vmem>> -> memref<128xi32, #tpu.memory_space<vmem>>
    %dma_wait3A_213 = arith.constant 0 : i32
    %dma_wait3A_214 = arith.constant 0 : i32
    %dma_wait3A_215 = tpu.memref_slice %arg2[%dma_wait3A_213, %dma_wait3A_214] : memref<16384x128xf32, #tpu.memory_space<hbm>> -> memref<16384x128xf32, #tpu.memory_space<hbm>>
    tpu.wait_indirect_dma semaphore(%arg12 : memref<!tpu.dma_semaphore, #tpu.memory_space<semaphore_mem>>) src(%dma_wait3A_215 : memref<16384x128xf32, #tpu.memory_space<hbm>>) dst(%arg8 : memref<128x128xf32, #tpu.memory_space<vmem>>)
    %mul3A_216 = arith.constant 2048 : i32
    %mul3A_217 = arith.muli %add3A, %mul3A_216 : i32
    %add3A_218 = arith.constant 1280 : i32
    %add3A_219 = arith.addi %mul3A_217, %add3A_218 : i32
    "tpu.region"() ({
      %run_scoped3A = tpu.sem_alloc : memref<!tpu.dma_semaphore, #tpu.memory_space<semaphore_mem>>
      %dma_start3A_289 = arith.constant 0 : i32
      %dma_start3A_290 = tpu.memref_slice %arg4[%add3A_219, %dma_start3A_289] : memref<65536x128xf32, #tpu.memory_space<hbm>> -> memref<128x128xf32, #tpu.memory_space<hbm>>
      %dma_start3A_291 = arith.constant 0 : i32
      %dma_start3A_292 = tpu.memref_slice %arg4[%add3A_219, %dma_start3A_291] : memref<65536x128xf32, #tpu.memory_space<hbm>> -> memref<128x128xf32, #tpu.memory_space<hbm>>
      tpu.enqueue_dma source(%arg8 : memref<128x128xf32, #tpu.memory_space<vmem>>) target(%dma_start3A_292 : memref<128x128xf32, #tpu.memory_space<hbm>>) target_semaphore(%run_scoped3A : memref<!tpu.dma_semaphore, #tpu.memory_space<semaphore_mem>>)
      %dma_wait3A_293 = arith.constant 0 : i32
      %dma_wait3A_294 = tpu.memref_slice %arg4[%add3A_219, %dma_wait3A_293] : memref<65536x128xf32, #tpu.memory_space<hbm>> -> memref<128x128xf32, #tpu.memory_space<hbm>>
      %dma_wait3A_295 = arith.constant 0 : i32
      %dma_wait3A_296 = tpu.memref_slice %arg4[%add3A_219, %dma_wait3A_295] : memref<65536x128xf32, #tpu.memory_space<hbm>> -> memref<128x128xf32, #tpu.memory_space<hbm>>
      tpu.wait_dma2 semaphore(%run_scoped3A : memref<!tpu.dma_semaphore, #tpu.memory_space<semaphore_mem>>) src(%arg8 : memref<128x128xf32, #tpu.memory_space<vmem>>) dst(%dma_wait3A_296 : memref<128x128xf32, #tpu.memory_space<hbm>>)
      tpu.yield
    }) : () -> ()
    %dma_start3A_220 = arith.constant 14 : i32
    %dma_start3A_221 = arith.constant 0 : i32
    %dma_start3A_222 = tpu.memref_slice %arg5[%dma_start3A_220, %dma_start3A_221] : memref<16x128xi32, #tpu.memory_space<vmem>> -> memref<1x128xi32, #tpu.memory_space<vmem>>
    %dma_start3A_223 = tpu.memref_squeeze %dma_start3A_222 : memref<1x128xi32, #tpu.memory_space<vmem>> -> memref<128xi32, #tpu.memory_space<vmem>>
    %dma_start3A_224 = arith.constant 0 : i32
    %dma_start3A_225 = arith.constant 0 : i32
    %dma_start3A_226 = tpu.memref_slice %arg2[%dma_start3A_224, %dma_start3A_225] : memref<16384x128xf32, #tpu.memory_space<hbm>> -> memref<16384x128xf32, #tpu.memory_space<hbm>>
    tpu.enqueue_indirect_dma source(%dma_start3A_226 : memref<16384x128xf32, #tpu.memory_space<hbm>>) target(%arg8 : memref<128x128xf32, #tpu.memory_space<vmem>>) offsets(%dma_start3A_223 : memref<128xi32, #tpu.memory_space<vmem>>) semaphore(%arg12 : memref<!tpu.dma_semaphore, #tpu.memory_space<semaphore_mem>>)
    %dma_wait3A_227 = arith.constant 11 : i32
    %dma_wait3A_228 = arith.constant 0 : i32
    %dma_wait3A_229 = tpu.memref_slice %arg5[%dma_wait3A_227, %dma_wait3A_228] : memref<16x128xi32, #tpu.memory_space<vmem>> -> memref<1x128xi32, #tpu.memory_space<vmem>>
    %dma_wait3A_230 = tpu.memref_squeeze %dma_wait3A_229 : memref<1x128xi32, #tpu.memory_space<vmem>> -> memref<128xi32, #tpu.memory_space<vmem>>
    %dma_wait3A_231 = arith.constant 0 : i32
    %dma_wait3A_232 = arith.constant 0 : i32
    %dma_wait3A_233 = tpu.memref_slice %arg2[%dma_wait3A_231, %dma_wait3A_232] : memref<16384x128xf32, #tpu.memory_space<hbm>> -> memref<16384x128xf32, #tpu.memory_space<hbm>>
    tpu.wait_indirect_dma semaphore(%arg13 : memref<!tpu.dma_semaphore, #tpu.memory_space<semaphore_mem>>) src(%dma_wait3A_233 : memref<16384x128xf32, #tpu.memory_space<hbm>>) dst(%arg9 : memref<128x128xf32, #tpu.memory_space<vmem>>)
    %mul3A_234 = arith.constant 2048 : i32
    %mul3A_235 = arith.muli %add3A, %mul3A_234 : i32
    %add3A_236 = arith.constant 1408 : i32
    %add3A_237 = arith.addi %mul3A_235, %add3A_236 : i32
    "tpu.region"() ({
      %run_scoped3A = tpu.sem_alloc : memref<!tpu.dma_semaphore, #tpu.memory_space<semaphore_mem>>
      %dma_start3A_289 = arith.constant 0 : i32
      %dma_start3A_290 = tpu.memref_slice %arg4[%add3A_237, %dma_start3A_289] : memref<65536x128xf32, #tpu.memory_space<hbm>> -> memref<128x128xf32, #tpu.memory_space<hbm>>
      %dma_start3A_291 = arith.constant 0 : i32
      %dma_start3A_292 = tpu.memref_slice %arg4[%add3A_237, %dma_start3A_291] : memref<65536x128xf32, #tpu.memory_space<hbm>> -> memref<128x128xf32, #tpu.memory_space<hbm>>
      tpu.enqueue_dma source(%arg9 : memref<128x128xf32, #tpu.memory_space<vmem>>) target(%dma_start3A_292 : memref<128x128xf32, #tpu.memory_space<hbm>>) target_semaphore(%run_scoped3A : memref<!tpu.dma_semaphore, #tpu.memory_space<semaphore_mem>>)
      %dma_wait3A_293 = arith.constant 0 : i32
      %dma_wait3A_294 = tpu.memref_slice %arg4[%add3A_237, %dma_wait3A_293] : memref<65536x128xf32, #tpu.memory_space<hbm>> -> memref<128x128xf32, #tpu.memory_space<hbm>>
      %dma_wait3A_295 = arith.constant 0 : i32
      %dma_wait3A_296 = tpu.memref_slice %arg4[%add3A_237, %dma_wait3A_295] : memref<65536x128xf32, #tpu.memory_space<hbm>> -> memref<128x128xf32, #tpu.memory_space<hbm>>
      tpu.wait_dma2 semaphore(%run_scoped3A : memref<!tpu.dma_semaphore, #tpu.memory_space<semaphore_mem>>) src(%arg9 : memref<128x128xf32, #tpu.memory_space<vmem>>) dst(%dma_wait3A_296 : memref<128x128xf32, #tpu.memory_space<hbm>>)
      tpu.yield
    }) : () -> ()
    %dma_start3A_238 = arith.constant 15 : i32
    %dma_start3A_239 = arith.constant 0 : i32
    %dma_start3A_240 = tpu.memref_slice %arg5[%dma_start3A_238, %dma_start3A_239] : memref<16x128xi32, #tpu.memory_space<vmem>> -> memref<1x128xi32, #tpu.memory_space<vmem>>
    %dma_start3A_241 = tpu.memref_squeeze %dma_start3A_240 : memref<1x128xi32, #tpu.memory_space<vmem>> -> memref<128xi32, #tpu.memory_space<vmem>>
    %dma_start3A_242 = arith.constant 0 : i32
    %dma_start3A_243 = arith.constant 0 : i32
    %dma_start3A_244 = tpu.memref_slice %arg2[%dma_start3A_242, %dma_start3A_243] : memref<16384x128xf32, #tpu.memory_space<hbm>> -> memref<16384x128xf32, #tpu.memory_space<hbm>>
    tpu.enqueue_indirect_dma source(%dma_start3A_244 : memref<16384x128xf32, #tpu.memory_space<hbm>>) target(%arg9 : memref<128x128xf32, #tpu.memory_space<vmem>>) offsets(%dma_start3A_241 : memref<128xi32, #tpu.memory_space<vmem>>) semaphore(%arg13 : memref<!tpu.dma_semaphore, #tpu.memory_space<semaphore_mem>>)
    %dma_wait3A_245 = arith.constant 12 : i32
    %dma_wait3A_246 = arith.constant 0 : i32
    %dma_wait3A_247 = tpu.memref_slice %arg5[%dma_wait3A_245, %dma_wait3A_246] : memref<16x128xi32, #tpu.memory_space<vmem>> -> memref<1x128xi32, #tpu.memory_space<vmem>>
    %dma_wait3A_248 = tpu.memref_squeeze %dma_wait3A_247 : memref<1x128xi32, #tpu.memory_space<vmem>> -> memref<128xi32, #tpu.memory_space<vmem>>
    %dma_wait3A_249 = arith.constant 0 : i32
    %dma_wait3A_250 = arith.constant 0 : i32
    %dma_wait3A_251 = tpu.memref_slice %arg2[%dma_wait3A_249, %dma_wait3A_250] : memref<16384x128xf32, #tpu.memory_space<hbm>> -> memref<16384x128xf32, #tpu.memory_space<hbm>>
    tpu.wait_indirect_dma semaphore(%arg10 : memref<!tpu.dma_semaphore, #tpu.memory_space<semaphore_mem>>) src(%dma_wait3A_251 : memref<16384x128xf32, #tpu.memory_space<hbm>>) dst(%arg6 : memref<128x128xf32, #tpu.memory_space<vmem>>)
    %mul3A_252 = arith.constant 2048 : i32
    %mul3A_253 = arith.muli %add3A, %mul3A_252 : i32
    %add3A_254 = arith.constant 1536 : i32
    %add3A_255 = arith.addi %mul3A_253, %add3A_254 : i32
    "tpu.region"() ({
      %run_scoped3A = tpu.sem_alloc : memref<!tpu.dma_semaphore, #tpu.memory_space<semaphore_mem>>
      %dma_start3A_289 = arith.constant 0 : i32
      %dma_start3A_290 = tpu.memref_slice %arg4[%add3A_255, %dma_start3A_289] : memref<65536x128xf32, #tpu.memory_space<hbm>> -> memref<128x128xf32, #tpu.memory_space<hbm>>
      %dma_start3A_291 = arith.constant 0 : i32
      %dma_start3A_292 = tpu.memref_slice %arg4[%add3A_255, %dma_start3A_291] : memref<65536x128xf32, #tpu.memory_space<hbm>> -> memref<128x128xf32, #tpu.memory_space<hbm>>
      tpu.enqueue_dma source(%arg6 : memref<128x128xf32, #tpu.memory_space<vmem>>) target(%dma_start3A_292 : memref<128x128xf32, #tpu.memory_space<hbm>>) target_semaphore(%run_scoped3A : memref<!tpu.dma_semaphore, #tpu.memory_space<semaphore_mem>>)
      %dma_wait3A_293 = arith.constant 0 : i32
      %dma_wait3A_294 = tpu.memref_slice %arg4[%add3A_255, %dma_wait3A_293] : memref<65536x128xf32, #tpu.memory_space<hbm>> -> memref<128x128xf32, #tpu.memory_space<hbm>>
      %dma_wait3A_295 = arith.constant 0 : i32
      %dma_wait3A_296 = tpu.memref_slice %arg4[%add3A_255, %dma_wait3A_295] : memref<65536x128xf32, #tpu.memory_space<hbm>> -> memref<128x128xf32, #tpu.memory_space<hbm>>
      tpu.wait_dma2 semaphore(%run_scoped3A : memref<!tpu.dma_semaphore, #tpu.memory_space<semaphore_mem>>) src(%arg6 : memref<128x128xf32, #tpu.memory_space<vmem>>) dst(%dma_wait3A_296 : memref<128x128xf32, #tpu.memory_space<hbm>>)
      tpu.yield
    }) : () -> ()
    %dma_wait3A_256 = arith.constant 13 : i32
    %dma_wait3A_257 = arith.constant 0 : i32
    %dma_wait3A_258 = tpu.memref_slice %arg5[%dma_wait3A_256, %dma_wait3A_257] : memref<16x128xi32, #tpu.memory_space<vmem>> -> memref<1x128xi32, #tpu.memory_space<vmem>>
    %dma_wait3A_259 = tpu.memref_squeeze %dma_wait3A_258 : memref<1x128xi32, #tpu.memory_space<vmem>> -> memref<128xi32, #tpu.memory_space<vmem>>
    %dma_wait3A_260 = arith.constant 0 : i32
    %dma_wait3A_261 = arith.constant 0 : i32
    %dma_wait3A_262 = tpu.memref_slice %arg2[%dma_wait3A_260, %dma_wait3A_261] : memref<16384x128xf32, #tpu.memory_space<hbm>> -> memref<16384x128xf32, #tpu.memory_space<hbm>>
    tpu.wait_indirect_dma semaphore(%arg11 : memref<!tpu.dma_semaphore, #tpu.memory_space<semaphore_mem>>) src(%dma_wait3A_262 : memref<16384x128xf32, #tpu.memory_space<hbm>>) dst(%arg7 : memref<128x128xf32, #tpu.memory_space<vmem>>)
    %mul3A_263 = arith.constant 2048 : i32
    %mul3A_264 = arith.muli %add3A, %mul3A_263 : i32
    %add3A_265 = arith.constant 1664 : i32
    %add3A_266 = arith.addi %mul3A_264, %add3A_265 : i32
    "tpu.region"() ({
      %run_scoped3A = tpu.sem_alloc : memref<!tpu.dma_semaphore, #tpu.memory_space<semaphore_mem>>
      %dma_start3A_289 = arith.constant 0 : i32
      %dma_start3A_290 = tpu.memref_slice %arg4[%add3A_266, %dma_start3A_289] : memref<65536x128xf32, #tpu.memory_space<hbm>> -> memref<128x128xf32, #tpu.memory_space<hbm>>
      %dma_start3A_291 = arith.constant 0 : i32
      %dma_start3A_292 = tpu.memref_slice %arg4[%add3A_266, %dma_start3A_291] : memref<65536x128xf32, #tpu.memory_space<hbm>> -> memref<128x128xf32, #tpu.memory_space<hbm>>
      tpu.enqueue_dma source(%arg7 : memref<128x128xf32, #tpu.memory_space<vmem>>) target(%dma_start3A_292 : memref<128x128xf32, #tpu.memory_space<hbm>>) target_semaphore(%run_scoped3A : memref<!tpu.dma_semaphore, #tpu.memory_space<semaphore_mem>>)
      %dma_wait3A_293 = arith.constant 0 : i32
      %dma_wait3A_294 = tpu.memref_slice %arg4[%add3A_266, %dma_wait3A_293] : memref<65536x128xf32, #tpu.memory_space<hbm>> -> memref<128x128xf32, #tpu.memory_space<hbm>>
      %dma_wait3A_295 = arith.constant 0 : i32
      %dma_wait3A_296 = tpu.memref_slice %arg4[%add3A_266, %dma_wait3A_295] : memref<65536x128xf32, #tpu.memory_space<hbm>> -> memref<128x128xf32, #tpu.memory_space<hbm>>
      tpu.wait_dma2 semaphore(%run_scoped3A : memref<!tpu.dma_semaphore, #tpu.memory_space<semaphore_mem>>) src(%arg7 : memref<128x128xf32, #tpu.memory_space<vmem>>) dst(%dma_wait3A_296 : memref<128x128xf32, #tpu.memory_space<hbm>>)
      tpu.yield
    }) : () -> ()
    %dma_wait3A_267 = arith.constant 14 : i32
    %dma_wait3A_268 = arith.constant 0 : i32
    %dma_wait3A_269 = tpu.memref_slice %arg5[%dma_wait3A_267, %dma_wait3A_268] : memref<16x128xi32, #tpu.memory_space<vmem>> -> memref<1x128xi32, #tpu.memory_space<vmem>>
    %dma_wait3A_270 = tpu.memref_squeeze %dma_wait3A_269 : memref<1x128xi32, #tpu.memory_space<vmem>> -> memref<128xi32, #tpu.memory_space<vmem>>
    %dma_wait3A_271 = arith.constant 0 : i32
    %dma_wait3A_272 = arith.constant 0 : i32
    %dma_wait3A_273 = tpu.memref_slice %arg2[%dma_wait3A_271, %dma_wait3A_272] : memref<16384x128xf32, #tpu.memory_space<hbm>> -> memref<16384x128xf32, #tpu.memory_space<hbm>>
    tpu.wait_indirect_dma semaphore(%arg12 : memref<!tpu.dma_semaphore, #tpu.memory_space<semaphore_mem>>) src(%dma_wait3A_273 : memref<16384x128xf32, #tpu.memory_space<hbm>>) dst(%arg8 : memref<128x128xf32, #tpu.memory_space<vmem>>)
    %mul3A_274 = arith.constant 2048 : i32
    %mul3A_275 = arith.muli %add3A, %mul3A_274 : i32
    %add3A_276 = arith.constant 1792 : i32
    %add3A_277 = arith.addi %mul3A_275, %add3A_276 : i32
    "tpu.region"() ({
      %run_scoped3A = tpu.sem_alloc : memref<!tpu.dma_semaphore, #tpu.memory_space<semaphore_mem>>
      %dma_start3A_289 = arith.constant 0 : i32
      %dma_start3A_290 = tpu.memref_slice %arg4[%add3A_277, %dma_start3A_289] : memref<65536x128xf32, #tpu.memory_space<hbm>> -> memref<128x128xf32, #tpu.memory_space<hbm>>
      %dma_start3A_291 = arith.constant 0 : i32
      %dma_start3A_292 = tpu.memref_slice %arg4[%add3A_277, %dma_start3A_291] : memref<65536x128xf32, #tpu.memory_space<hbm>> -> memref<128x128xf32, #tpu.memory_space<hbm>>
      tpu.enqueue_dma source(%arg8 : memref<128x128xf32, #tpu.memory_space<vmem>>) target(%dma_start3A_292 : memref<128x128xf32, #tpu.memory_space<hbm>>) target_semaphore(%run_scoped3A : memref<!tpu.dma_semaphore, #tpu.memory_space<semaphore_mem>>)
      %dma_wait3A_293 = arith.constant 0 : i32
      %dma_wait3A_294 = tpu.memref_slice %arg4[%add3A_277, %dma_wait3A_293] : memref<65536x128xf32, #tpu.memory_space<hbm>> -> memref<128x128xf32, #tpu.memory_space<hbm>>
      %dma_wait3A_295 = arith.constant 0 : i32
      %dma_wait3A_296 = tpu.memref_slice %arg4[%add3A_277, %dma_wait3A_295] : memref<65536x128xf32, #tpu.memory_space<hbm>> -> memref<128x128xf32, #tpu.memory_space<hbm>>
      tpu.wait_dma2 semaphore(%run_scoped3A : memref<!tpu.dma_semaphore, #tpu.memory_space<semaphore_mem>>) src(%arg8 : memref<128x128xf32, #tpu.memory_space<vmem>>) dst(%dma_wait3A_296 : memref<128x128xf32, #tpu.memory_space<hbm>>)
      tpu.yield
    }) : () -> ()
    %dma_wait3A_278 = arith.constant 15 : i32
    %dma_wait3A_279 = arith.constant 0 : i32
    %dma_wait3A_280 = tpu.memref_slice %arg5[%dma_wait3A_278, %dma_wait3A_279] : memref<16x128xi32, #tpu.memory_space<vmem>> -> memref<1x128xi32, #tpu.memory_space<vmem>>
    %dma_wait3A_281 = tpu.memref_squeeze %dma_wait3A_280 : memref<1x128xi32, #tpu.memory_space<vmem>> -> memref<128xi32, #tpu.memory_space<vmem>>
    %dma_wait3A_282 = arith.constant 0 : i32
    %dma_wait3A_283 = arith.constant 0 : i32
    %dma_wait3A_284 = tpu.memref_slice %arg2[%dma_wait3A_282, %dma_wait3A_283] : memref<16384x128xf32, #tpu.memory_space<hbm>> -> memref<16384x128xf32, #tpu.memory_space<hbm>>
    tpu.wait_indirect_dma semaphore(%arg13 : memref<!tpu.dma_semaphore, #tpu.memory_space<semaphore_mem>>) src(%dma_wait3A_284 : memref<16384x128xf32, #tpu.memory_space<hbm>>) dst(%arg9 : memref<128x128xf32, #tpu.memory_space<vmem>>)
    %mul3A_285 = arith.constant 2048 : i32
    %mul3A_286 = arith.muli %add3A, %mul3A_285 : i32
    %add3A_287 = arith.constant 1920 : i32
    %add3A_288 = arith.addi %mul3A_286, %add3A_287 : i32
    "tpu.region"() ({
      %run_scoped3A = tpu.sem_alloc : memref<!tpu.dma_semaphore, #tpu.memory_space<semaphore_mem>>
      %dma_start3A_289 = arith.constant 0 : i32
      %dma_start3A_290 = tpu.memref_slice %arg4[%add3A_288, %dma_start3A_289] : memref<65536x128xf32, #tpu.memory_space<hbm>> -> memref<128x128xf32, #tpu.memory_space<hbm>>
      %dma_start3A_291 = arith.constant 0 : i32
      %dma_start3A_292 = tpu.memref_slice %arg4[%add3A_288, %dma_start3A_291] : memref<65536x128xf32, #tpu.memory_space<hbm>> -> memref<128x128xf32, #tpu.memory_space<hbm>>
      tpu.enqueue_dma source(%arg9 : memref<128x128xf32, #tpu.memory_space<vmem>>) target(%dma_start3A_292 : memref<128x128xf32, #tpu.memory_space<hbm>>) target_semaphore(%run_scoped3A : memref<!tpu.dma_semaphore, #tpu.memory_space<semaphore_mem>>)
      %dma_wait3A_293 = arith.constant 0 : i32
      %dma_wait3A_294 = tpu.memref_slice %arg4[%add3A_288, %dma_wait3A_293] : memref<65536x128xf32, #tpu.memory_space<hbm>> -> memref<128x128xf32, #tpu.memory_space<hbm>>
      %dma_wait3A_295 = arith.constant 0 : i32
      %dma_wait3A_296 = tpu.memref_slice %arg4[%add3A_288, %dma_wait3A_295] : memref<65536x128xf32, #tpu.memory_space<hbm>> -> memref<128x128xf32, #tpu.memory_space<hbm>>
      tpu.wait_dma2 semaphore(%run_scoped3A : memref<!tpu.dma_semaphore, #tpu.memory_space<semaphore_mem>>) src(%arg9 : memref<128x128xf32, #tpu.memory_space<vmem>>) dst(%dma_wait3A_296 : memref<128x128xf32, #tpu.memory_space<hbm>>)
      tpu.yield
    }) : () -> ()
    return
  }
}

module attributes {stable_mosaic.version = 14 : i64} {
  func.func @_rank_body(%arg0: i32, %arg1: memref<256x1xf32, #tpu.memory_space<vmem>>, %arg2: memref<8x2048xf32, #tpu.memory_space<vmem>>, %arg3: memref<256x1xi32, #tpu.memory_space<vmem>>) attributes {dimension_semantics = [#tpu.dimension_semantics<arbitrary>], iteration_bounds = array<i64: 64>, scalar_prefetch = 0 : i64, scratch_operands = 0 : i64, tpu.core_type = #tpu.core_type<tc>, window_params = [{transform_indices = @transform_0, window_bounds = array<i64: 256, 1>}, {pipeline_mode = #tpu.pipeline_mode<synchronous>, transform_indices = @transform_1, window_bounds = array<i64: 8, 2048>}, {transform_indices = @transform_2, window_bounds = array<i64: 256, 1>}]} {
    %get3A = arith.constant 0 : index
    %get3A_0 = arith.constant 0 : index
    %get3A_1 = vector.load %arg1[%get3A, %get3A_0] : memref<256x1xf32, #tpu.memory_space<vmem>>, vector<256x1xf32>
    %jit3A = arith.constant 8 : i32
    %div3A = arith.divsi %arg0, %jit3A : i32
    %sign3A = arith.constant 0 : i32
    %sign3A_2 = arith.cmpi sgt, %arg0, %sign3A : i32
    %sign3A_3 = arith.extui %sign3A_2 : i1 to i32
    %sign3A_4 = arith.constant 0 : i32
    %sign3A_5 = arith.cmpi slt, %arg0, %sign3A_4 : i32
    %sign3A_6 = arith.extui %sign3A_5 : i1 to i32
    %sign3A_7 = arith.subi %sign3A_3, %sign3A_6 : i32
    %sign3A_8 = arith.constant 0 : i32
    %sign3A_9 = arith.cmpi sgt, %jit3A, %sign3A_8 : i32
    %sign3A_10 = arith.extui %sign3A_9 : i1 to i32
    %sign3A_11 = arith.constant 0 : i32
    %sign3A_12 = arith.cmpi slt, %jit3A, %sign3A_11 : i32
    %sign3A_13 = arith.extui %sign3A_12 : i1 to i32
    %sign3A_14 = arith.subi %sign3A_10, %sign3A_13 : i32
    %ne3A = arith.cmpi ne, %sign3A_7, %sign3A_14 : i32
    %rem3A = arith.remsi %arg0, %jit3A : i32
    %ne3A_15 = arith.constant 0 : i32
    %ne3A_16 = arith.cmpi ne, %rem3A, %ne3A_15 : i32
    %and3A = arith.andi %ne3A, %ne3A_16 : i1
    %sub3A = arith.constant 1 : i32
    %sub3A_17 = arith.subi %div3A, %sub3A : i32
    %select_n3A = arith.select %and3A, %sub3A_17, %div3A : i32
    %mul3A = arith.constant 256 : i32
    %mul3A_18 = arith.muli %arg0, %mul3A : i32
    %iota3A = tpu.iota {dimensions = array<i32: 0>} : vector<256x1xi32>
    %add3A = vector.broadcast %mul3A_18 : i32 to vector<256x1xi32>
    %add3A_19 = arith.addi %add3A, %iota3A : vector<256x1xi32>
    %broadcast_in_dim3A = arith.constant 0 : i32
    %broadcast_in_dim3A_20 = vector.broadcast %broadcast_in_dim3A : i32 to vector<256x1xi32>
    %while3A = arith.constant 0 : i32
    %while3A_21 = arith.subi %select_n3A, %while3A : i32
    %while3A_22 = arith.addi %while3A, %while3A_21 : i32
    %while3A_23 = arith.constant 1 : i32
    %while3A_24 = arith.divsi %while3A_21, %while3A_23 : i32
    %while3A_25 = arith.muli %while3A_24, %while3A_23 : i32
    %while3A_26 = arith.addi %while3A, %while3A_25 : i32
    %while3A_27 = arith.constant 1 : i32
    %while3A_28 = scf.for %while3A_64 = %while3A to %while3A_26 step %while3A_27 iter_args(%while3A_65 = %broadcast_in_dim3A_20) -> (vector<256x1xi32>)  : i32 {
      %get3A_66 = arith.index_cast %while3A_64 : i32 to index
      %get3A_67 = arith.constant 0 : index
      %get3A_68 = vector.load %arg2[%get3A_66, %get3A_67] : memref<8x2048xf32, #tpu.memory_space<vmem>>, vector<1x2048xf32>
      %ge3A = vector.broadcast %get3A_68 : vector<1x2048xf32> to vector<256x2048xf32>
      %ge3A_69 = vector.broadcast %get3A_1 : vector<256x1xf32> to vector<256x2048xf32>
      %ge3A_70 = arith.cmpf oge, %ge3A, %ge3A_69 : vector<256x2048xf32>
      %convert_element_type3A_71 = arith.extui %ge3A_70 : vector<256x2048xi1> to vector<256x2048xi32>
      %reduce_sum3A_72 = arith.constant dense<0> : vector<256xi32>
      %reduce_sum3A_73 = vector.multi_reduction <add>, %convert_element_type3A_71, %reduce_sum3A_72 [1] : vector<256x2048xi32> to vector<256xi32>
      %broadcast_in_dim3A_74 = vector.shape_cast %reduce_sum3A_73 : vector<256xi32> to vector<256x1xi32>
      %add3A_75 = arith.addi %while3A_65, %broadcast_in_dim3A_74 : vector<256x1xi32>
      scf.yield %add3A_75 : vector<256x1xi32>
    }
    %while3A_29 = arith.constant 1 : i32
    %while3A_30 = scf.for %while3A_64 = %while3A_26 to %while3A_22 step %while3A_29 iter_args(%while3A_65 = %while3A_28) -> (vector<256x1xi32>)  : i32 {
      %get3A_66 = arith.index_cast %while3A_64 : i32 to index
      %get3A_67 = arith.constant 0 : index
      %get3A_68 = vector.load %arg2[%get3A_66, %get3A_67] : memref<8x2048xf32, #tpu.memory_space<vmem>>, vector<1x2048xf32>
      %ge3A = vector.broadcast %get3A_68 : vector<1x2048xf32> to vector<256x2048xf32>
      %ge3A_69 = vector.broadcast %get3A_1 : vector<256x1xf32> to vector<256x2048xf32>
      %ge3A_70 = arith.cmpf oge, %ge3A, %ge3A_69 : vector<256x2048xf32>
      %convert_element_type3A_71 = arith.extui %ge3A_70 : vector<256x2048xi1> to vector<256x2048xi32>
      %reduce_sum3A_72 = arith.constant dense<0> : vector<256xi32>
      %reduce_sum3A_73 = vector.multi_reduction <add>, %convert_element_type3A_71, %reduce_sum3A_72 [1] : vector<256x2048xi32> to vector<256xi32>
      %broadcast_in_dim3A_74 = vector.shape_cast %reduce_sum3A_73 : vector<256xi32> to vector<256x1xi32>
      %add3A_75 = arith.addi %while3A_65, %broadcast_in_dim3A_74 : vector<256x1xi32>
      scf.yield %add3A_75 : vector<256x1xi32>
    }
    %get3A_31 = arith.index_cast %select_n3A : i32 to index
    %get3A_32 = arith.constant 0 : index
    %get3A_33 = vector.load %arg2[%get3A_31, %get3A_32] : memref<8x2048xf32, #tpu.memory_space<vmem>>, vector<1x2048xf32>
    %mul3A_34 = arith.constant 2048 : i32
    %mul3A_35 = arith.muli %select_n3A, %mul3A_34 : i32
    %iota3A_36 = tpu.iota {dimensions = array<i32: 1>} : vector<1x2048xi32>
    %add3A_37 = vector.broadcast %mul3A_35 : i32 to vector<1x2048xi32>
    %add3A_38 = arith.addi %add3A_37, %iota3A_36 : vector<1x2048xi32>
    %gt3A = vector.broadcast %get3A_33 : vector<1x2048xf32> to vector<256x2048xf32>
    %gt3A_39 = vector.broadcast %get3A_1 : vector<256x1xf32> to vector<256x2048xf32>
    %gt3A_40 = arith.cmpf ogt, %gt3A, %gt3A_39 : vector<256x2048xf32>
    %eq3A = vector.broadcast %get3A_33 : vector<1x2048xf32> to vector<256x2048xf32>
    %eq3A_41 = vector.broadcast %get3A_1 : vector<256x1xf32> to vector<256x2048xf32>
    %eq3A_42 = arith.cmpf oeq, %eq3A, %eq3A_41 : vector<256x2048xf32>
    %lt3A = vector.broadcast %add3A_38 : vector<1x2048xi32> to vector<256x2048xi32>
    %lt3A_43 = vector.broadcast %add3A_19 : vector<256x1xi32> to vector<256x2048xi32>
    %lt3A_44 = arith.cmpi slt, %lt3A, %lt3A_43 : vector<256x2048xi32>
    %and3A_45 = arith.andi %eq3A_42, %lt3A_44 : vector<256x2048xi1>
    %or3A = arith.ori %gt3A_40, %and3A_45 : vector<256x2048xi1>
    %convert_element_type3A = arith.extui %or3A : vector<256x2048xi1> to vector<256x2048xi32>
    %reduce_sum3A = arith.constant dense<0> : vector<256xi32>
    %reduce_sum3A_46 = vector.multi_reduction <add>, %convert_element_type3A, %reduce_sum3A [1] : vector<256x2048xi32> to vector<256xi32>
    %broadcast_in_dim3A_47 = vector.shape_cast %reduce_sum3A_46 : vector<256xi32> to vector<256x1xi32>
    %add3A_48 = arith.addi %while3A_30, %broadcast_in_dim3A_47 : vector<256x1xi32>
    %add3A_49 = arith.constant 1 : i32
    %add3A_50 = arith.addi %select_n3A, %add3A_49 : i32
    %while3A_51 = arith.constant 8 : i32
    %while3A_52 = arith.subi %while3A_51, %add3A_50 : i32
    %while3A_53 = arith.addi %add3A_50, %while3A_52 : i32
    %while3A_54 = arith.constant 1 : i32
    %while3A_55 = arith.divsi %while3A_52, %while3A_54 : i32
    %while3A_56 = arith.muli %while3A_55, %while3A_54 : i32
    %while3A_57 = arith.addi %add3A_50, %while3A_56 : i32
    %while3A_58 = arith.constant 1 : i32
    %while3A_59 = scf.for %while3A_64 = %add3A_50 to %while3A_57 step %while3A_58 iter_args(%while3A_65 = %add3A_48) -> (vector<256x1xi32>)  : i32 {
      %get3A_66 = arith.index_cast %while3A_64 : i32 to index
      %get3A_67 = arith.constant 0 : index
      %get3A_68 = vector.load %arg2[%get3A_66, %get3A_67] : memref<8x2048xf32, #tpu.memory_space<vmem>>, vector<1x2048xf32>
      %gt3A_69 = vector.broadcast %get3A_68 : vector<1x2048xf32> to vector<256x2048xf32>
      %gt3A_70 = vector.broadcast %get3A_1 : vector<256x1xf32> to vector<256x2048xf32>
      %gt3A_71 = arith.cmpf ogt, %gt3A_69, %gt3A_70 : vector<256x2048xf32>
      %convert_element_type3A_72 = arith.extui %gt3A_71 : vector<256x2048xi1> to vector<256x2048xi32>
      %reduce_sum3A_73 = arith.constant dense<0> : vector<256xi32>
      %reduce_sum3A_74 = vector.multi_reduction <add>, %convert_element_type3A_72, %reduce_sum3A_73 [1] : vector<256x2048xi32> to vector<256xi32>
      %broadcast_in_dim3A_75 = vector.shape_cast %reduce_sum3A_74 : vector<256xi32> to vector<256x1xi32>
      %add3A_76 = arith.addi %while3A_65, %broadcast_in_dim3A_75 : vector<256x1xi32>
      scf.yield %add3A_76 : vector<256x1xi32>
    }
    %while3A_60 = arith.constant 1 : i32
    %while3A_61 = scf.for %while3A_64 = %while3A_57 to %while3A_53 step %while3A_60 iter_args(%while3A_65 = %while3A_59) -> (vector<256x1xi32>)  : i32 {
      %get3A_66 = arith.index_cast %while3A_64 : i32 to index
      %get3A_67 = arith.constant 0 : index
      %get3A_68 = vector.load %arg2[%get3A_66, %get3A_67] : memref<8x2048xf32, #tpu.memory_space<vmem>>, vector<1x2048xf32>
      %gt3A_69 = vector.broadcast %get3A_68 : vector<1x2048xf32> to vector<256x2048xf32>
      %gt3A_70 = vector.broadcast %get3A_1 : vector<256x1xf32> to vector<256x2048xf32>
      %gt3A_71 = arith.cmpf ogt, %gt3A_69, %gt3A_70 : vector<256x2048xf32>
      %convert_element_type3A_72 = arith.extui %gt3A_71 : vector<256x2048xi1> to vector<256x2048xi32>
      %reduce_sum3A_73 = arith.constant dense<0> : vector<256xi32>
      %reduce_sum3A_74 = vector.multi_reduction <add>, %convert_element_type3A_72, %reduce_sum3A_73 [1] : vector<256x2048xi32> to vector<256xi32>
      %broadcast_in_dim3A_75 = vector.shape_cast %reduce_sum3A_74 : vector<256xi32> to vector<256x1xi32>
      %add3A_76 = arith.addi %while3A_65, %broadcast_in_dim3A_75 : vector<256x1xi32>
      scf.yield %add3A_76 : vector<256x1xi32>
    }
    %swap3A = arith.constant 0 : index
    %swap3A_62 = arith.constant 0 : index
    %swap3A_63 = vector.load %arg3[%swap3A, %swap3A_62] : memref<256x1xi32, #tpu.memory_space<vmem>>, vector<256x1xi32>
    tpu.vector_store %arg3[%swap3A, %swap3A_62], %while3A_61 {strides = array<i32>} : memref<256x1xi32, #tpu.memory_space<vmem>>, vector<256x1xi32>,
    return
  }
  func.func @transform_0(%arg0: i32) -> (i32, i32) {
    %c0_i32 = arith.constant 0 : i32
    %c0_i32_0 = arith.constant 0 : i32
    return %arg0, %c0_i32 : i32, i32
  }
  func.func @transform_1(%arg0: i32) -> (i32, i32) {
    %c0_i32 = arith.constant 0 : i32
    %c0_i32_0 = arith.constant 0 : i32
    %c0_i32_1 = arith.constant 0 : i32
    return %c0_i32, %c0_i32_0 : i32, i32
  }
  func.func @transform_2(%arg0: i32) -> (i32, i32) {
    %c0_i32 = arith.constant 0 : i32
    %c0_i32_0 = arith.constant 0 : i32
    return %arg0, %c0_i32 : i32, i32
  }
}

module attributes {stable_mosaic.version = 14 : i64} {
  func.func @_radius_body(%arg0: i32, %arg1: memref<16384x8xf32, #tpu.memory_space<vmem>>, %arg2: memref<8x256xf32, #tpu.memory_space<vmem>>, %arg3: memref<16x256xi32, #tpu.memory_space<vmem>>, %arg4: memref<16x256xf32, #tpu.memory_space<vmem>>) attributes {dimension_semantics = [#tpu.dimension_semantics<arbitrary>], iteration_bounds = array<i64: 16>, scalar_prefetch = 0 : i64, scratch_operands = 0 : i64, tpu.core_type = #tpu.core_type<tc>, window_params = [{pipeline_mode = #tpu.pipeline_mode<synchronous>, transform_indices = @transform_0, window_bounds = array<i64: 16384, 8>}, {transform_indices = @transform_1, window_bounds = array<i64: 8, 256>}, {transform_indices = @transform_2, window_bounds = array<i64: 16, 256>}, {transform_indices = @transform_3, window_bounds = array<i64: 16, 256>}]} {
    %get3A = arith.constant 0 : index
    %get3A_0 = arith.constant 0 : index
    %get3A_1 = vector.load %arg1[%get3A, %get3A_0] : memref<16384x8xf32, #tpu.memory_space<vmem>>, vector<16384x1xf32>
    %get3A_2 = arith.constant 0 : index
    %get3A_3 = arith.constant 1 : index
    %get3A_4 = vector.load %arg1[%get3A_2, %get3A_3] : memref<16384x8xf32, #tpu.memory_space<vmem>>, vector<16384x1xf32>
    %get3A_5 = arith.constant 0 : index
    %get3A_6 = arith.constant 2 : index
    %get3A_7 = vector.load %arg1[%get3A_5, %get3A_6] : memref<16384x8xf32, #tpu.memory_space<vmem>>, vector<16384x1xf32>
    %get3A_8 = arith.constant 0 : index
    %get3A_9 = arith.constant 0 : index
    %get3A_10 = vector.load %arg2[%get3A_8, %get3A_9] : memref<8x256xf32, #tpu.memory_space<vmem>>, vector<1x256xf32>
    %get3A_11 = arith.constant 1 : index
    %get3A_12 = arith.constant 0 : index
    %get3A_13 = vector.load %arg2[%get3A_11, %get3A_12] : memref<8x256xf32, #tpu.memory_space<vmem>>, vector<1x256xf32>
    %get3A_14 = arith.constant 2 : index
    %get3A_15 = arith.constant 0 : index
    %get3A_16 = vector.load %arg2[%get3A_14, %get3A_15] : memref<8x256xf32, #tpu.memory_space<vmem>>, vector<1x256xf32>
    %sub3A = vector.broadcast %get3A_1 : vector<16384x1xf32> to vector<16384x256xf32>
    %sub3A_17 = vector.broadcast %get3A_10 : vector<1x256xf32> to vector<16384x256xf32>
    %sub3A_18 = arith.subf %sub3A, %sub3A_17 : vector<16384x256xf32>
    %sub3A_19 = vector.broadcast %get3A_4 : vector<16384x1xf32> to vector<16384x256xf32>
    %sub3A_20 = vector.broadcast %get3A_13 : vector<1x256xf32> to vector<16384x256xf32>
    %sub3A_21 = arith.subf %sub3A_19, %sub3A_20 : vector<16384x256xf32>
    %sub3A_22 = vector.broadcast %get3A_7 : vector<16384x1xf32> to vector<16384x256xf32>
    %sub3A_23 = vector.broadcast %get3A_16 : vector<1x256xf32> to vector<16384x256xf32>
    %sub3A_24 = arith.subf %sub3A_22, %sub3A_23 : vector<16384x256xf32>
    %mul3A = arith.mulf %sub3A_18, %sub3A_18 : vector<16384x256xf32>
    %mul3A_25 = arith.mulf %sub3A_21, %sub3A_21 : vector<16384x256xf32>
    %add3A = arith.addf %mul3A, %mul3A_25 : vector<16384x256xf32>
    %mul3A_26 = arith.mulf %sub3A_24, %sub3A_24 : vector<16384x256xf32>
    %add3A_27 = arith.addf %add3A, %mul3A_26 : vector<16384x256xf32>
    %reshape3A = vector.shape_cast %add3A_27 : vector<16384x256xf32> to vector<128x128x256xf32>
    %iota3A = tpu.iota {dimensions = array<i32: 1>} : vector<128x128x256xi32>
    %convert_element_type3A = arith.sitofp %iota3A : vector<128x128x256xi32> to vector<128x128x256xf32>
    %reduce_min3A = arith.constant dense<0x7F800000> : vector<128x256xf32>
    %reduce_min3A_28 = vector.multi_reduction <minimumf>, %reshape3A, %reduce_min3A [1] : vector<128x128x256xf32> to vector<128x256xf32>
    %broadcast_in_dim3A = vector.shape_cast %reduce_min3A_28 : vector<128x256xf32> to vector<128x1x256xf32>
    %eq3A = vector.broadcast %broadcast_in_dim3A : vector<128x1x256xf32> to vector<128x128x256xf32>
    %eq3A_29 = arith.cmpf oeq, %reshape3A, %eq3A : vector<128x128x256xf32>
    %jit3A = arith.constant 1.000000e+09 : f32
    %broadcast_in_dim3A_30 = vector.broadcast %jit3A : f32 to vector<128x128x256xf32>
    %select_n3A = arith.select %eq3A_29, %convert_element_type3A, %broadcast_in_dim3A_30 : vector<128x128x256xi1>, vector<128x128x256xf32>
    %reduce_min3A_31 = arith.constant dense<0x7F800000> : vector<128x256xf32>
    %reduce_min3A_32 = vector.multi_reduction <minimumf>, %select_n3A, %reduce_min3A_31 [1] : vector<128x128x256xf32> to vector<128x256xf32>
    %broadcast_in_dim3A_33 = vector.shape_cast %reduce_min3A_32 : vector<128x256xf32> to vector<128x1x256xf32>
    %eq3A_34 = vector.broadcast %broadcast_in_dim3A_33 : vector<128x1x256xf32> to vector<128x128x256xf32>
    %eq3A_35 = arith.cmpf oeq, %convert_element_type3A, %eq3A_34 : vector<128x128x256xf32>
    %jit3A_36 = arith.constant 0x7F800000 : f32
    %broadcast_in_dim3A_37 = vector.broadcast %jit3A_36 : f32 to vector<128x128x256xf32>
    %select_n3A_38 = arith.select %eq3A_35, %broadcast_in_dim3A_37, %reshape3A : vector<128x128x256xi1>, vector<128x128x256xf32>
    %reduce_min3A_39 = arith.constant dense<0x7F800000> : vector<128x256xf32>
    %reduce_min3A_40 = vector.multi_reduction <minimumf>, %select_n3A_38, %reduce_min3A_39 [1] : vector<128x128x256xf32> to vector<128x256xf32>
    %broadcast_in_dim3A_41 = vector.shape_cast %reduce_min3A_40 : vector<128x256xf32> to vector<128x1x256xf32>
    %eq3A_42 = vector.broadcast %broadcast_in_dim3A_41 : vector<128x1x256xf32> to vector<128x128x256xf32>
    %eq3A_43 = arith.cmpf oeq, %select_n3A_38, %eq3A_42 : vector<128x128x256xf32>
    %jit3A_44 = arith.constant 1.000000e+09 : f32
    %broadcast_in_dim3A_45 = vector.broadcast %jit3A_44 : f32 to vector<128x128x256xf32>
    %select_n3A_46 = arith.select %eq3A_43, %convert_element_type3A, %broadcast_in_dim3A_45 : vector<128x128x256xi1>, vector<128x128x256xf32>
    %reduce_min3A_47 = arith.constant dense<0x7F800000> : vector<128x256xf32>
    %reduce_min3A_48 = vector.multi_reduction <minimumf>, %select_n3A_46, %reduce_min3A_47 [1] : vector<128x128x256xf32> to vector<128x256xf32>
    %broadcast_in_dim3A_49 = vector.shape_cast %reduce_min3A_48 : vector<128x256xf32> to vector<128x1x256xf32>
    %eq3A_50 = vector.broadcast %broadcast_in_dim3A_49 : vector<128x1x256xf32> to vector<128x128x256xf32>
    %eq3A_51 = arith.cmpf oeq, %convert_element_type3A, %eq3A_50 : vector<128x128x256xf32>
    %jit3A_52 = arith.constant 0x7F800000 : f32
    %broadcast_in_dim3A_53 = vector.broadcast %jit3A_52 : f32 to vector<128x128x256xf32>
    %select_n3A_54 = arith.select %eq3A_51, %broadcast_in_dim3A_53, %select_n3A_38 : vector<128x128x256xi1>, vector<128x128x256xf32>
    %reduce_min3A_55 = arith.constant dense<0x7F800000> : vector<128x256xf32>
    %reduce_min3A_56 = vector.multi_reduction <minimumf>, %select_n3A_54, %reduce_min3A_55 [1] : vector<128x128x256xf32> to vector<128x256xf32>
    %broadcast_in_dim3A_57 = vector.shape_cast %reduce_min3A_56 : vector<128x256xf32> to vector<128x1x256xf32>
    %eq3A_58 = vector.broadcast %broadcast_in_dim3A_57 : vector<128x1x256xf32> to vector<128x128x256xf32>
    %eq3A_59 = arith.cmpf oeq, %select_n3A_54, %eq3A_58 : vector<128x128x256xf32>
    %jit3A_60 = arith.constant 1.000000e+09 : f32
    %broadcast_in_dim3A_61 = vector.broadcast %jit3A_60 : f32 to vector<128x128x256xf32>
    %select_n3A_62 = arith.select %eq3A_59, %convert_element_type3A, %broadcast_in_dim3A_61 : vector<128x128x256xi1>, vector<128x128x256xf32>
    %reduce_min3A_63 = arith.constant dense<0x7F800000> : vector<128x256xf32>
    %reduce_min3A_64 = vector.multi_reduction <minimumf>, %select_n3A_62, %reduce_min3A_63 [1] : vector<128x128x256xf32> to vector<128x256xf32>
    %iota3A_65 = tpu.iota {dimensions = array<i32: 0>} : vector<128x256xi32>
    %convert_element_type3A_66 = arith.sitofp %iota3A_65 : vector<128x256xi32> to vector<128x256xf32>
    %iota3A_67 = tpu.iota {dimensions = array<i32: 0>} : vector<128x256xi32>
    %convert_element_type3A_68 = arith.sitofp %iota3A_67 : vector<128x256xi32> to vector<128x256xf32>
    %iota3A_69 = tpu.iota {dimensions = array<i32: 0>} : vector<16x256xi32>
    %broadcast_in_dim3A_70 = arith.constant 0 : i32
    %broadcast_in_dim3A_71 = vector.broadcast %broadcast_in_dim3A_70 : i32 to vector<128x256xi32>
    %broadcast_in_dim3A_72 = arith.constant 0.000000e+00 : f32
    %broadcast_in_dim3A_73 = vector.broadcast %broadcast_in_dim3A_72 : f32 to vector<16x256xf32>
    %broadcast_in_dim3A_74 = arith.constant 0.000000e+00 : f32
    %broadcast_in_dim3A_75 = vector.broadcast %broadcast_in_dim3A_74 : f32 to vector<16x256xf32>
    %scan3A = arith.constant 0 : i32
    %scan3A_76 = arith.constant 16 : i32
    %scan3A_77 = arith.addi %scan3A, %scan3A_76 : i32
    %scan3A_78 = arith.constant 1 : i32
    %scan3A_79:5 = scf.for %scan3A_87 = %scan3A to %scan3A_77 step %scan3A_78 iter_args(%scan3A_88 = %reduce_min3A_28, %scan3A_89 = %reduce_min3A_32, %scan3A_90 = %broadcast_in_dim3A_71, %scan3A_91 = %broadcast_in_dim3A_73, %scan3A_92 = %broadcast_in_dim3A_75) -> (vector<128x256xf32>, vector<128x256xf32>, vector<128x256xi32>, vector<16x256xf32>, vector<16x256xf32>)  : i32 {
      %reduce_min3A_93 = arith.constant dense<0x7F800000> : vector<256xf32>
      %reduce_min3A_94 = vector.multi_reduction <minimumf>, %scan3A_88, %reduce_min3A_93 [0] : vector<128x256xf32> to vector<256xf32>
      %broadcast_in_dim3A_95 = vector.shape_cast %reduce_min3A_94 : vector<256xf32> to vector<1x256xf32>
      %eq3A_96 = vector.broadcast %broadcast_in_dim3A_95 : vector<1x256xf32> to vector<128x256xf32>
      %eq3A_97 = arith.cmpf oeq, %scan3A_88, %eq3A_96 : vector<128x256xf32>
      %jit3A_98 = arith.constant 1.000000e+09 : f32
      %broadcast_in_dim3A_99 = vector.broadcast %jit3A_98 : f32 to vector<128x256xf32>
      %select_n3A_100 = arith.select %eq3A_97, %convert_element_type3A_66, %broadcast_in_dim3A_99 : vector<128x256xi1>, vector<128x256xf32>
      %reduce_min3A_101 = arith.constant dense<0x7F800000> : vector<256xf32>
      %reduce_min3A_102 = vector.multi_reduction <minimumf>, %select_n3A_100, %reduce_min3A_101 [0] : vector<128x256xf32> to vector<256xf32>
      %broadcast_in_dim3A_103 = vector.shape_cast %reduce_min3A_102 : vector<256xf32> to vector<1x256xf32>
      %eq3A_104 = vector.broadcast %broadcast_in_dim3A_103 : vector<1x256xf32> to vector<128x256xf32>
      %eq3A_105 = arith.cmpf oeq, %convert_element_type3A_66, %eq3A_104 : vector<128x256xf32>
      %lt3A = arith.constant 0x7F800000 : f32
      %lt3A_106 = vector.broadcast %lt3A : f32 to vector<1x256xf32>
      %lt3A_107 = arith.cmpf olt, %broadcast_in_dim3A_95, %lt3A_106 : vector<1x256xf32>
      %jit3A_108 = arith.constant 1.000000e+09 : f32
      %broadcast_in_dim3A_109 = vector.broadcast %jit3A_108 : f32 to vector<128x256xf32>
      %select_n3A_110 = arith.select %eq3A_105, %scan3A_89, %broadcast_in_dim3A_109 : vector<128x256xi1>, vector<128x256xf32>
      %reduce_min3A_111 = arith.constant dense<0x7F800000> : vector<256xf32>
      %reduce_min3A_112 = vector.multi_reduction <minimumf>, %select_n3A_110, %reduce_min3A_111 [0] : vector<128x256xf32> to vector<256xf32>
      %broadcast_in_dim3A_113 = vector.shape_cast %reduce_min3A_112 : vector<256xf32> to vector<1x256xf32>
      %mul3A_114 = arith.constant 1.280000e+02 : f32
      %mul3A_115 = vector.broadcast %mul3A_114 : f32 to vector<1x256xf32>
      %mul3A_116 = arith.mulf %broadcast_in_dim3A_103, %mul3A_115 : vector<1x256xf32>
      %add3A_117 = arith.addf %mul3A_116, %broadcast_in_dim3A_113 : vector<1x256xf32>
      %eq3A_118 = vector.broadcast %scan3A_87 : i32 to vector<16x256xi32>
      %eq3A_119 = arith.cmpi eq, %iota3A_69, %eq3A_118 : vector<16x256xi32>
      %broadcast_in_dim3A_120 = vector.shape_cast %broadcast_in_dim3A_95 : vector<1x256xf32> to vector<1x256xf32>
      %broadcast_in_dim3A_121 = vector.broadcast %broadcast_in_dim3A_120 : vector<1x256xf32> to vector<16x256xf32>
      %select_n3A_122 = arith.select %eq3A_119, %broadcast_in_dim3A_121, %scan3A_91 : vector<16x256xi1>, vector<16x256xf32>
      %eq3A_123 = vector.broadcast %scan3A_87 : i32 to vector<16x256xi32>
      %eq3A_124 = arith.cmpi eq, %iota3A_69, %eq3A_123 : vector<16x256xi32>
      %broadcast_in_dim3A_125 = vector.shape_cast %add3A_117 : vector<1x256xf32> to vector<1x256xf32>
      %broadcast_in_dim3A_126 = vector.broadcast %broadcast_in_dim3A_125 : vector<1x256xf32> to vector<16x256xf32>
      %select_n3A_127 = arith.select %eq3A_124, %broadcast_in_dim3A_126, %scan3A_92 : vector<16x256xi1>, vector<16x256xf32>
      %and3A = vector.broadcast %lt3A_107 : vector<1x256xi1> to vector<128x256xi1>
      %and3A_128 = arith.andi %eq3A_105, %and3A : vector<128x256xi1>
      %convert_element_type3A_129 = arith.extui %and3A_128 : vector<128x256xi1> to vector<128x256xi32>
      %add3A_130 = arith.addi %scan3A_90, %convert_element_type3A_129 : vector<128x256xi32>
      %jit3A_131 = arith.constant 0 : i32
      %broadcast_in_dim3A_132 = vector.broadcast %jit3A_131 : i32 to vector<128x256xi32>
      %select_n3A_133 = arith.select %and3A_128, %add3A_130, %broadcast_in_dim3A_132 : vector<128x256xi1>, vector<128x256xi32>
      %reduce_max3A = arith.constant dense<-2147483648> : vector<256xi32>
      %reduce_max3A_134 = vector.multi_reduction <maxsi>, %select_n3A_133, %reduce_max3A [0] : vector<128x256xi32> to vector<256xi32>
      %broadcast_in_dim3A_135 = vector.shape_cast %reduce_max3A_134 : vector<256xi32> to vector<1x256xi32>
      %broadcast_in_dim3A_136 = arith.constant 1.000000e+00 : f32
      %broadcast_in_dim3A_137 = vector.broadcast %broadcast_in_dim3A_136 : f32 to vector<1x256xf32>
      %mul3A_138 = arith.constant 0x7F800000 : f32
      %mul3A_139 = vector.broadcast %mul3A_138 : f32 to vector<1x256xf32>
      %mul3A_140 = arith.mulf %mul3A_139, %broadcast_in_dim3A_137 : vector<1x256xf32>
      %broadcast_in_dim3A_141 = arith.constant 0.000000e+00 : f32
      %broadcast_in_dim3A_142 = vector.broadcast %broadcast_in_dim3A_141 : f32 to vector<1x256xf32>
      %jit3A_143 = arith.constant 0x7F800000 : f32
      %broadcast_in_dim3A_144 = vector.broadcast %jit3A_143 : f32 to vector<128x256xf32>
      %select_n3A_145 = arith.select %eq3A_105, %reduce_min3A_56, %broadcast_in_dim3A_144 : vector<128x256xi1>, vector<128x256xf32>
      %reduce_min3A_146 = arith.constant dense<0x7F800000> : vector<256xf32>
      %reduce_min3A_147 = vector.multi_reduction <minimumf>, %select_n3A_145, %reduce_min3A_146 [0] : vector<128x256xf32> to vector<256xf32>
      %broadcast_in_dim3A_148 = vector.shape_cast %reduce_min3A_147 : vector<256xf32> to vector<1x256xf32>
      %jit3A_149 = arith.constant 1.000000e+09 : f32
      %broadcast_in_dim3A_150 = vector.broadcast %jit3A_149 : f32 to vector<128x256xf32>
      %select_n3A_151 = arith.select %eq3A_105, %reduce_min3A_64, %broadcast_in_dim3A_150 : vector<128x256xi1>, vector<128x256xf32>
      %reduce_min3A_152 = arith.constant dense<0x7F800000> : vector<256xf32>
      %reduce_min3A_153 = vector.multi_reduction <minimumf>, %select_n3A_151, %reduce_min3A_152 [0] : vector<128x256xf32> to vector<256xf32>
      %broadcast_in_dim3A_154 = vector.shape_cast %reduce_min3A_153 : vector<256xf32> to vector<1x256xf32>
      %eq3A_155 = arith.constant 2 : i32
      %eq3A_156 = vector.broadcast %eq3A_155 : i32 to vector<1x256xi32>
      %eq3A_157 = arith.cmpi eq, %broadcast_in_dim3A_135, %eq3A_156 : vector<1x256xi32>
      %select_n3A_158 = arith.select %eq3A_157, %broadcast_in_dim3A_148, %mul3A_140 : vector<1x256xi1>, vector<1x256xf32>
      %select_n3A_159 = arith.select %eq3A_157, %broadcast_in_dim3A_154, %broadcast_in_dim3A_142 : vector<1x256xi1>, vector<1x256xf32>
      %jit3A_160 = arith.constant 0x7F800000 : f32
      %broadcast_in_dim3A_161 = vector.broadcast %jit3A_160 : f32 to vector<128x256xf32>
      %select_n3A_162 = arith.select %eq3A_105, %reduce_min3A_40, %broadcast_in_dim3A_161 : vector<128x256xi1>, vector<128x256xf32>
      %reduce_min3A_163 = arith.constant dense<0x7F800000> : vector<256xf32>
      %reduce_min3A_164 = vector.multi_reduction <minimumf>, %select_n3A_162, %reduce_min3A_163 [0] : vector<128x256xf32> to vector<256xf32>
      %broadcast_in_dim3A_165 = vector.shape_cast %reduce_min3A_164 : vector<256xf32> to vector<1x256xf32>
      %jit3A_166 = arith.constant 1.000000e+09 : f32
      %broadcast_in_dim3A_167 = vector.broadcast %jit3A_166 : f32 to vector<128x256xf32>
      %select_n3A_168 = arith.select %eq3A_105, %reduce_min3A_48, %broadcast_in_dim3A_167 : vector<128x256xi1>, vector<128x256xf32>
      %reduce_min3A_169 = arith.constant dense<0x7F800000> : vector<256xf32>
      %reduce_min3A_170 = vector.multi_reduction <minimumf>, %select_n3A_168, %reduce_min3A_169 [0] : vector<128x256xf32> to vector<256xf32>
      %broadcast_in_dim3A_171 = vector.shape_cast %reduce_min3A_170 : vector<256xf32> to vector<1x256xf32>
      %eq3A_172 = arith.constant 1 : i32
      %eq3A_173 = vector.broadcast %eq3A_172 : i32 to vector<1x256xi32>
      %eq3A_174 = arith.cmpi eq, %broadcast_in_dim3A_135, %eq3A_173 : vector<1x256xi32>
      %select_n3A_175 = arith.select %eq3A_174, %broadcast_in_dim3A_165, %select_n3A_158 : vector<1x256xi1>, vector<1x256xf32>
      %select_n3A_176 = arith.select %eq3A_174, %broadcast_in_dim3A_171, %select_n3A_159 : vector<1x256xi1>, vector<1x256xf32>
      %broadcast_in_dim3A_177 = vector.shape_cast %select_n3A_175 : vector<1x256xf32> to vector<1x256xf32>
      %broadcast_in_dim3A_178 = vector.broadcast %broadcast_in_dim3A_177 : vector<1x256xf32> to vector<128x256xf32>
      %select_n3A_179 = arith.select %and3A_128, %broadcast_in_dim3A_178, %scan3A_88 : vector<128x256xi1>, vector<128x256xf32>
      %broadcast_in_dim3A_180 = vector.shape_cast %select_n3A_176 : vector<1x256xf32> to vector<1x256xf32>
      %broadcast_in_dim3A_181 = vector.broadcast %broadcast_in_dim3A_180 : vector<1x256xf32> to vector<128x256xf32>
      %select_n3A_182 = arith.select %and3A_128, %broadcast_in_dim3A_181, %scan3A_89 : vector<128x256xi1>, vector<128x256xf32>
      %ge3A = arith.constant 3 : i32
      %ge3A_183 = vector.broadcast %ge3A : i32 to vector<1x256xi32>
      %ge3A_184 = arith.cmpi sge, %broadcast_in_dim3A_135, %ge3A_183 : vector<1x256xi32>
      %and3A_185 = arith.andi %lt3A_107, %ge3A_184 : vector<1x256xi1>
      %reduce_or3A = arith.constant 1.000000e+00 : f32
      %reduce_or3A_186 = arith.constant 0.000000e+00 : f32
      %reduce_or3A_187 = vector.broadcast %reduce_or3A : f32 to vector<1x256xf32>
      %reduce_or3A_188 = vector.broadcast %reduce_or3A_186 : f32 to vector<1x256xf32>
      %reduce_or3A_189 = arith.select %and3A_185, %reduce_or3A_187, %reduce_or3A_188 : vector<1x256xi1>, vector<1x256xf32>
      %reduce_or3A_190 = vector.shape_cast %reduce_or3A_189 : vector<1x256xf32> to vector<1x1x256xf32>
      %reduce_or3A_191 = arith.constant dense<0xFF800000> : vector<1xf32>
      %reduce_or3A_192 = vector.multi_reduction <maximumf>, %reduce_or3A_190, %reduce_or3A_191 [1, 2] : vector<1x1x256xf32> to vector<1xf32>
      %reduce_or3A_193 = vector.shape_cast %reduce_or3A_192 : vector<1xf32> to vector<1x1x1xf32>
      %reduce_or3A_194 = vector.extract %reduce_or3A_193[0, 0, 0] : f32 from vector<1x1x1xf32>
      %reduce_or3A_195 = arith.constant 0.000000e+00 : f32
      %reduce_or3A_196 = arith.cmpf ogt, %reduce_or3A_194, %reduce_or3A_195 : f32
      %convert_element_type3A_197 = arith.extui %reduce_or3A_196 : i1 to i32
      %cond3A = arith.constant 0 : i32
      %cond3A_198 = arith.cmpi ne, %convert_element_type3A_197, %cond3A : i32
      %cond3A_199:2 = scf.if %cond3A_198 -> (vector<128x256xf32>, vector<128x256xf32>) {
        %broadcast_in_dim3A_200 = vector.shape_cast %eq3A_105 : vector<128x256xi1> to vector<128x1x256xi1>
        %jit3A_201 = arith.constant 0x7F800000 : f32
        %broadcast_in_dim3A_202 = vector.shape_cast %broadcast_in_dim3A_200 : vector<128x1x256xi1> to vector<128x1x256xi1>
        %broadcast_in_dim3A_203 = vector.broadcast %broadcast_in_dim3A_202 : vector<128x1x256xi1> to vector<128x128x256xi1>
        %broadcast_in_dim3A_204 = vector.broadcast %jit3A_201 : f32 to vector<128x128x256xf32>
        %select_n3A_205 = arith.select %broadcast_in_dim3A_203, %reshape3A, %broadcast_in_dim3A_204 : vector<128x128x256xi1>, vector<128x128x256xf32>
        %reduce_min3A_206 = arith.constant dense<0x7F800000> : vector<128x256xf32>
        %reduce_min3A_207 = vector.multi_reduction <minimumf>, %select_n3A_205, %reduce_min3A_206 [0] : vector<128x128x256xf32> to vector<128x256xf32>
        %gt3A = vector.broadcast %broadcast_in_dim3A_95 : vector<1x256xf32> to vector<128x256xf32>
        %gt3A_208 = arith.cmpf ogt, %reduce_min3A_207, %gt3A : vector<128x256xf32>
        %eq3A_209 = vector.broadcast %broadcast_in_dim3A_95 : vector<1x256xf32> to vector<128x256xf32>
        %eq3A_210 = arith.cmpf oeq, %reduce_min3A_207, %eq3A_209 : vector<128x256xf32>
        %gt3A_211 = vector.broadcast %broadcast_in_dim3A_113 : vector<1x256xf32> to vector<128x256xf32>
        %gt3A_212 = arith.cmpf ogt, %convert_element_type3A_68, %gt3A_211 : vector<128x256xf32>
        %and3A_213 = arith.andi %eq3A_210, %gt3A_212 : vector<128x256xi1>
        %or3A = arith.ori %gt3A_208, %and3A_213 : vector<128x256xi1>
        %jit3A_214 = arith.constant 0x7F800000 : f32
        %broadcast_in_dim3A_215 = vector.broadcast %jit3A_214 : f32 to vector<128x256xf32>
        %select_n3A_216 = arith.select %or3A, %reduce_min3A_207, %broadcast_in_dim3A_215 : vector<128x256xi1>, vector<128x256xf32>
        %reduce_min3A_217 = arith.constant dense<0x7F800000> : vector<256xf32>
        %reduce_min3A_218 = vector.multi_reduction <minimumf>, %select_n3A_216, %reduce_min3A_217 [0] : vector<128x256xf32> to vector<256xf32>
        %broadcast_in_dim3A_219 = vector.shape_cast %reduce_min3A_218 : vector<256xf32> to vector<1x256xf32>
        %eq3A_220 = vector.broadcast %broadcast_in_dim3A_219 : vector<1x256xf32> to vector<128x256xf32>
        %eq3A_221 = arith.cmpf oeq, %select_n3A_216, %eq3A_220 : vector<128x256xf32>
        %jit3A_222 = arith.constant 1.000000e+09 : f32
        %broadcast_in_dim3A_223 = vector.broadcast %jit3A_222 : f32 to vector<128x256xf32>
        %select_n3A_224 = arith.select %eq3A_221, %convert_element_type3A_68, %broadcast_in_dim3A_223 : vector<128x256xi1>, vector<128x256xf32>
        %reduce_min3A_225 = arith.constant dense<0x7F800000> : vector<256xf32>
        %reduce_min3A_226 = vector.multi_reduction <minimumf>, %select_n3A_224, %reduce_min3A_225 [0] : vector<128x256xf32> to vector<256xf32>
        %broadcast_in_dim3A_227 = vector.shape_cast %reduce_min3A_226 : vector<256xf32> to vector<1x256xf32>
        %and3A_228 = vector.broadcast %and3A_185 : vector<1x256xi1> to vector<128x256xi1>
        %and3A_229 = arith.andi %eq3A_105, %and3A_228 : vector<128x256xi1>
        %broadcast_in_dim3A_230 = vector.shape_cast %broadcast_in_dim3A_219 : vector<1x256xf32> to vector<1x256xf32>
        %broadcast_in_dim3A_231 = vector.broadcast %broadcast_in_dim3A_230 : vector<1x256xf32> to vector<128x256xf32>
        %select_n3A_232 = arith.select %and3A_229, %broadcast_in_dim3A_231, %select_n3A_179 : vector<128x256xi1>, vector<128x256xf32>
        %broadcast_in_dim3A_233 = vector.shape_cast %broadcast_in_dim3A_227 : vector<1x256xf32> to vector<1x256xf32>
        %broadcast_in_dim3A_234 = vector.broadcast %broadcast_in_dim3A_233 : vector<1x256xf32> to vector<128x256xf32>
        %select_n3A_235 = arith.select %and3A_229, %broadcast_in_dim3A_234, %select_n3A_182 : vector<128x256xi1>, vector<128x256xf32>
        scf.yield %select_n3A_232, %select_n3A_235 : vector<128x256xf32>, vector<128x256xf32>
      } else {
        scf.yield %select_n3A_179, %select_n3A_182 : vector<128x256xf32>, vector<128x256xf32>
      }
      scf.yield %cond3A_199#0, %cond3A_199#1, %add3A_130, %select_n3A_122, %select_n3A_127 : vector<128x256xf32>, vector<128x256xf32>, vector<128x256xi32>, vector<16x256xf32>, vector<16x256xf32>
    }
    %scan3A_80 = arith.constant 16 : i32
    %convert_element_type3A_81 = arith.fptosi %scan3A_79#4 : vector<16x256xf32> to vector<16x256xi32>
    %swap3A = arith.constant 0 : index
    %swap3A_82 = arith.constant 0 : index
    %swap3A_83 = vector.load %arg3[%swap3A, %swap3A_82] : memref<16x256xi32, #tpu.memory_space<vmem>>, vector<16x256xi32>
    tpu.vector_store %arg3[%swap3A, %swap3A_82], %convert_element_type3A_81 {strides = array<i32>} : memref<16x256xi32, #tpu.memory_space<vmem>>, vector<16x256xi32>,
    %swap3A_84 = arith.constant 0 : index
    %swap3A_85 = arith.constant 0 : index
    %swap3A_86 = vector.load %arg4[%swap3A_84, %swap3A_85] : memref<16x256xf32, #tpu.memory_space<vmem>>, vector<16x256xf32>
    tpu.vector_store %arg4[%swap3A_84, %swap3A_85], %scan3A_79#3 {strides = array<i32>} : memref<16x256xf32, #tpu.memory_space<vmem>>, vector<16x256xf32>,
    return
  }
  func.func @transform_0(%arg0: i32) -> (i32, i32) {
    %c0_i32 = arith.constant 0 : i32
    %c0_i32_0 = arith.constant 0 : i32
    %c0_i32_1 = arith.constant 0 : i32
    return %c0_i32, %c0_i32_0 : i32, i32
  }
  func.func @transform_1(%arg0: i32) -> (i32, i32) {
    %c0_i32 = arith.constant 0 : i32
    %c0_i32_0 = arith.constant 0 : i32
    return %c0_i32, %arg0 : i32, i32
  }
  func.func @transform_2(%arg0: i32) -> (i32, i32) {
    %c0_i32 = arith.constant 0 : i32
    %c0_i32_0 = arith.constant 0 : i32
    return %c0_i32, %arg0 : i32, i32
  }
  func.func @transform_3(%arg0: i32) -> (i32, i32) {
    %c0_i32 = arith.constant 0 : i32
    %c0_i32_0 = arith.constant 0 : i32
    return %c0_i32, %arg0 : i32, i32
  }
}

module attributes {stable_mosaic.version = 14 : i64} {
  func.func @_mlp_body(%arg0: i32, %arg1: memref<4096x128xf32, #tpu.memory_space<vmem>>, %arg2: memref<256x128xf32, #tpu.memory_space<vmem>>, %arg3: memref<256x64xf32, #tpu.memory_space<vmem>>, %arg4: memref<256x128xf32, #tpu.memory_space<vmem>>, %arg5: memref<4096x1xi32, #tpu.memory_space<vmem>>, %arg6: memref<4096x1xf32, #tpu.memory_space<vmem>>, %arg7: memref<1x1xf32, #tpu.memory_space<vmem>>, %arg8: memref<128x64xf32, #tpu.memory_space<vmem>>, %arg9: memref<1x64xf32, #tpu.memory_space<vmem>>, %arg10: memref<64x64xf32, #tpu.memory_space<vmem>>, %arg11: memref<1x64xf32, #tpu.memory_space<vmem>>, %arg12: memref<64x128xf32, #tpu.memory_space<vmem>>, %arg13: memref<1x128xf32, #tpu.memory_space<vmem>>, %arg14: memref<256x128xf32, #tpu.memory_space<vmem>>) attributes {dimension_semantics = [#tpu.dimension_semantics<arbitrary>], iteration_bounds = array<i64: 16>, scalar_prefetch = 0 : i64, scratch_operands = 0 : i64, tpu.core_type = #tpu.core_type<tc>, window_params = [{transform_indices = @transform_0, window_bounds = array<i64: 4096, 128>}, {transform_indices = @transform_1, window_bounds = array<i64: 256, 128>}, {transform_indices = @transform_2, window_bounds = array<i64: 256, 64>}, {transform_indices = @transform_3, window_bounds = array<i64: 256, 128>}, {transform_indices = @transform_4, window_bounds = array<i64: 4096, 1>}, {transform_indices = @transform_5, window_bounds = array<i64: 4096, 1>}, {pipeline_mode = #tpu.pipeline_mode<synchronous>, transform_indices = @transform_6, window_bounds = array<i64: 1, 1>}, {pipeline_mode = #tpu.pipeline_mode<synchronous>, transform_indices = @transform_7, window_bounds = array<i64: 128, 64>}, {pipeline_mode = #tpu.pipeline_mode<synchronous>, transform_indices = @transform_8, window_bounds = array<i64: 1, 64>}, {pipeline_mode = #tpu.pipeline_mode<synchronous>, transform_indices = @transform_9, window_bounds = array<i64: 64, 64>}, {pipeline_mode = #tpu.pipeline_mode<synchronous>, transform_indices = @transform_10, window_bounds = array<i64: 1, 64>}, {pipeline_mode = #tpu.pipeline_mode<synchronous>, transform_indices = @transform_11, window_bounds = array<i64: 64, 128>}, {pipeline_mode = #tpu.pipeline_mode<synchronous>, transform_indices = @transform_12, window_bounds = array<i64: 1, 128>}, {transform_indices = @transform_13, window_bounds = array<i64: 256, 128>}]} {
    %get3A = arith.constant 0 : index
    %get3A_0 = arith.constant 0 : index
    %get3A_1 = vector.load %arg8[%get3A, %get3A_0] : memref<128x64xf32, #tpu.memory_space<vmem>>, vector<128x64xf32>
    %get3A_2 = arith.constant 0 : index
    %get3A_3 = arith.constant 0 : index
    %get3A_4 = vector.load %arg9[%get3A_2, %get3A_3] : memref<1x64xf32, #tpu.memory_space<vmem>>, vector<1x64xf32>
    %get3A_5 = arith.constant 0 : index
    %get3A_6 = arith.constant 0 : index
    %get3A_7 = vector.load %arg10[%get3A_5, %get3A_6] : memref<64x64xf32, #tpu.memory_space<vmem>>, vector<64x64xf32>
    %get3A_8 = arith.constant 0 : index
    %get3A_9 = arith.constant 0 : index
    %get3A_10 = vector.load %arg11[%get3A_8, %get3A_9] : memref<1x64xf32, #tpu.memory_space<vmem>>, vector<1x64xf32>
    %get3A_11 = arith.constant 0 : index
    %get3A_12 = arith.constant 0 : index
    %get3A_13 = vector.load %arg12[%get3A_11, %get3A_12] : memref<64x128xf32, #tpu.memory_space<vmem>>, vector<64x128xf32>
    %get3A_14 = arith.constant 0 : index
    %get3A_15 = arith.constant 0 : index
    %get3A_16 = vector.load %arg13[%get3A_14, %get3A_15] : memref<1x128xf32, #tpu.memory_space<vmem>>, vector<1x128xf32>
    %get3A_17 = arith.constant 0 : index
    %get3A_18 = arith.constant 0 : index
    %get3A_19 = vector.load %arg2[%get3A_17, %get3A_18] : memref<256x128xf32, #tpu.memory_space<vmem>>, vector<256x3xf32>
    %broadcast_in_dim3A = arith.constant 0.000000e+00 : f32
    %broadcast_in_dim3A_20 = vector.broadcast %broadcast_in_dim3A : f32 to vector<256x64xf32>
    %broadcast_in_dim3A_21 = arith.constant 0.000000e+00 : f32
    %broadcast_in_dim3A_22 = vector.broadcast %broadcast_in_dim3A_21 : f32 to vector<256x61xf32>
    %concatenate3A = tpu.concatenate %broadcast_in_dim3A_20, %get3A_19, %broadcast_in_dim3A_22 in 1 : vector<256x64xf32>, vector<256x3xf32>, vector<256x61xf32> -> vector<256x128xf32>
    %get3A_23 = arith.constant 0 : index
    %get3A_24 = arith.constant 0 : index
    %get3A_25 = vector.load %arg1[%get3A_23, %get3A_24] : memref<4096x128xf32, #tpu.memory_space<vmem>>, vector<4096x128xf32>
    %reshape3A = vector.shape_cast %get3A_25 : vector<4096x128xf32> to vector<256x16x128xf32>
    %broadcast_in_dim3A_26 = vector.shape_cast %concatenate3A : vector<256x128xf32> to vector<256x1x128xf32>
    %sub3A = vector.broadcast %broadcast_in_dim3A_26 : vector<256x1x128xf32> to vector<256x16x128xf32>
    %sub3A_27 = arith.subf %reshape3A, %sub3A : vector<256x16x128xf32>
    %reshape3A_28 = vector.shape_cast %sub3A_27 : vector<256x16x128xf32> to vector<4096x128xf32>
    %dot_general3A = arith.constant dense<0.000000e+00> : vector<4096x64xf32>
    %dot_general3A_29 = tpu.matmul %reshape3A_28, %get3A_1, %dot_general3A {dimension_numbers = #tpu.dot_dimension_numbers<[1], [0], [0], [1], [0, 0, 1, 1], [], []>, transpose_lhs_hint = false} : vector<4096x128xf32>, vector<128x64xf32>, vector<4096x64xf32> -> vector<4096x64xf32>
    %add3A = vector.broadcast %get3A_4 : vector<1x64xf32> to vector<4096x64xf32>
    %add3A_30 = arith.addf %dot_general3A_29, %add3A : vector<4096x64xf32>
    %max3A = arith.constant 0.000000e+00 : f32
    %max3A_31 = vector.broadcast %max3A : f32 to vector<4096x64xf32>
    %max3A_32 = arith.maximumf %add3A_30, %max3A_31 : vector<4096x64xf32>
    %dot_general3A_33 = arith.constant dense<0.000000e+00> : vector<4096x64xf32>
    %dot_general3A_34 = tpu.matmul %max3A_32, %get3A_7, %dot_general3A_33 {dimension_numbers = #tpu.dot_dimension_numbers<[1], [0], [0], [1], [0, 0, 1, 1], [], []>, transpose_lhs_hint = false} : vector<4096x64xf32>, vector<64x64xf32>, vector<4096x64xf32> -> vector<4096x64xf32>
    %add3A_35 = vector.broadcast %get3A_10 : vector<1x64xf32> to vector<4096x64xf32>
    %add3A_36 = arith.addf %dot_general3A_34, %add3A_35 : vector<4096x64xf32>
    %max3A_37 = arith.constant 0.000000e+00 : f32
    %max3A_38 = vector.broadcast %max3A_37 : f32 to vector<4096x64xf32>
    %max3A_39 = arith.maximumf %add3A_36, %max3A_38 : vector<4096x64xf32>
    %dot_general3A_40 = arith.constant dense<0.000000e+00> : vector<4096x128xf32>
    %dot_general3A_41 = tpu.matmul %max3A_39, %get3A_13, %dot_general3A_40 {dimension_numbers = #tpu.dot_dimension_numbers<[1], [0], [0], [1], [0, 0, 1, 1], [], []>, transpose_lhs_hint = false} : vector<4096x64xf32>, vector<64x128xf32>, vector<4096x128xf32> -> vector<4096x128xf32>
    %add3A_42 = vector.broadcast %get3A_16 : vector<1x128xf32> to vector<4096x128xf32>
    %add3A_43 = arith.addf %dot_general3A_41, %add3A_42 : vector<4096x128xf32>
    %get3A_44 = arith.constant 0 : index
    %get3A_45 = arith.constant 0 : index
    %get3A_46 = vector.load %arg3[%get3A_44, %get3A_45] : memref<256x64xf32, #tpu.memory_space<vmem>>, vector<256x64xf32>
    %get3A_47 = arith.constant 0 : index
    %get3A_48 = arith.constant 0 : index
    %get3A_49 = vector.load %arg4[%get3A_47, %get3A_48] : memref<256x128xf32, #tpu.memory_space<vmem>>, vector<256x3xf32>
    %sub3A_50 = arith.subf %get3A_49, %get3A_19 : vector<256x3xf32>
    %broadcast_in_dim3A_51 = arith.constant 0.000000e+00 : f32
    %broadcast_in_dim3A_52 = vector.broadcast %broadcast_in_dim3A_51 : f32 to vector<256x61xf32>
    %concatenate3A_53 = tpu.concatenate %get3A_46, %sub3A_50, %broadcast_in_dim3A_52 in 1 : vector<256x64xf32>, vector<256x3xf32>, vector<256x61xf32> -> vector<256x128xf32>
    %dot_general3A_54 = arith.constant dense<0.000000e+00> : vector<256x64xf32>
    %dot_general3A_55 = tpu.matmul %concatenate3A_53, %get3A_1, %dot_general3A_54 {dimension_numbers = #tpu.dot_dimension_numbers<[1], [0], [0], [1], [0, 0, 1, 1], [], []>, transpose_lhs_hint = false} : vector<256x128xf32>, vector<128x64xf32>, vector<256x64xf32> -> vector<256x64xf32>
    %add3A_56 = vector.broadcast %get3A_4 : vector<1x64xf32> to vector<256x64xf32>
    %add3A_57 = arith.addf %dot_general3A_55, %add3A_56 : vector<256x64xf32>
    %max3A_58 = arith.constant 0.000000e+00 : f32
    %max3A_59 = vector.broadcast %max3A_58 : f32 to vector<256x64xf32>
    %max3A_60 = arith.maximumf %add3A_57, %max3A_59 : vector<256x64xf32>
    %dot_general3A_61 = arith.constant dense<0.000000e+00> : vector<256x64xf32>
    %dot_general3A_62 = tpu.matmul %max3A_60, %get3A_7, %dot_general3A_61 {dimension_numbers = #tpu.dot_dimension_numbers<[1], [0], [0], [1], [0, 0, 1, 1], [], []>, transpose_lhs_hint = false} : vector<256x64xf32>, vector<64x64xf32>, vector<256x64xf32> -> vector<256x64xf32>
    %add3A_63 = vector.broadcast %get3A_10 : vector<1x64xf32> to vector<256x64xf32>
    %add3A_64 = arith.addf %dot_general3A_62, %add3A_63 : vector<256x64xf32>
    %max3A_65 = arith.constant 0.000000e+00 : f32
    %max3A_66 = vector.broadcast %max3A_65 : f32 to vector<256x64xf32>
    %max3A_67 = arith.maximumf %add3A_64, %max3A_66 : vector<256x64xf32>
    %dot_general3A_68 = arith.constant dense<0.000000e+00> : vector<256x128xf32>
    %dot_general3A_69 = tpu.matmul %max3A_67, %get3A_13, %dot_general3A_68 {dimension_numbers = #tpu.dot_dimension_numbers<[1], [0], [0], [1], [0, 0, 1, 1], [], []>, transpose_lhs_hint = false} : vector<256x64xf32>, vector<64x128xf32>, vector<256x128xf32> -> vector<256x128xf32>
    %add3A_70 = vector.broadcast %get3A_16 : vector<1x128xf32> to vector<256x128xf32>
    %add3A_71 = arith.addf %dot_general3A_69, %add3A_70 : vector<256x128xf32>
    %iota3A = tpu.iota {dimensions = array<i32: 0>} : vector<4096x1xi32>
    %mul3A = arith.constant 256 : i32
    %mul3A_72 = arith.muli %arg0, %mul3A : i32
    %shift_right_arithmetic3A = arith.constant 4 : i32
    %shift_right_arithmetic3A_73 = vector.broadcast %shift_right_arithmetic3A : i32 to vector<4096x1xi32>
    %shift_right_arithmetic3A_74 = arith.shrsi %iota3A, %shift_right_arithmetic3A_73 : vector<4096x1xi32>
    %add3A_75 = vector.broadcast %mul3A_72 : i32 to vector<4096x1xi32>
    %add3A_76 = arith.addi %add3A_75, %shift_right_arithmetic3A_74 : vector<4096x1xi32>
    %and3A = arith.constant 15 : i32
    %and3A_77 = vector.broadcast %and3A : i32 to vector<4096x1xi32>
    %and3A_78 = arith.andi %iota3A, %and3A_77 : vector<4096x1xi32>
    %get3A_79 = arith.constant 0 : index
    %get3A_80 = arith.constant 0 : index
    %get3A_81 = vector.load %arg6[%get3A_79, %get3A_80] : memref<4096x1xf32, #tpu.memory_space<vmem>>, vector<4096x1xf32>
    %le3A = arith.constant 2.500000e-01 : f32
    %le3A_82 = vector.broadcast %le3A : f32 to vector<4096x1xf32>
    %le3A_83 = arith.cmpf ole, %get3A_81, %le3A_82 : vector<4096x1xf32>
    %get3A_84 = arith.constant 0 : index
    %get3A_85 = arith.constant 0 : index
    %get3A_86 = vector.load %arg5[%get3A_84, %get3A_85] : memref<4096x1xi32, #tpu.memory_space<vmem>>, vector<4096x1xi32>
    %ne3A = arith.cmpi ne, %get3A_86, %add3A_76 : vector<4096x1xi32>
    %and3A_87 = arith.andi %le3A_83, %ne3A : vector<4096x1xi1>
    %get3A_88 = arith.constant 0 : index
    %get3A_89 = arith.constant 0 : index
    %get3A_90 = vector.load %arg7[%get3A_88, %get3A_89] : memref<1x1xf32, #tpu.memory_space<vmem>>, vector<1x1xf32>
    %get3A_91 = vector.extract %get3A_90[0, 0] : f32 from vector<1x1xf32>
    %convert_element_type3A = arith.fptosi %get3A_91 : f32 to i32
    %lt3A = vector.broadcast %convert_element_type3A : i32 to vector<4096x1xi32>
    %lt3A_92 = arith.cmpi slt, %and3A_78, %lt3A : vector<4096x1xi32>
    %and3A_93 = arith.andi %and3A_87, %lt3A_92 : vector<4096x1xi1>
    %jit3A = arith.constant 0xFF800000 : f32
    %broadcast_in_dim3A_94 = vector.shape_cast %and3A_93 : vector<4096x1xi1> to vector<4096x1xi1>
    %broadcast_in_dim3A_95 = vector.broadcast %broadcast_in_dim3A_94 : vector<4096x1xi1> to vector<4096x128xi1>
    %broadcast_in_dim3A_96 = vector.broadcast %jit3A : f32 to vector<4096x128xf32>
    %select_n3A = arith.select %broadcast_in_dim3A_95, %add3A_43, %broadcast_in_dim3A_96 : vector<4096x128xi1>, vector<4096x128xf32>
    %reshape3A_97 = vector.shape_cast %select_n3A : vector<4096x128xf32> to vector<256x16x128xf32>
    %reduce_max3A = arith.constant dense<0xFF800000> : vector<256x128xf32>
    %reduce_max3A_98 = vector.multi_reduction <maximumf>, %reshape3A_97, %reduce_max3A [1] : vector<256x16x128xf32> to vector<256x128xf32>
    %max3A_99 = arith.maximumf %reduce_max3A_98, %add3A_71 : vector<256x128xf32>
    %swap3A = arith.constant 0 : index
    %swap3A_100 = arith.constant 0 : index
    %swap3A_101 = vector.load %arg14[%swap3A, %swap3A_100] : memref<256x128xf32, #tpu.memory_space<vmem>>, vector<256x128xf32>
    tpu.vector_store %arg14[%swap3A, %swap3A_100], %max3A_99 {strides = array<i32>} : memref<256x128xf32, #tpu.memory_space<vmem>>, vector<256x128xf32>,
    return
  }
  func.func @transform_0(%arg0: i32) -> (i32, i32) {
    %c0_i32 = arith.constant 0 : i32
    %c0_i32_0 = arith.constant 0 : i32
    return %arg0, %c0_i32 : i32, i32
  }
  func.func @transform_1(%arg0: i32) -> (i32, i32) {
    %c0_i32 = arith.constant 0 : i32
    %c0_i32_0 = arith.constant 0 : i32
    return %arg0, %c0_i32 : i32, i32
  }
  func.func @transform_2(%arg0: i32) -> (i32, i32) {
    %c0_i32 = arith.constant 0 : i32
    %c0_i32_0 = arith.constant 0 : i32
    return %arg0, %c0_i32 : i32, i32
  }
  func.func @transform_3(%arg0: i32) -> (i32, i32) {
    %c0_i32 = arith.constant 0 : i32
    %c0_i32_0 = arith.constant 0 : i32
    return %arg0, %c0_i32 : i32, i32
  }
  func.func @transform_4(%arg0: i32) -> (i32, i32) {
    %c0_i32 = arith.constant 0 : i32
    %c0_i32_0 = arith.constant 0 : i32
    return %arg0, %c0_i32 : i32, i32
  }
  func.func @transform_5(%arg0: i32) -> (i32, i32) {
    %c0_i32 = arith.constant 0 : i32
    %c0_i32_0 = arith.constant 0 : i32
    return %arg0, %c0_i32 : i32, i32
  }
  func.func @transform_6(%arg0: i32) -> (i32, i32) {
    %c0_i32 = arith.constant 0 : i32
    %c0_i32_0 = arith.constant 0 : i32
    %c0_i32_1 = arith.constant 0 : i32
    return %c0_i32, %c0_i32_0 : i32, i32
  }
  func.func @transform_7(%arg0: i32) -> (i32, i32) {
    %c0_i32 = arith.constant 0 : i32
    %c0_i32_0 = arith.constant 0 : i32
    %c0_i32_1 = arith.constant 0 : i32
    return %c0_i32, %c0_i32_0 : i32, i32
  }
  func.func @transform_8(%arg0: i32) -> (i32, i32) {
    %c0_i32 = arith.constant 0 : i32
    %c0_i32_0 = arith.constant 0 : i32
    %c0_i32_1 = arith.constant 0 : i32
    return %c0_i32, %c0_i32_0 : i32, i32
  }
  func.func @transform_9(%arg0: i32) -> (i32, i32) {
    %c0_i32 = arith.constant 0 : i32
    %c0_i32_0 = arith.constant 0 : i32
    %c0_i32_1 = arith.constant 0 : i32
    return %c0_i32, %c0_i32_0 : i32, i32
  }
  func.func @transform_10(%arg0: i32) -> (i32, i32) {
    %c0_i32 = arith.constant 0 : i32
    %c0_i32_0 = arith.constant 0 : i32
    %c0_i32_1 = arith.constant 0 : i32
    return %c0_i32, %c0_i32_0 : i32, i32
  }
  func.func @transform_11(%arg0: i32) -> (i32, i32) {
    %c0_i32 = arith.constant 0 : i32
    %c0_i32_0 = arith.constant 0 : i32
    %c0_i32_1 = arith.constant 0 : i32
    return %c0_i32, %c0_i32_0 : i32, i32
  }
  func.func @transform_12(%arg0: i32) -> (i32, i32) {
    %c0_i32 = arith.constant 0 : i32
    %c0_i32_0 = arith.constant 0 : i32
    %c0_i32_1 = arith.constant 0 : i32
    return %c0_i32, %c0_i32_0 : i32, i32
  }
  func.func @transform_13(%arg0: i32) -> (i32, i32) {
    %c0_i32 = arith.constant 0 : i32
    %c0_i32_0 = arith.constant 0 : i32
    return %arg0, %c0_i32 : i32, i32
  }
}

</mosaic_0001>

<sc_bundles>
// kernel: kernel.10.cloned.1.call-start
scs
__scs_entry_jumppad:
0x0: {  	(pc) =	sbr.rel $0x88, $3  }
0x1: {  	(tag) =	ssettag $0x0;
	lr =	simm.s32 $0x1  }
0x2: {  	[smem:$0x3F96] =	sst lr;
	_ =	strace $0xD0000000  }
0x3: {  	_ = 	snop  }
0x4: {  	_ = 	snop  }
0x5: {  	_ = 	snop  }
0x6: {  	_ = 	snop  }
0x7: {  	_ = 	snop  }
__scs_overlays_trampoline_lowered:
0x8: {  	[smem:$0x3FA5] =	sst s0  }
0x9: {  	[smem:$0x3FA6] =	sst s1  }
0xa: {  	[smem:$0x3FA7] =	sst s2  }
0xb: {  	[smem:$0x3FA8] =	sst s3  }
0xc: {  	[smem:$0x3FA9] =	sst s4  }
0xd: {  	[smem:$0x3FAA] =	sst s5  }
0xe: {  	[smem:$0x3FAB] =	sst s6  }
0xf: {  	[smem:$0x3FAC] =	sst s7  }
0x10: {  	[smem:$0x3FAD] =	sst s8  }
0x11: {  	[smem:$0x3FAE] =	sst s9;
	s0 =	simm.s32 @!p0 $0x0  }
0x12: {  	s1 =	sld [smem:$0x3F94];
	s0 =	simm.s32 @p0 $0x1  }
0x13: {  	[smem:$0x3FAF] =	sst s0;
	s0 =	simm.s32 @!p1 $0x0  }
0x14: {  	s2 =	sld [smem:$0x3F93];
	s0 =	simm.s32 @p1 $0x1  }
0x15: {  	[smem:$0x3FB0] =	sst s0;
	s0 =	simm.s32 @!p2 $0x0  }
0x16: {  	s3 =	sld [smem:$0x3FDB];
	s0 =	simm.s32 @p2 $0x1  }
0x17: {  	s4 =	simm.s32 $0x1BF5;
	[smem:$0x3FB2] =	sst s0  }
0x18: {  	s0 =	sld [smem:$0x3F95];
	_ =	swait.ge [sflag:s4], $0x0  }
0x19: {  	s7 =	sld [smem:$0x3F96]  }
0x1a: {  	s8 =	sadd.s32 $0xFFFFE003, lr  }
0x1b: {  	s9 =	sadd.s32 $0xFFFFFEF7, lr;
	s5 =	simm.s32 $0xFFFFFFFF;
	p2 =	slt.u32 s8, $0xFFFFF086  }
0x1c: {  	p1 =	slt.u32 s9, $0xF7A;
	s5 =	simm.s32 @!p2 $0x0  }
0x1d: {  	s5 =	simm.s32 @p1 $0x1;
	p0 =	seq.s32 s7, s2  }
0x1e: {  	s7 =	smul.u32 @!p0 $0xF7A, s2;
	p2 =	seq.s32 @!p0 s5, $0x0  }
0x1f: {  	s9 =	smul.u32 $0xF7A, s1;
	s8 =	simm.s32 @!p0 $0x1BF5;
	p2 =	por !p2, p0  }
0x20: {  	[sflag:s8] =	ssyncset.s32 @!p0 $0xFFFFF086;
	s6 =	sadd.s32 @!p0 s3, s7;
	s7 =	simm.s32 @!p0 $0x108  }
0x21: {  	s3 =	sadd.s32 s3, s9;
	s6 =	sadd.s32 @!p0 $0x88, s6;
	s7 =	simm.s32 @p2 $0x1082  }
0x22: {  	[simem:s7], [sflag:s8] =	dma.local @!p0 [hbm:s6], $0xF7A  }
0x23: {  	s9 =	sor.u32 $0xD0000000, s2;
	s6 =	simm.s32 $0x108;
	_ =	swait.ge @!p0 [sflag:s8], $0x0  }
0x24: {  	s3 =	sadd.s32 $0x88, s3;
	s6 =	simm.s32 @!p1 $0x1082;
	[sflag:s4] =	ssyncset.s32 $0xFFFFF086  }
0x25: {  	[simem:s6], [sflag:s4] =	dma.local [hbm:s3], $0xF7A  }
0x26: {  	[smem:$0x3F96] =	sst s1;
	(tag) =	ssettag s2;
	_ =	strace s9  }
0x27: {  	s1 =	sld [smem:$0x3FA6]  }
0x28: {  	s2 =	sld [smem:$0x3FA7]  }
0x29: {  	s4 =	sld [smem:$0x3FA9]  }
0x2a: {  	p0 =	seq.s32 s5, $0x0;
	s5 =	sld [smem:$0x3FAA]  }
0x2b: {  	s6 =	sld [smem:$0x3FAB]  }
0x2c: {  	s7 =	sld [smem:$0x3FAC]  }
0x2d: {  	s3 =	simm.s32 $0x108;
	s8 =	sld [smem:$0x3FAD]  }
0x2e: {  	s3 =	simm.s32 @!p0 $0x1082;
	s9 =	sld [smem:$0x3FAE]  }
0x2f: {  	lr =	sadd.s32 s0, s3;
	s0 =	sld [smem:$0x3FA5]  }
0x30: {  	s3 =	sld [smem:$0x3FA8]  }
0x31: {  	[smem:$0x3FB1] =	sst s10  }
0x32: {  	s10 =	sld [smem:$0x3FAF];
	_ =	sdelay $0x3  }
0x33: {  	p0 =	seq.s32 s10, $0x1;
	s10 =	sld [smem:$0x3FB1];
	_ =	sdelay $0x3  }
0x34: {  	[smem:$0x3FB1] =	sst s10  }
0x35: {  	s10 =	sld [smem:$0x3FB0];
	_ =	sdelay $0x3  }
0x36: {  	p1 =	seq.s32 s10, $0x1;
	s10 =	sld [smem:$0x3FB1];
	_ =	sdelay $0x3  }
0x37: {  	[smem:$0x3FB1] =	sst s10  }
0x38: {  	s10 =	sld [smem:$0x3FB2]  }
0x39: {  	_ = 	snop;
	(pc) =	sbr.ind lr, $3  }
0x3a: {  	_ = 	snop  }
0x3b: {  	_ = 	snop  }
0x3c: {  	p2 =	seq.s32 s10, $0x1;
	s10 =	sld [smem:$0x3FB1]  }
0x3d: {  	_ =	shalt  }
0x3e: {  	_ =	shalt  }
0x3f: {  	_ =	shalt  }
0x40: {  	_ =	shalt  }
0x41: {  	_ =	shalt  }
0x42: {  	_ =	shalt  }
0x43: {  	_ =	shalt  }
0x44: {  	_ =	shalt  }
0x45: {  	_ =	shalt  }
0x46: {  	_ =	shalt  }
0x47: {  	_ =	shalt  }
0x48: {  	_ =	shalt  }
0x49: {  	_ =	shalt  }
0x4a: {  	_ =	shalt  }
0x4b: {  	_ =	shalt  }
0x4c: {  	_ =	shalt  }
0x4d: {  	_ =	shalt  }
0x4e: {  	_ =	shalt  }
0x4f: {  	_ =	shalt  }
0x50: {  	_ =	shalt  }
0x51: {  	_ =	shalt  }
0x52: {  	_ =	shalt  }
0x53: {  	_ =	shalt  }
0x54: {  	_ =	shalt  }
0x55: {  	_ =	shalt  }
0x56: {  	_ =	shalt  }
0x57: {  	_ =	shalt  }
0x58: {  	_ =	shalt  }
0x59: {  	_ =	shalt  }
0x5a: {  	_ =	shalt  }
0x5b: {  	_ =	shalt  }
0x5c: {  	_ =	shalt  }
0x5d: {  	_ =	shalt  }
0x5e: {  	_ =	shalt  }
0x5f: {  	_ =	shalt  }
0x60: {  	_ =	shalt  }
0x61: {  	_ =	shalt  }
0x62: {  	_ =	shalt  }
0x63: {  	_ =	shalt  }
0x64: {  	_ =	shalt  }
0x65: {  	_ =	shalt  }
0x66: {  	_ =	shalt  }
0x67: {  	_ =	shalt  }
0x68: {  	_ =	shalt  }
0x69: {  	_ =	shalt  }
0x6a: {  	_ =	shalt  }
0x6b: {  	_ =	shalt  }
0x6c: {  	_ =	shalt  }
0x6d: {  	_ =	shalt  }
0x6e: {  	_ =	shalt  }
0x6f: {  	_ =	shalt  }
0x70: {  	_ =	shalt  }
0x71: {  	_ =	shalt  }
0x72: {  	_ =	shalt  }
0x73: {  	_ =	shalt  }
0x74: {  	_ =	shalt  }
0x75: {  	_ =	shalt  }
0x76: {  	_ =	shalt  }
0x77: {  	_ =	shalt  }
0x78: {  	_ =	shalt  }
0x79: {  	_ =	shalt  }
0x7a: {  	_ =	shalt  }
0x7b: {  	_ =	shalt  }
0x7c: {  	_ =	shalt  }
0x7d: {  	_ =	shalt  }
0x7e: {  	_ =	shalt  }
0x7f: {  	_ =	shalt  }
0x80: {  	_ =	shalt  }
0x81: {  	_ =	shalt  }
0x82: {  	_ =	shalt  }
0x83: {  	_ =	shalt  }
0x84: {  	_ =	shalt  }
0x85: {  	_ =	shalt  }
0x86: {  	_ =	shalt  }
0x87: {  	_ =	shalt  }
.Lfunc_end0:
.L_simem_size_0:
called_computation.1_lowered:
.L_overlay_start_0:
0x88: {  	s2 =	sld [smem:$0x3FD9]  }
0x89: {  	s3 =	sld [smem:$0x3FFE];
	_ =	sdelay $0x1  }
0x8a: {  	s1 =	srdreg.scid  }
0x8b: {  	s0 =	sand.u32 $0x1, s1  }
0x8c: {  	s14 =	sshll.u32 s0, $0xA;
	s2 =	sadd.s32 s3, s2  }
0x8d: {  	s2 =	sadd.s32 s2, s14  }
0x8e: {  	[smem:$0x3FBD] =	sst s2  }
0x8f: {  	_ = 	snop  }
0x90: {  	s2 =	sld [smem:$0x3FD0];
	_ =	sdelay $0x2  }
0x91: {  	s15 =	simm.s32 $0xA;
	s4 =	simm.s32 $0x10  }
0x92: {  	[smem:s4], [sflag:s15] =	dma.local [hbm:s2], $0x1  }
0x93: {  	_ =	swait.eq [sflag:s15], $0x1  }
0x94: {  	[sflag:s15] =	ssyncset.done $0x0  }
0x95: {  	[sflag:s15] =	ssyncadd.s32 $0xFFFFFFFF  }
0x96: {  	s16 =	sld [smem:$0x10];
	(tm) =	ssettm $0x1  }
0x97: {  	s17 =	sld [smem:$0x3FFB];
	_ =	sdelay $0x3  }
0x98: {  	_ =	strace s17  }
0x99: {  	s3 =	sld [smem:$0x3FFC];
	_ =	sdelay $0x3  }
0x9a: {  	_ =	strace s3  }
0x9b: {  	s3 =	sld [smem:$0x3FFD];
	_ =	sdelay $0x3  }
0x9c: {  	_ =	strace s3  }
0x9d: {  	_ =	strace $0x8FFFFFFF  }
0x9e: {  	s18 =	sld [smem:$0x3FDB];
	_ =	sdelay $0x1  }
0x9f: {  	s19 =	simm.s32 $_scs_section_size  }
0xa0: {  	s5 =	simm.s32 $_size__tile_overlayer_lowered;
	s6 =	simm.s32 $_tile_overlayer_lowered  }
0xa1: {  	s22 =	simm.s32 $0x1BFF;
	s21 =	sshll.u32 s6, $0x1;
	s3 =	sadd.s32 s19, s18  }
0xa2: {  	s7 =	simm.s32 $0x0;
	s20 =	sshll.u32 s5, $0x1;
	s5 =	sadd.s32 s21, s3  }
0xa3: {  	[timem:s7], [sflag:s22] =	dma.local [hbm:s5], s20  }
0xa4: {  	_ =	swait.ge [sflag:s22], s20  }
0xa5: {  	s4 =	ssub.s32 $0x0, s20;
	[sflag:s22] =	ssyncset.done $0x0  }
0xa6: {  	[sflag:s22] =	ssyncadd.s32 s4;
	_ =	sdelay $0x1  }
0xa7: {  	s23 =	simm.s32 $0x1B8B  }
0xa8: {  	_ =	swait.ge [sflag:s23], $0x1  }
0xa9: {  	[sflag:s23] =	ssyncset.done $0x0  }
0xaa: {  	s25 =	simm.s32 $0x1B8E;
	s24 =	sld [smem:$0x3FFE];
	[sflag:s23] =	ssyncadd.s32 $0xFFFFFFFF  }
0xab: {  	s26 =	simm.s32 $execute0_lowered;
	[smem:$0x3FD2] =	sst s25  }
0xac: {  	s5 =	sshll.u32 s26, $0x1;
	_ =	strace $0x80000049;
	[dreg:$0x1] =	wrdreg $0xFFFFFFFF  }
0xad: {  	s28 =	simm.s32 $_size_execute0_lowered;
	s3 =	sadd.s32 s3, s5;
	[dreg:$0x0] =	wrdreg $0x0  }
0xae: {  	s5 =	sshll.u32 s28, $0x1;
	[dreg:$0x2] =	wrdreg s3  }
0xaf: {  	[dreg:$0x3] =	wrdreg s5  }
0xb0: {  	[dreg:$0x4] =	wrdreg $0xC0  }
0xb1: {  	_ =	task [dreg:s7], $0x5FFFF  }
0xb2: {  	[dreg:$0x1] =	wrdreg $0xFFFFFFFF  }
0xb3: {  	[dreg:$0x0] =	wrdreg $0x60  }
0xb4: {  	[dreg:$0x2] =	wrdreg s24  }
0xb5: {  	[dreg:$0x3] =	wrdreg s16  }
0xb6: {  	[dreg:$0x4] =	wrdreg $0x9  }
0xb7: {  	_ =	task.clear_ibuf [dreg:s7], $0x5FFFF;
	_ =	strace $0x90000049  }
0xb8: {  	s29 =	simm.s32 $0x9;
	_ =	strace $0x8000004B  }
0xb9: {  	_ =	swait.ge [sflag:s29], $0x1  }
0xba: {  	[sflag:s29] =	ssyncadd.s32 $0xFFFFFFFF  }
0xbb: {  	_ =	strace $0x9000004B  }
0xbc: {  	_ =	sfence  }
0xbd: {  	s30 =	sld [smem:$0x0];
	_ =	sdelay $0x2  }
0xbe: {  	s31 =	sshll.u32 s1, $0xD;
	s1 =	sshrl.u32 s1, $0x2  }
0xbf: {  	s3 =	sand.u32 $0x4000, s31;
	s1 =	sadd.s32 s1, s30  }
0xc0: {  	s0 =	sor.u32 s3, s0;
	s1 =	sshll.u32 s1, $0x11  }
0xc1: {  	s0 =	sor.u32 s1, s0  }
0xc2: {  	s0 =	sadd.s32 $0x8F2B, s0  }
0xc3: {  	[sflag:s0] =	ssyncadd.remote.s32 $0x1  }
0xc4: {  	_ =	sfence.sel $0xFFFF  }
0xc5: {  	[dreg:$0x0] =	wrdreg $0xFFFFFFFF;
	(pc) =	sbr.abs _section_cstart, $3  }
0xc6: {  	[dreg:$0x1] =	wrdreg $0xFFFFFFFF  }
0xc7: {  	_ =	task.clear_ibuf [dreg:s7], $0x2FFFF;
	_ =	strace $0x9FFFFFFF  }
0xc8: {  	(tm) =	ssettm $0x7FFFFFFF  }
0xc9: {  	_ =	shalt  }
tec
execute0_lowered:
.L_overlay_start_1:
0x0: {  	(tag) =	ssettag $0x1  }
0x1: {  	s0 =	rddreg [dreg:$0x0]  }
0x2: {  	s1 =	srdreg.scid;
	s2 =	stileid.u32  }
0x3: {  	s3 =	rddreg [dreg:$0x1];
	s30 =	simm.s32 $0x100;
	s31 =	simm.s32 $0x180  }
0x4: {  	s29 =	simm.s32 $0x200;
	s1 =	sand.u32 $0x1, s1;
	s4 =	sshll.u32 s2, $0x1  }
0x5: {  	s28 =	simm.s32 $0x280;
	s26 =	simm.s32 $0x300;
	s4 =	sor.u32 s1, s4  }
0x6: {  	s2 =	simm.s32 $0x0;
	s5 =	sshll.u32 s4, $0xF;
	s4 =	sshll.u32 s4, $0x8  }
0x7: {  	[smem:$0x7FF] =	sst s2;
	s6 =	sadd.s32 s5, s0;
	s3 =	sadd.s32 s3, s4  }
0x8: {  	_ =	strace $0x8000004A;
	[dreg:$0x3] =	wrdreg s3;
	s8 =	sadd.s32 $0x142A00, s6  }
0x9: {  	s25 =	simm.s32 $0x380;
	s9 =	sadd.s32 $0x143200, s6;
	[dreg:$0x4] =	wrdreg s8  }
0xa: {  	s24 =	simm.s32 $0x400;
	s10 =	sadd.s32 $0x143A00, s6;
	[dreg:$0x5] =	wrdreg s9  }
0xb: {  	s23 =	simm.s32 $0x480;
	s11 =	sadd.s32 $0x144200, s6;
	[dreg:$0x6] =	wrdreg s10  }
0xc: {  	p0 =	por $0x0, $0x0;
	s12 =	sadd.s32 $0x144A00, s6;
	[dreg:$0x7] =	wrdreg s11  }
0xd: {  	s7 =	sadd.s32 $0xC2A00, s0;
	s13 =	sadd.s32 $0x145200, s6;
	[dreg:$0x8] =	wrdreg s12  }
0xe: {  	s1 =	ssub.s32 $0x2, s1;
	s14 =	sadd.s32 $0x145A00, s6;
	[dreg:$0x9] =	wrdreg s13  }
0xf: {  	s19 =	sshrl.u32 s1, $0x1;
	s15 =	sadd.s32 $0x146200, s6;
	[dreg:$0xa] =	wrdreg s14  }
0x10: {  	s1 =	ssub.s32 s1, s19;
	s16 =	sadd.s32 $0x146A00, s6;
	[dreg:$0xb] =	wrdreg s15  }
0x11: {  	s19 =	simm.s32 $0x680;
	s17 =	sadd.s32 $0x147200, s6;
	[dreg:$0xc] =	wrdreg s16  }
0x12: {  	s18 =	sadd.s32 $0x147A00, s6;
	s20 =	sadd.s32 $0x148200, s6;
	[dreg:$0xd] =	wrdreg s17  }
0x13: {  	s21 =	sadd.s32 $0x148A00, s6;
	s5 =	sadd.s32 $0x149A00, s6;
	[dreg:$0xe] =	wrdreg s18  }
0x14: {  	s4 =	sadd.s32 $0x14A200, s6;
	s22 =	smax.u32 s1, $0x1;
	[dreg:$0xf] =	wrdreg s20  }
0x15: {  	s3 =	simm.s32 $0x5;
	[dreg:$0x10] =	wrdreg s21;
	s8 =	sadd.s32 $0x149200, s6  }
0x16: {  	s15 =	simm.s32 $0x80;
	s13 =	simm.s32 $0x800;
	p1 =	sne.s32 s22, $0x1  }
.Ltmp0:
0x17: {  	s11 =	simm.s32 $0x4800;
	s9 =	simm.s32 $0x8800;
	(pc) =	sbr.rel @!p1 .LBB2_3-.Ltmp0, $4  }
0x18: {  	s6 =	simm.s32 $0xC800;
	s16 =	simm.s32 $0x1;
	s14 =	simm.s32 $0x2  }
0x19: {  	s12 =	simm.s32 $0x3;
	s10 =	simm.s32 $0x4;
	s1 =	sadd.s32 $0xFFFFFFFF, s22  }
0x1a: {  	s22 =	simm.s32 $0x500;
	s21 =	simm.s32 $0x580;
	s20 =	simm.s32 $0x600  }
0x1b: {  	s18 =	simm.s32 $0x700;
	s17 =	simm.s32 $0x780;
	s0 =	rddreg [dreg:$0x3]  }
0x1c: {  	[tilespmem:s2], [sflag:$0x5] =	stream.linear.gather [hbm4b:s0+s2], $0x800, $0x38;
	[tilespmem:$0x10800] =	vst v63  }
0x1d: {  	_ =	swait.ge [sflag:s3], $0x800  }
0x1e: {  	[sflag:s3] =	ssyncset.done $0x0  }
0x1f: {  	[sflag:s3] =	ssyncadd.s32 $0xFFFFF800  }
0x20: {  	[tilespmem:s13], [sflag:$0x1] =	stream.indirect.gather [hbm4b:s7+s15], $0x80, s2, s15, $0xb8;
	[tilespmem:$0x10800] =	vst v63  }
0x21: {  	_ = 	snop  }
0x22: {  	[tilespmem:s11], [sflag:$0x2] =	stream.indirect.gather [hbm4b:s7+s15], $0x80, s15, s15, $0xb8;
	[tilespmem:$0x10800] =	vst v63  }
0x23: {  	_ = 	snop  }
0x24: {  	[tilespmem:s9], [sflag:$0x3] =	stream.indirect.gather [hbm4b:s7+s15], $0x80, s30, s15, $0xb8;
	[tilespmem:$0x10800] =	vst v63  }
0x25: {  	_ = 	snop  }
0x26: {  	[tilespmem:s6], [sflag:$0x4] =	stream.indirect.gather [hbm4b:s7+s15], $0x80, s31, s15, $0xb8;
	[tilespmem:$0x10800] =	vst v63  }
0x27: {  	_ =	swait.ge [sflag:s16], $0x4000  }
0x28: {  	[sflag:s16] =	ssyncset.done $0x0  }
0x29: {  	s0 =	rddreg [dreg:$0x4];
	[sflag:s16] =	ssyncadd.s32 $0xFFFFC000  }
0x2a: {  	[hbm4b:s0+s2] =	stream.linear.scatter [tilespmem:s13], [sflag:$0x5], $0x4000, $0x38;
	[tilespmem:$0x10800] =	vst v63  }
0x2b: {  	_ =	swait.ge [sflag:s3], $0x4000  }
0x2c: {  	[sflag:s3] =	ssyncset.done $0x0  }
0x2d: {  	[sflag:s3] =	ssyncadd.s32 $0xFFFFC000  }
0x2e: {  	[tilespmem:s13], [sflag:$0x1] =	stream.indirect.gather [hbm4b:s7+s15], $0x80, s29, s15, $0xb8;
	[tilespmem:$0x10800] =	vst v63  }
0x2f: {  	_ =	swait.ge [sflag:s14], $0x4000  }
0x30: {  	[sflag:s14] =	ssyncset.done $0x0  }
0x31: {  	s0 =	rddreg [dreg:$0x5];
	[sflag:s14] =	ssyncadd.s32 $0xFFFFC000  }
0x32: {  	[hbm4b:s0+s2] =	stream.linear.scatter [tilespmem:s11], [sflag:$0x5], $0x4000, $0x38;
	[tilespmem:$0x10800] =	vst v63  }
0x33: {  	_ =	swait.ge [sflag:s3], $0x4000  }
0x34: {  	[sflag:s3] =	ssyncset.done $0x0  }
0x35: {  	[sflag:s3] =	ssyncadd.s32 $0xFFFFC000  }
0x36: {  	[tilespmem:s11], [sflag:$0x2] =	stream.indirect.gather [hbm4b:s7+s15], $0x80, s28, s15, $0xb8;
	[tilespmem:$0x10800] =	vst v63  }
0x37: {  	_ =	swait.ge [sflag:s12], $0x4000  }
0x38: {  	[sflag:s12] =	ssyncset.done $0x0  }
0x39: {  	s0 =	rddreg [dreg:$0x6];
	[sflag:s12] =	ssyncadd.s32 $0xFFFFC000  }
0x3a: {  	[hbm4b:s0+s2] =	stream.linear.scatter [tilespmem:s9], [sflag:$0x5], $0x4000, $0x38;
	[tilespmem:$0x10800] =	vst v63  }
0x3b: {  	_ =	swait.ge [sflag:s3], $0x4000  }
0x3c: {  	[sflag:s3] =	ssyncset.done $0x0  }
0x3d: {  	[sflag:s3] =	ssyncadd.s32 $0xFFFFC000  }
0x3e: {  	[tilespmem:s9], [sflag:$0x3] =	stream.indirect.gather [hbm4b:s7+s15], $0x80, s26, s15, $0xb8;
	[tilespmem:$0x10800] =	vst v63  }
0x3f: {  	_ =	swait.ge [sflag:s10], $0x4000  }
0x40: {  	[sflag:s10] =	ssyncset.done $0x0  }
0x41: {  	s0 =	rddreg [dreg:$0x7];
	[sflag:s10] =	ssyncadd.s32 $0xFFFFC000  }
0x42: {  	[hbm4b:s0+s2] =	stream.linear.scatter [tilespmem:s6], [sflag:$0x5], $0x4000, $0x38;
	[tilespmem:$0x10800] =	vst v63  }
0x43: {  	_ =	swait.ge [sflag:s3], $0x4000  }
0x44: {  	[sflag:s3] =	ssyncset.done $0x0  }
0x45: {  	[sflag:s3] =	ssyncadd.s32 $0xFFFFC000  }
0x46: {  	[tilespmem:s6], [sflag:$0x4] =	stream.indirect.gather [hbm4b:s7+s15], $0x80, s25, s15, $0xb8;
	[tilespmem:$0x10800] =	vst v63  }
0x47: {  	_ =	swait.ge [sflag:s16], $0x4000  }
0x48: {  	[sflag:s16] =	ssyncset.done $0x0  }
0x49: {  	s0 =	rddreg [dreg:$0x8];
	[sflag:s16] =	ssyncadd.s32 $0xFFFFC000  }
0x4a: {  	[hbm4b:s0+s2] =	stream.linear.scatter [tilespmem:s13], [sflag:$0x5], $0x4000, $0x38;
	[tilespmem:$0x10800] =	vst v63  }
0x4b: {  	_ =	swait.ge [sflag:s3], $0x4000  }
0x4c: {  	[sflag:s3] =	ssyncset.done $0x0  }
0x4d: {  	[sflag:s3] =	ssyncadd.s32 $0xFFFFC000  }
0x4e: {  	[tilespmem:s13], [sflag:$0x1] =	stream.indirect.gather [hbm4b:s7+s15], $0x80, s24, s15, $0xb8;
	[tilespmem:$0x10800] =	vst v63  }
0x4f: {  	_ =	swait.ge [sflag:s14], $0x4000  }
0x50: {  	[sflag:s14] =	ssyncset.done $0x0  }
0x51: {  	s0 =	rddreg [dreg:$0x9];
	[sflag:s14] =	ssyncadd.s32 $0xFFFFC000  }
0x52: {  	[hbm4b:s0+s2] =	stream.linear.scatter [tilespmem:s11], [sflag:$0x5], $0x4000, $0x38;
	[tilespmem:$0x10800] =	vst v63  }
0x53: {  	_ =	swait.ge [sflag:s3], $0x4000  }
0x54: {  	[sflag:s3] =	ssyncset.done $0x0  }
0x55: {  	[sflag:s3] =	ssyncadd.s32 $0xFFFFC000  }
0x56: {  	[tilespmem:s11], [sflag:$0x2] =	stream.indirect.gather [hbm4b:s7+s15], $0x80, s23, s15, $0xb8;
	[tilespmem:$0x10800] =	vst v63  }
0x57: {  	_ =	swait.ge [sflag:s12], $0x4000  }
0x58: {  	[sflag:s12] =	ssyncset.done $0x0  }
0x59: {  	s0 =	rddreg [dreg:$0xa];
	[sflag:s12] =	ssyncadd.s32 $0xFFFFC000  }
0x5a: {  	[hbm4b:s0+s2] =	stream.linear.scatter [tilespmem:s9], [sflag:$0x5], $0x4000, $0x38;
	[tilespmem:$0x10800] =	vst v63  }
0x5b: {  	_ =	swait.ge [sflag:s3], $0x4000  }
0x5c: {  	[sflag:s3] =	ssyncset.done $0x0  }
0x5d: {  	[sflag:s3] =	ssyncadd.s32 $0xFFFFC000  }
0x5e: {  	[tilespmem:s9], [sflag:$0x3] =	stream.indirect.gather [hbm4b:s7+s15], $0x80, s22, s15, $0xb8;
	[tilespmem:$0x10800] =	vst v63  }
0x5f: {  	_ =	swait.ge [sflag:s10], $0x4000  }
0x60: {  	[sflag:s10] =	ssyncset.done $0x0  }
0x61: {  	s0 =	rddreg [dreg:$0xb];
	[sflag:s10] =	ssyncadd.s32 $0xFFFFC000  }
0x62: {  	[hbm4b:s0+s2] =	stream.linear.scatter [tilespmem:s6], [sflag:$0x5], $0x4000, $0x38;
	[tilespmem:$0x10800] =	vst v63  }
0x63: {  	_ =	swait.ge [sflag:s3], $0x4000  }
0x64: {  	[sflag:s3] =	ssyncset.done $0x0  }
0x65: {  	[sflag:s3] =	ssyncadd.s32 $0xFFFFC000  }
0x66: {  	[tilespmem:s6], [sflag:$0x4] =	stream.indirect.gather [hbm4b:s7+s15], $0x80, s21, s15, $0xb8;
	[tilespmem:$0x10800] =	vst v63  }
0x67: {  	_ =	swait.ge [sflag:s16], $0x4000  }
0x68: {  	[sflag:s16] =	ssyncset.done $0x0  }
0x69: {  	s0 =	rddreg [dreg:$0xc];
	[sflag:s16] =	ssyncadd.s32 $0xFFFFC000  }
0x6a: {  	[hbm4b:s0+s2] =	stream.linear.scatter [tilespmem:s13], [sflag:$0x5], $0x4000, $0x38;
	[tilespmem:$0x10800] =	vst v63  }
0x6b: {  	_ =	swait.ge [sflag:s3], $0x4000  }
0x6c: {  	[sflag:s3] =	ssyncset.done $0x0  }
0x6d: {  	[sflag:s3] =	ssyncadd.s32 $0xFFFFC000  }
0x6e: {  	[tilespmem:s13], [sflag:$0x1] =	stream.indirect.gather [hbm4b:s7+s15], $0x80, s20, s15, $0xb8;
	[tilespmem:$0x10800] =	vst v63  }
0x6f: {  	_ =	swait.ge [sflag:s14], $0x4000  }
0x70: {  	[sflag:s14] =	ssyncset.done $0x0  }
0x71: {  	s0 =	rddreg [dreg:$0xd];
	[sflag:s14] =	ssyncadd.s32 $0xFFFFC000  }
0x72: {  	[hbm4b:s0+s2] =	stream.linear.scatter [tilespmem:s11], [sflag:$0x5], $0x4000, $0x38;
	[tilespmem:$0x10800] =	vst v63  }
0x73: {  	_ =	swait.ge [sflag:s3], $0x4000  }
0x74: {  	[sflag:s3] =	ssyncset.done $0x0  }
0x75: {  	[sflag:s3] =	ssyncadd.s32 $0xFFFFC000  }
0x76: {  	[tilespmem:s11], [sflag:$0x2] =	stream.indirect.gather [hbm4b:s7+s15], $0x80, s19, s15, $0xb8;
	[tilespmem:$0x10800] =	vst v63  }
0x77: {  	_ =	swait.ge [sflag:s12], $0x4000  }
0x78: {  	[sflag:s12] =	ssyncset.done $0x0  }
0x79: {  	s0 =	rddreg [dreg:$0xe];
	[sflag:s12] =	ssyncadd.s32 $0xFFFFC000  }
0x7a: {  	[hbm4b:s0+s2] =	stream.linear.scatter [tilespmem:s9], [sflag:$0x5], $0x4000, $0x38;
	[tilespmem:$0x10800] =	vst v63  }
0x7b: {  	_ =	swait.ge [sflag:s3], $0x4000  }
0x7c: {  	[sflag:s3] =	ssyncset.done $0x0  }
0x7d: {  	[sflag:s3] =	ssyncadd.s32 $0xFFFFC000  }
0x7e: {  	[tilespmem:s9], [sflag:$0x3] =	stream.indirect.gather [hbm4b:s7+s15], $0x80, s18, s15, $0xb8;
	[tilespmem:$0x10800] =	vst v63  }
0x7f: {  	_ =	swait.ge [sflag:s10], $0x4000  }
0x80: {  	[sflag:s10] =	ssyncset.done $0x0  }
0x81: {  	s0 =	rddreg [dreg:$0xf];
	[sflag:s10] =	ssyncadd.s32 $0xFFFFC000  }
0x82: {  	[hbm4b:s0+s2] =	stream.linear.scatter [tilespmem:s6], [sflag:$0x5], $0x4000, $0x38;
	[tilespmem:$0x10800] =	vst v63  }
0x83: {  	_ =	swait.ge [sflag:s3], $0x4000  }
0x84: {  	[sflag:s3] =	ssyncset.done $0x0  }
0x85: {  	[sflag:s3] =	ssyncadd.s32 $0xFFFFC000  }
0x86: {  	[tilespmem:s6], [sflag:$0x4] =	stream.indirect.gather [hbm4b:s7+s15], $0x80, s17, s15, $0xb8;
	[tilespmem:$0x10800] =	vst v63  }
0x87: {  	_ =	swait.ge [sflag:s16], $0x4000  }
0x88: {  	[sflag:s16] =	ssyncset.done $0x0  }
0x89: {  	s0 =	rddreg [dreg:$0x10];
	[sflag:s16] =	ssyncadd.s32 $0xFFFFC000  }
0x8a: {  	[hbm4b:s0+s2] =	stream.linear.scatter [tilespmem:s13], [sflag:$0x5], $0x4000, $0x38;
	[tilespmem:$0x10800] =	vst v63  }
0x8b: {  	_ =	swait.ge [sflag:s3], $0x4000  }
0x8c: {  	[sflag:s3] =	ssyncset.done $0x0  }
0x8d: {  	[sflag:s3] =	ssyncadd.s32 $0xFFFFC000  }
0x8e: {  	_ =	swait.ge [sflag:s14], $0x4000  }
0x8f: {  	[sflag:s14] =	ssyncset.done $0x0  }
0x90: {  	[sflag:s14] =	ssyncadd.s32 $0xFFFFC000  }
0x91: {  	[hbm4b:s8+s2] =	stream.linear.scatter [tilespmem:s11], [sflag:$0x5], $0x4000, $0x38;
	[tilespmem:$0x10800] =	vst v63  }
0x92: {  	_ =	swait.ge [sflag:s3], $0x4000  }
0x93: {  	[sflag:s3] =	ssyncset.done $0x0  }
0x94: {  	[sflag:s3] =	ssyncadd.s32 $0xFFFFC000  }
0x95: {  	_ =	swait.ge [sflag:s12], $0x4000  }
0x96: {  	[sflag:s12] =	ssyncset.done $0x0  }
0x97: {  	[sflag:s12] =	ssyncadd.s32 $0xFFFFC000  }
0x98: {  	[hbm4b:s5+s2] =	stream.linear.scatter [tilespmem:s9], [sflag:$0x5], $0x4000, $0x38;
	[tilespmem:$0x10800] =	vst v63  }
0x99: {  	_ =	swait.ge [sflag:s3], $0x4000  }
0x9a: {  	[sflag:s3] =	ssyncset.done $0x0  }
0x9b: {  	[sflag:s3] =	ssyncadd.s32 $0xFFFFC000  }
0x9c: {  	p1 =	sne.s32 s1, $0x1;
	_ =	swait.ge [sflag:s10], $0x4000  }
.Ltmp1:
0x9d: {  	[sflag:s10] =	ssyncset.done $0x0;
	(pc) =	sbr.rel @!p1 .LBB2_3-.Ltmp1, $4  }
0x9e: {  	[sflag:s10] =	ssyncadd.s32 $0xFFFFC000  }
0x9f: {  	[hbm4b:s4+s2] =	stream.linear.scatter [tilespmem:s6], [sflag:$0x5], $0x4000, $0x38;
	[tilespmem:$0x10800] =	vst v63  }
0xa0: {  	s1 =	sadd.s32 $0xFFFFFFFF, s1;
	_ =	swait.ge [sflag:s3], $0x4000  }
0xa1: {  	p0 =	por $0x1, $0x1;
	s0 =	rddreg [dreg:$0x3];
	[sflag:s3] =	ssyncset.done $0x0  }
.LBB2_2:
0xa2: {  	[sflag:s3] =	ssyncadd.s32 $0xFFFFC000  }
0xa3: {  	[tilespmem:s2], [sflag:$0x5] =	stream.linear.gather [hbm4b:s0+s2], $0x800, $0x38;
	[tilespmem:$0x10800] =	vst v63  }
0xa4: {  	_ =	swait.ge [sflag:s3], $0x800  }
0xa5: {  	[sflag:s3] =	ssyncset.done $0x0  }
0xa6: {  	[sflag:s3] =	ssyncadd.s32 $0xFFFFF800  }
0xa7: {  	[tilespmem:s13], [sflag:$0x1] =	stream.indirect.gather [hbm4b:s7+s15], $0x80, s2, s15, $0xb8;
	[tilespmem:$0x10800] =	vst v63  }
0xa8: {  	_ = 	snop  }
0xa9: {  	[tilespmem:s11], [sflag:$0x2] =	stream.indirect.gather [hbm4b:s7+s15], $0x80, s15, s15, $0xb8;
	[tilespmem:$0x10800] =	vst v63  }
0xaa: {  	_ = 	snop  }
0xab: {  	[tilespmem:s9], [sflag:$0x3] =	stream.indirect.gather [hbm4b:s7+s15], $0x80, s30, s15, $0xb8;
	[tilespmem:$0x10800] =	vst v63  }
0xac: {  	_ = 	snop  }
0xad: {  	[tilespmem:s6], [sflag:$0x4] =	stream.indirect.gather [hbm4b:s7+s15], $0x80, s31, s15, $0xb8;
	[tilespmem:$0x10800] =	vst v63  }
0xae: {  	_ =	swait.ge [sflag:s16], $0x4000  }
0xaf: {  	[sflag:s16] =	ssyncset.done $0x0  }
0xb0: {  	s0 =	rddreg [dreg:$0x4];
	[sflag:s16] =	ssyncadd.s32 $0xFFFFC000  }
0xb1: {  	[hbm4b:s0+s2] =	stream.linear.scatter [tilespmem:s13], [sflag:$0x5], $0x4000, $0x38;
	[tilespmem:$0x10800] =	vst v63  }
0xb2: {  	_ =	swait.ge [sflag:s3], $0x4000  }
0xb3: {  	[sflag:s3] =	ssyncset.done $0x0  }
0xb4: {  	[sflag:s3] =	ssyncadd.s32 $0xFFFFC000  }
0xb5: {  	[tilespmem:s13], [sflag:$0x1] =	stream.indirect.gather [hbm4b:s7+s15], $0x80, s29, s15, $0xb8;
	[tilespmem:$0x10800] =	vst v63  }
0xb6: {  	_ =	swait.ge [sflag:s14], $0x4000  }
0xb7: {  	[sflag:s14] =	ssyncset.done $0x0  }
0xb8: {  	s0 =	rddreg [dreg:$0x5];
	[sflag:s14] =	ssyncadd.s32 $0xFFFFC000  }
0xb9: {  	[hbm4b:s0+s2] =	stream.linear.scatter [tilespmem:s11], [sflag:$0x5], $0x4000, $0x38;
	[tilespmem:$0x10800] =	vst v63  }
0xba: {  	_ =	swait.ge [sflag:s3], $0x4000  }
0xbb: {  	[sflag:s3] =	ssyncset.done $0x0  }
0xbc: {  	[sflag:s3] =	ssyncadd.s32 $0xFFFFC000  }
0xbd: {  	[tilespmem:s11], [sflag:$0x2] =	stream.indirect.gather [hbm4b:s7+s15], $0x80, s28, s15, $0xb8;
	[tilespmem:$0x10800] =	vst v63  }
0xbe: {  	_ =	swait.ge [sflag:s12], $0x4000  }
0xbf: {  	[sflag:s12] =	ssyncset.done $0x0  }
0xc0: {  	s0 =	rddreg [dreg:$0x6];
	[sflag:s12] =	ssyncadd.s32 $0xFFFFC000  }
0xc1: {  	[hbm4b:s0+s2] =	stream.linear.scatter [tilespmem:s9], [sflag:$0x5], $0x4000, $0x38;
	[tilespmem:$0x10800] =	vst v63  }
0xc2: {  	_ =	swait.ge [sflag:s3], $0x4000  }
0xc3: {  	[sflag:s3] =	ssyncset.done $0x0  }
0xc4: {  	[sflag:s3] =	ssyncadd.s32 $0xFFFFC000  }
0xc5: {  	[tilespmem:s9], [sflag:$0x3] =	stream.indirect.gather [hbm4b:s7+s15], $0x80, s26, s15, $0xb8;
	[tilespmem:$0x10800] =	vst v63  }
0xc6: {  	_ =	swait.ge [sflag:s10], $0x4000  }
0xc7: {  	[sflag:s10] =	ssyncset.done $0x0  }
0xc8: {  	s0 =	rddreg [dreg:$0x7];
	[sflag:s10] =	ssyncadd.s32 $0xFFFFC000  }
0xc9: {  	[hbm4b:s0+s2] =	stream.linear.scatter [tilespmem:s6], [sflag:$0x5], $0x4000, $0x38;
	[tilespmem:$0x10800] =	vst v63  }
0xca: {  	_ =	swait.ge [sflag:s3], $0x4000  }
0xcb: {  	[sflag:s3] =	ssyncset.done $0x0  }
0xcc: {  	[sflag:s3] =	ssyncadd.s32 $0xFFFFC000  }
0xcd: {  	[tilespmem:s6], [sflag:$0x4] =	stream.indirect.gather [hbm4b:s7+s15], $0x80, s25, s15, $0xb8;
	[tilespmem:$0x10800] =	vst v63  }
0xce: {  	_ =	swait.ge [sflag:s16], $0x4000  }
0xcf: {  	[sflag:s16] =	ssyncset.done $0x0  }
0xd0: {  	s0 =	rddreg [dreg:$0x8];
	[sflag:s16] =	ssyncadd.s32 $0xFFFFC000  }
0xd1: {  	[hbm4b:s0+s2] =	stream.linear.scatter [tilespmem:s13], [sflag:$0x5], $0x4000, $0x38;
	[tilespmem:$0x10800] =	vst v63  }
0xd2: {  	_ =	swait.ge [sflag:s3], $0x4000  }
0xd3: {  	[sflag:s3] =	ssyncset.done $0x0  }
0xd4: {  	[sflag:s3] =	ssyncadd.s32 $0xFFFFC000  }
0xd5: {  	[tilespmem:s13], [sflag:$0x1] =	stream.indirect.gather [hbm4b:s7+s15], $0x80, s24, s15, $0xb8;
	[tilespmem:$0x10800] =	vst v63  }
0xd6: {  	_ =	swait.ge [sflag:s14], $0x4000  }
0xd7: {  	[sflag:s14] =	ssyncset.done $0x0  }
0xd8: {  	s0 =	rddreg [dreg:$0x9];
	[sflag:s14] =	ssyncadd.s32 $0xFFFFC000  }
0xd9: {  	[hbm4b:s0+s2] =	stream.linear.scatter [tilespmem:s11], [sflag:$0x5], $0x4000, $0x38;
	[tilespmem:$0x10800] =	vst v63  }
0xda: {  	_ =	swait.ge [sflag:s3], $0x4000  }
0xdb: {  	[sflag:s3] =	ssyncset.done $0x0  }
0xdc: {  	[sflag:s3] =	ssyncadd.s32 $0xFFFFC000  }
0xdd: {  	[tilespmem:s11], [sflag:$0x2] =	stream.indirect.gather [hbm4b:s7+s15], $0x80, s23, s15, $0xb8;
	[tilespmem:$0x10800] =	vst v63  }
0xde: {  	_ =	swait.ge [sflag:s12], $0x4000  }
0xdf: {  	[sflag:s12] =	ssyncset.done $0x0  }
0xe0: {  	s0 =	rddreg [dreg:$0xa];
	[sflag:s12] =	ssyncadd.s32 $0xFFFFC000  }
0xe1: {  	[hbm4b:s0+s2] =	stream.linear.scatter [tilespmem:s9], [sflag:$0x5], $0x4000, $0x38;
	[tilespmem:$0x10800] =	vst v63  }
0xe2: {  	_ =	swait.ge [sflag:s3], $0x4000  }
0xe3: {  	[sflag:s3] =	ssyncset.done $0x0  }
0xe4: {  	[sflag:s3] =	ssyncadd.s32 $0xFFFFC000  }
0xe5: {  	[tilespmem:s9], [sflag:$0x3] =	stream.indirect.gather [hbm4b:s7+s15], $0x80, s22, s15, $0xb8;
	[tilespmem:$0x10800] =	vst v63  }
0xe6: {  	_ =	swait.ge [sflag:s10], $0x4000  }
0xe7: {  	[sflag:s10] =	ssyncset.done $0x0  }
0xe8: {  	s0 =	rddreg [dreg:$0xb];
	[sflag:s10] =	ssyncadd.s32 $0xFFFFC000  }
0xe9: {  	[hbm4b:s0+s2] =	stream.linear.scatter [tilespmem:s6], [sflag:$0x5], $0x4000, $0x38;
	[tilespmem:$0x10800] =	vst v63  }
0xea: {  	_ =	swait.ge [sflag:s3], $0x4000  }
0xeb: {  	[sflag:s3] =	ssyncset.done $0x0  }
0xec: {  	[sflag:s3] =	ssyncadd.s32 $0xFFFFC000  }
0xed: {  	[tilespmem:s6], [sflag:$0x4] =	stream.indirect.gather [hbm4b:s7+s15], $0x80, s21, s15, $0xb8;
	[tilespmem:$0x10800] =	vst v63  }
0xee: {  	_ =	swait.ge [sflag:s16], $0x4000  }
0xef: {  	[sflag:s16] =	ssyncset.done $0x0  }
0xf0: {  	s0 =	rddreg [dreg:$0xc];
	[sflag:s16] =	ssyncadd.s32 $0xFFFFC000  }
0xf1: {  	[hbm4b:s0+s2] =	stream.linear.scatter [tilespmem:s13], [sflag:$0x5], $0x4000, $0x38;
	[tilespmem:$0x10800] =	vst v63  }
0xf2: {  	_ =	swait.ge [sflag:s3], $0x4000  }
0xf3: {  	[sflag:s3] =	ssyncset.done $0x0  }
0xf4: {  	[sflag:s3] =	ssyncadd.s32 $0xFFFFC000  }
0xf5: {  	[tilespmem:s13], [sflag:$0x1] =	stream.indirect.gather [hbm4b:s7+s15], $0x80, s20, s15, $0xb8;
	[tilespmem:$0x10800] =	vst v63  }
0xf6: {  	_ =	swait.ge [sflag:s14], $0x4000  }
0xf7: {  	[sflag:s14] =	ssyncset.done $0x0  }
0xf8: {  	s0 =	rddreg [dreg:$0xd];
	[sflag:s14] =	ssyncadd.s32 $0xFFFFC000  }
0xf9: {  	[hbm4b:s0+s2] =	stream.linear.scatter [tilespmem:s11], [sflag:$0x5], $0x4000, $0x38;
	[tilespmem:$0x10800] =	vst v63  }
0xfa: {  	_ =	swait.ge [sflag:s3], $0x4000  }
0xfb: {  	[sflag:s3] =	ssyncset.done $0x0  }
0xfc: {  	[sflag:s3] =	ssyncadd.s32 $0xFFFFC000  }
0xfd: {  	[tilespmem:s11], [sflag:$0x2] =	stream.indirect.gather [hbm4b:s7+s15], $0x80, s19, s15, $0xb8;
	[tilespmem:$0x10800] =	vst v63  }
0xfe: {  	_ =	swait.ge [sflag:s12], $0x4000  }
0xff: {  	[sflag:s12] =	ssyncset.done $0x0  }
0x100: {  	s0 =	rddreg [dreg:$0xe];
	[sflag:s12] =	ssyncadd.s32 $0xFFFFC000  }
0x101: {  	[hbm4b:s0+s2] =	stream.linear.scatter [tilespmem:s9], [sflag:$0x5], $0x4000, $0x38;
	[tilespmem:$0x10800] =	vst v63  }
0x102: {  	_ =	swait.ge [sflag:s3], $0x4000  }
0x103: {  	[sflag:s3] =	ssyncset.done $0x0  }
0x104: {  	[sflag:s3] =	ssyncadd.s32 $0xFFFFC000  }
0x105: {  	[tilespmem:s9], [sflag:$0x3] =	stream.indirect.gather [hbm4b:s7+s15], $0x80, s18, s15, $0xb8;
	[tilespmem:$0x10800] =	vst v63  }
0x106: {  	_ =	swait.ge [sflag:s10], $0x4000  }
0x107: {  	[sflag:s10] =	ssyncset.done $0x0  }
0x108: {  	s0 =	rddreg [dreg:$0xf];
	[sflag:s10] =	ssyncadd.s32 $0xFFFFC000  }
0x109: {  	[hbm4b:s0+s2] =	stream.linear.scatter [tilespmem:s6], [sflag:$0x5], $0x4000, $0x38;
	[tilespmem:$0x10800] =	vst v63  }
0x10a: {  	_ =	swait.ge [sflag:s3], $0x4000  }
0x10b: {  	[sflag:s3] =	ssyncset.done $0x0  }
0x10c: {  	[sflag:s3] =	ssyncadd.s32 $0xFFFFC000  }
0x10d: {  	[tilespmem:s6], [sflag:$0x4] =	stream.indirect.gather [hbm4b:s7+s15], $0x80, s17, s15, $0xb8;
	[tilespmem:$0x10800] =	vst v63  }
0x10e: {  	_ =	swait.ge [sflag:s16], $0x4000  }
0x10f: {  	[sflag:s16] =	ssyncset.done $0x0  }
0x110: {  	s0 =	rddreg [dreg:$0x10];
	[sflag:s16] =	ssyncadd.s32 $0xFFFFC000  }
0x111: {  	[hbm4b:s0+s2] =	stream.linear.scatter [tilespmem:s13], [sflag:$0x5], $0x4000, $0x38;
	[tilespmem:$0x10800] =	vst v63  }
0x112: {  	_ =	swait.ge [sflag:s3], $0x4000  }
0x113: {  	[sflag:s3] =	ssyncset.done $0x0  }
0x114: {  	[sflag:s3] =	ssyncadd.s32 $0xFFFFC000  }
0x115: {  	_ =	swait.ge [sflag:s14], $0x4000  }
0x116: {  	[sflag:s14] =	ssyncset.done $0x0  }
0x117: {  	[sflag:s14] =	ssyncadd.s32 $0xFFFFC000  }
0x118: {  	[hbm4b:s8+s2] =	stream.linear.scatter [tilespmem:s11], [sflag:$0x5], $0x4000, $0x38;
	[tilespmem:$0x10800] =	vst v63  }
0x119: {  	_ =	swait.ge [sflag:s3], $0x4000  }
0x11a: {  	[sflag:s3] =	ssyncset.done $0x0  }
0x11b: {  	[sflag:s3] =	ssyncadd.s32 $0xFFFFC000  }
0x11c: {  	_ =	swait.ge [sflag:s12], $0x4000  }
0x11d: {  	[sflag:s12] =	ssyncset.done $0x0  }
0x11e: {  	[sflag:s12] =	ssyncadd.s32 $0xFFFFC000  }
0x11f: {  	[hbm4b:s5+s2] =	stream.linear.scatter [tilespmem:s9], [sflag:$0x5], $0x4000, $0x38;
	[tilespmem:$0x10800] =	vst v63  }
0x120: {  	_ =	swait.ge [sflag:s3], $0x4000  }
0x121: {  	[sflag:s3] =	ssyncset.done $0x0  }
0x122: {  	[sflag:s3] =	ssyncadd.s32 $0xFFFFC000  }
0x123: {  	p1 =	sne.s32 s1, $0x1;
	_ =	swait.ge [sflag:s10], $0x4000  }
.Ltmp2:
0x124: {  	[sflag:s10] =	ssyncset.done $0x0;
	(pc) =	sbr.rel @p1 .LBB2_2-.Ltmp2, $4  }
0x125: {  	[sflag:s10] =	ssyncadd.s32 $0xFFFFC000  }
0x126: {  	[hbm4b:s4+s2] =	stream.linear.scatter [tilespmem:s6], [sflag:$0x5], $0x4000, $0x38;
	[tilespmem:$0x10800] =	vst v63  }
0x127: {  	_ =	swait.ge [sflag:s3], $0x4000  }
0x128: {  	s1 =	sadd.s32 $0xFFFFFFFF, s1;
	s0 =	rddreg [dreg:$0x3];
	[sflag:s3] =	ssyncset.done $0x0  }
.LBB2_3:
0x129: {  	[sflag:s3] =	ssyncadd.s32 @p0 $0xFFFFC000  }
0x12a: {  	[tilespmem:s2], [sflag:$0x5] =	stream.linear.gather [hbm4b:s0+s2], $0x800, $0x38;
	[tilespmem:$0x10800] =	vst v63  }
0x12b: {  	_ =	swait.ge [sflag:s3], $0x800  }
0x12c: {  	[sflag:s3] =	ssyncset.done $0x0  }
0x12d: {  	[sflag:s3] =	ssyncadd.s32 $0xFFFFF800  }
0x12e: {  	[tilespmem:s13], [sflag:$0x1] =	stream.indirect.gather [hbm4b:s7+s15], $0x80, s2, s15, $0xb8;
	[tilespmem:$0x10800] =	vst v63  }
0x12f: {  	_ = 	snop  }
0x130: {  	[tilespmem:s11], [sflag:$0x2] =	stream.indirect.gather [hbm4b:s7+s15], $0x80, s15, s15, $0xb8;
	[tilespmem:$0x10800] =	vst v63  }
0x131: {  	_ = 	snop  }
0x132: {  	[tilespmem:s9], [sflag:$0x3] =	stream.indirect.gather [hbm4b:s7+s15], $0x80, s30, s15, $0xb8;
	[tilespmem:$0x10800] =	vst v63  }
0x133: {  	_ = 	snop  }
0x134: {  	[tilespmem:s6], [sflag:$0x4] =	stream.indirect.gather [hbm4b:s7+s15], $0x80, s31, s15, $0xb8;
	[tilespmem:$0x10800] =	vst v63  }
0x135: {  	_ =	swait.ge [sflag:s16], $0x4000  }
0x136: {  	[sflag:s16] =	ssyncset.done $0x0  }
0x137: {  	s31 =	rddreg [dreg:$0x4];
	[sflag:s16] =	ssyncadd.s32 $0xFFFFC000  }
0x138: {  	[hbm4b:s31+s2] =	stream.linear.scatter [tilespmem:s13], [sflag:$0x5], $0x4000, $0x38;
	[tilespmem:$0x10800] =	vst v63  }
0x139: {  	_ =	swait.ge [sflag:s3], $0x4000  }
0x13a: {  	[sflag:s3] =	ssyncset.done $0x0  }
0x13b: {  	[sflag:s3] =	ssyncadd.s32 $0xFFFFC000  }
0x13c: {  	[tilespmem:s13], [sflag:$0x1] =	stream.indirect.gather [hbm4b:s7+s15], $0x80, s29, s15, $0xb8;
	[tilespmem:$0x10800] =	vst v63  }
0x13d: {  	_ =	swait.ge [sflag:s14], $0x4000  }
0x13e: {  	[sflag:s14] =	ssyncset.done $0x0  }
0x13f: {  	s1 =	rddreg [dreg:$0x5];
	[sflag:s14] =	ssyncadd.s32 $0xFFFFC000  }
0x140: {  	[hbm4b:s1+s2] =	stream.linear.scatter [tilespmem:s11], [sflag:$0x5], $0x4000, $0x38;
	[tilespmem:$0x10800] =	vst v63  }
0x141: {  	_ =	swait.ge [sflag:s3], $0x4000  }
0x142: {  	[sflag:s3] =	ssyncset.done $0x0  }
0x143: {  	[sflag:s3] =	ssyncadd.s32 $0xFFFFC000  }
0x144: {  	[tilespmem:s11], [sflag:$0x2] =	stream.indirect.gather [hbm4b:s7+s15], $0x80, s28, s15, $0xb8;
	[tilespmem:$0x10800] =	vst v63  }
0x145: {  	_ =	swait.ge [sflag:s12], $0x4000  }
0x146: {  	[sflag:s12] =	ssyncset.done $0x0  }
0x147: {  	s29 =	rddreg [dreg:$0x6];
	[sflag:s12] =	ssyncadd.s32 $0xFFFFC000  }
0x148: {  	[hbm4b:s29+s2] =	stream.linear.scatter [tilespmem:s9], [sflag:$0x5], $0x4000, $0x38;
	[tilespmem:$0x10800] =	vst v63  }
0x149: {  	_ =	swait.ge [sflag:s3], $0x4000  }
0x14a: {  	[sflag:s3] =	ssyncset.done $0x0  }
0x14b: {  	[sflag:s3] =	ssyncadd.s32 $0xFFFFC000  }
0x14c: {  	[tilespmem:s9], [sflag:$0x3] =	stream.indirect.gather [hbm4b:s7+s15], $0x80, s26, s15, $0xb8;
	[tilespmem:$0x10800] =	vst v63  }
0x14d: {  	_ =	swait.ge [sflag:s10], $0x4000  }
0x14e: {  	[sflag:s10] =	ssyncset.done $0x0  }
0x14f: {  	s30 =	rddreg [dreg:$0x7];
	[sflag:s10] =	ssyncadd.s32 $0xFFFFC000  }
0x150: {  	[hbm4b:s30+s2] =	stream.linear.scatter [tilespmem:s6], [sflag:$0x5], $0x4000, $0x38;
	[tilespmem:$0x10800] =	vst v63  }
0x151: {  	_ =	swait.ge [sflag:s3], $0x4000  }
0x152: {  	[sflag:s3] =	ssyncset.done $0x0  }
0x153: {  	[sflag:s3] =	ssyncadd.s32 $0xFFFFC000  }
0x154: {  	[tilespmem:s6], [sflag:$0x4] =	stream.indirect.gather [hbm4b:s7+s15], $0x80, s25, s15, $0xb8;
	[tilespmem:$0x10800] =	vst v63  }
0x155: {  	_ =	swait.ge [sflag:s16], $0x4000  }
0x156: {  	[sflag:s16] =	ssyncset.done $0x0  }
0x157: {  	s31 =	rddreg [dreg:$0x8];
	[sflag:s16] =	ssyncadd.s32 $0xFFFFC000  }
0x158: {  	[hbm4b:s31+s2] =	stream.linear.scatter [tilespmem:s13], [sflag:$0x5], $0x4000, $0x38;
	[tilespmem:$0x10800] =	vst v63  }
0x159: {  	_ =	swait.ge [sflag:s3], $0x4000  }
0x15a: {  	[sflag:s3] =	ssyncset.done $0x0  }
0x15b: {  	[sflag:s3] =	ssyncadd.s32 $0xFFFFC000  }
0x15c: {  	[tilespmem:s13], [sflag:$0x1] =	stream.indirect.gather [hbm4b:s7+s15], $0x80, s24, s15, $0xb8;
	[tilespmem:$0x10800] =	vst v63  }
0x15d: {  	_ =	swait.ge [sflag:s14], $0x4000  }
0x15e: {  	[sflag:s14] =	ssyncset.done $0x0  }
0x15f: {  	s1 =	rddreg [dreg:$0x9];
	[sflag:s14] =	ssyncadd.s32 $0xFFFFC000  }
0x160: {  	[hbm4b:s1+s2] =	stream.linear.scatter [tilespmem:s11], [sflag:$0x5], $0x4000, $0x38;
	[tilespmem:$0x10800] =	vst v63  }
0x161: {  	_ =	swait.ge [sflag:s3], $0x4000  }
0x162: {  	[sflag:s3] =	ssyncset.done $0x0  }
0x163: {  	[sflag:s3] =	ssyncadd.s32 $0xFFFFC000  }
0x164: {  	[tilespmem:s11], [sflag:$0x2] =	stream.indirect.gather [hbm4b:s7+s15], $0x80, s23, s15, $0xb8;
	[tilespmem:$0x10800] =	vst v63  }
0x165: {  	_ =	swait.ge [sflag:s12], $0x4000  }
0x166: {  	[sflag:s12] =	ssyncset.done $0x0  }
0x167: {  	s23 =	rddreg [dreg:$0xa];
	[sflag:s12] =	ssyncadd.s32 $0xFFFFC000  }
0x168: {  	[hbm4b:s23+s2] =	stream.linear.scatter [tilespmem:s9], [sflag:$0x5], $0x4000, $0x38;
	[tilespmem:$0x10800] =	vst v63  }
0x169: {  	_ =	swait.ge [sflag:s3], $0x4000  }
0x16a: {  	[sflag:s3] =	ssyncset.done $0x0  }
0x16b: {  	[sflag:s3] =	ssyncadd.s32 $0xFFFFC000  }
0x16c: {  	[tilespmem:s9], [sflag:$0x3] =	stream.indirect.gather [hbm4b:s7+s15], $0x80, s22, s15, $0xb8;
	[tilespmem:$0x10800] =	vst v63  }
0x16d: {  	_ =	swait.ge [sflag:s10], $0x4000  }
0x16e: {  	[sflag:s10] =	ssyncset.done $0x0  }
0x16f: {  	s24 =	rddreg [dreg:$0xb];
	[sflag:s10] =	ssyncadd.s32 $0xFFFFC000  }
0x170: {  	[hbm4b:s24+s2] =	stream.linear.scatter [tilespmem:s6], [sflag:$0x5], $0x4000, $0x38;
	[tilespmem:$0x10800] =	vst v63  }
0x171: {  	_ =	swait.ge [sflag:s3], $0x4000  }
0x172: {  	[sflag:s3] =	ssyncset.done $0x0  }
0x173: {  	[sflag:s3] =	ssyncadd.s32 $0xFFFFC000  }
0x174: {  	[tilespmem:s6], [sflag:$0x4] =	stream.indirect.gather [hbm4b:s7+s15], $0x80, s21, s15, $0xb8;
	[tilespmem:$0x10800] =	vst v63  }
0x175: {  	_ =	swait.ge [sflag:s16], $0x4000  }
0x176: {  	[sflag:s16] =	ssyncset.done $0x0  }
0x177: {  	s25 =	rddreg [dreg:$0xc];
	[sflag:s16] =	ssyncadd.s32 $0xFFFFC000  }
0x178: {  	[hbm4b:s25+s2] =	stream.linear.scatter [tilespmem:s13], [sflag:$0x5], $0x4000, $0x38;
	[tilespmem:$0x10800] =	vst v63  }
0x179: {  	_ =	swait.ge [sflag:s3], $0x4000  }
0x17a: {  	[sflag:s3] =	ssyncset.done $0x0  }
0x17b: {  	[sflag:s3] =	ssyncadd.s32 $0xFFFFC000  }
0x17c: {  	[tilespmem:s13], [sflag:$0x1] =	stream.indirect.gather [hbm4b:s7+s15], $0x80, s20, s15, $0xb8;
	[tilespmem:$0x10800] =	vst v63  }
0x17d: {  	_ =	swait.ge [sflag:s14], $0x4000  }
0x17e: {  	[sflag:s14] =	ssyncset.done $0x0  }
0x17f: {  	s26 =	rddreg [dreg:$0xd];
	[sflag:s14] =	ssyncadd.s32 $0xFFFFC000  }
0x180: {  	[hbm4b:s26+s2] =	stream.linear.scatter [tilespmem:s11], [sflag:$0x5], $0x4000, $0x38;
	[tilespmem:$0x10800] =	vst v63  }
0x181: {  	_ =	swait.ge [sflag:s3], $0x4000  }
0x182: {  	[sflag:s3] =	ssyncset.done $0x0  }
0x183: {  	[sflag:s3] =	ssyncadd.s32 $0xFFFFC000  }
0x184: {  	[tilespmem:s11], [sflag:$0x2] =	stream.indirect.gather [hbm4b:s7+s15], $0x80, s19, s15, $0xb8;
	[tilespmem:$0x10800] =	vst v63  }
0x185: {  	_ =	swait.ge [sflag:s12], $0x4000  }
0x186: {  	[sflag:s12] =	ssyncset.done $0x0  }
0x187: {  	s28 =	rddreg [dreg:$0xe];
	[sflag:s12] =	ssyncadd.s32 $0xFFFFC000  }
0x188: {  	[hbm4b:s28+s2] =	stream.linear.scatter [tilespmem:s9], [sflag:$0x5], $0x4000, $0x38;
	[tilespmem:$0x10800] =	vst v63  }
0x189: {  	_ =	swait.ge [sflag:s3], $0x4000  }
0x18a: {  	[sflag:s3] =	ssyncset.done $0x0  }
0x18b: {  	[sflag:s3] =	ssyncadd.s32 $0xFFFFC000  }
0x18c: {  	[tilespmem:s9], [sflag:$0x3] =	stream.indirect.gather [hbm4b:s7+s15], $0x80, s18, s15, $0xb8;
	[tilespmem:$0x10800] =	vst v63  }
0x18d: {  	_ =	swait.ge [sflag:s10], $0x4000  }
0x18e: {  	[sflag:s10] =	ssyncset.done $0x0  }
0x18f: {  	s29 =	rddreg [dreg:$0xf];
	[sflag:s10] =	ssyncadd.s32 $0xFFFFC000  }
0x190: {  	[hbm4b:s29+s2] =	stream.linear.scatter [tilespmem:s6], [sflag:$0x5], $0x4000, $0x38;
	[tilespmem:$0x10800] =	vst v63  }
0x191: {  	_ =	swait.ge [sflag:s3], $0x4000  }
0x192: {  	[sflag:s3] =	ssyncset.done $0x0  }
0x193: {  	[sflag:s3] =	ssyncadd.s32 $0xFFFFC000  }
0x194: {  	[tilespmem:s6], [sflag:$0x4] =	stream.indirect.gather [hbm4b:s7+s15], $0x80, s17, s15, $0xb8;
	[tilespmem:$0x10800] =	vst v63  }
0x195: {  	_ =	swait.ge [sflag:s16], $0x4000  }
0x196: {  	[sflag:s16] =	ssyncset.done $0x0  }
0x197: {  	s30 =	rddreg [dreg:$0x10];
	[sflag:s16] =	ssyncadd.s32 $0xFFFFC000  }
0x198: {  	[hbm4b:s30+s2] =	stream.linear.scatter [tilespmem:s13], [sflag:$0x5], $0x4000, $0x38;
	[tilespmem:$0x10800] =	vst v63  }
0x199: {  	_ =	swait.ge [sflag:s3], $0x4000  }
0x19a: {  	[sflag:s3] =	ssyncset.done $0x0  }
0x19b: {  	[sflag:s3] =	ssyncadd.s32 $0xFFFFC000  }
0x19c: {  	_ =	swait.ge [sflag:s14], $0x4000  }
0x19d: {  	[sflag:s14] =	ssyncset.done $0x0  }
0x19e: {  	[sflag:s14] =	ssyncadd.s32 $0xFFFFC000  }
0x19f: {  	[hbm4b:s8+s2] =	stream.linear.scatter [tilespmem:s11], [sflag:$0x5], $0x4000, $0x38;
	[tilespmem:$0x10800] =	vst v63  }
0x1a0: {  	_ =	swait.ge [sflag:s3], $0x4000  }
0x1a1: {  	[sflag:s3] =	ssyncset.done $0x0  }
0x1a2: {  	[sflag:s3] =	ssyncadd.s32 $0xFFFFC000  }
0x1a3: {  	_ =	swait.ge [sflag:s12], $0x4000  }
0x1a4: {  	[sflag:s12] =	ssyncset.done $0x0  }
0x1a5: {  	[sflag:s12] =	ssyncadd.s32 $0xFFFFC000  }
0x1a6: {  	[hbm4b:s5+s2] =	stream.linear.scatter [tilespmem:s9], [sflag:$0x5], $0x4000, $0x38;
	[tilespmem:$0x10800] =	vst v63  }
0x1a7: {  	_ =	swait.ge [sflag:s3], $0x4000  }
0x1a8: {  	[sflag:s3] =	ssyncset.done $0x0  }
0x1a9: {  	[sflag:s3] =	ssyncadd.s32 $0xFFFFC000  }
0x1aa: {  	_ =	swait.ge [sflag:s10], $0x4000  }
0x1ab: {  	[sflag:s10] =	ssyncset.done $0x0  }
0x1ac: {  	[sflag:s10] =	ssyncadd.s32 $0xFFFFC000  }
0x1ad: {  	[hbm4b:s4+s2] =	stream.linear.scatter [tilespmem:s6], [sflag:$0x5], $0x4000, $0x38;
	[tilespmem:$0x10800] =	vst v63  }
0x1ae: {  	_ =	swait.ge [sflag:s3], $0x4000  }
0x1af: {  	[sflag:s3] =	ssyncset.done $0x0  }
0x1b0: {  	[sflag:s3] =	ssyncadd.s32 $0xFFFFC000  }
0x1b1: {  	_ =	sfence.sel $0x180000  }
0x1b2: {  	[bflag:$0x0] =	sbarrier.arrive $0xFFFF  }
0x1b3: {  	_ =	strace $0x9000004A  }
0x1b4: {  	s31 =	stileid.u32;
	[bflag:$0x2] =	sbarrier.arrive $0xFFFF  }
0x1b5: {  	p0 =	sne.s32 s31, $0x0;
	s0 =	rddreg [dreg:$0x2]  }
0x1b6: {  	s0 =	sadd.s32 @!p0 $0x100000, s0  }
0x1b7: {  	[sflag:s0] =	ssyncadd.tile.s32 @!p0 $0x1;
	_ =	shalt  }
.Lfunc_end2:
_tile_overlayer_lowered:
.L_overlay_start_2:
0x1b8: {  	(tag) =	ssettag $0x2  }
0x1b9: {  	s0 =	rddreg [dreg:$0x0];
	s2 =	stileid.u32  }
0x1ba: {  	s1 =	rddreg [dreg:$0x1];
	p0 =	sne.s32 s2, $0x0  }
0x1bb: {  	s3 =	rddreg [dreg:$0x2];
	[bflag:$0x3] =	sbarrier.arrive $0xFFFF;
	s2 =	simm.s32 @!p0 $0x1C05  }
0x1bc: {  	[timem:s3], [sflag:s2] =	dma.local @!p0 [hbm:s0], s1  }
0x1bd: {  	s0 =	simm.s32 @!p0 $0x5  }
0x1be: {  	_ =	swait.ge @!p0 [sflag:s0], s1  }
0x1bf: {  	s1 =	ssub.s32 @!p0 $0x0, s1;
	[sflag:s0] =	ssyncset.done @!p0 $0x0  }
0x1c0: {  	[sflag:s0] =	ssyncadd.s32 @!p0 s1  }
0x1c1: {  	[bflag:$0x3] =	sbarrier.arrive $0xFFFF  }
0x1c2: {  	_ =	shalt  }

// kernel: kernel.7.cloned.1.call-start
scs
__scs_entry_jumppad:
0x0: {  	(pc) =	sbr.rel $0x88, $3  }
0x1: {  	(tag) =	ssettag $0x0;
	lr =	simm.s32 $0x1  }
0x2: {  	[smem:$0x3F96] =	sst lr;
	_ =	strace $0xD0000000  }
0x3: {  	_ = 	snop  }
0x4: {  	_ = 	snop  }
0x5: {  	_ = 	snop  }
0x6: {  	_ = 	snop  }
0x7: {  	_ = 	snop  }
__scs_overlays_trampoline_lowered:
0x8: {  	[smem:$0x3FA5] =	sst s0  }
0x9: {  	[smem:$0x3FA6] =	sst s1  }
0xa: {  	[smem:$0x3FA7] =	sst s2  }
0xb: {  	[smem:$0x3FA8] =	sst s3  }
0xc: {  	[smem:$0x3FA9] =	sst s4  }
0xd: {  	[smem:$0x3FAA] =	sst s5  }
0xe: {  	[smem:$0x3FAB] =	sst s6  }
0xf: {  	[smem:$0x3FAC] =	sst s7  }
0x10: {  	[smem:$0x3FAD] =	sst s8  }
0x11: {  	[smem:$0x3FAE] =	sst s9;
	s0 =	simm.s32 @!p0 $0x0  }
0x12: {  	s1 =	sld [smem:$0x3F94];
	s0 =	simm.s32 @p0 $0x1  }
0x13: {  	[smem:$0x3FAF] =	sst s0;
	s0 =	simm.s32 @!p1 $0x0  }
0x14: {  	s2 =	sld [smem:$0x3F93];
	s0 =	simm.s32 @p1 $0x1  }
0x15: {  	[smem:$0x3FB0] =	sst s0;
	s0 =	simm.s32 @!p2 $0x0  }
0x16: {  	s3 =	sld [smem:$0x3FDB];
	s0 =	simm.s32 @p2 $0x1  }
0x17: {  	s4 =	simm.s32 $0x1BF5;
	[smem:$0x3FB2] =	sst s0  }
0x18: {  	s0 =	sld [smem:$0x3F95];
	_ =	swait.ge [sflag:s4], $0x0  }
0x19: {  	s7 =	sld [smem:$0x3F96]  }
0x1a: {  	s8 =	sadd.s32 $0xFFFFE003, lr  }
0x1b: {  	s9 =	sadd.s32 $0xFFFFFEF7, lr;
	s5 =	simm.s32 $0xFFFFFFFF;
	p2 =	slt.u32 s8, $0xFFFFF086  }
0x1c: {  	p1 =	slt.u32 s9, $0xF7A;
	s5 =	simm.s32 @!p2 $0x0  }
0x1d: {  	s5 =	simm.s32 @p1 $0x1;
	p0 =	seq.s32 s7, s2  }
0x1e: {  	s7 =	smul.u32 @!p0 $0xF7A, s2;
	p2 =	seq.s32 @!p0 s5, $0x0  }
0x1f: {  	s9 =	smul.u32 $0xF7A, s1;
	s8 =	simm.s32 @!p0 $0x1BF5;
	p2 =	por !p2, p0  }
0x20: {  	[sflag:s8] =	ssyncset.s32 @!p0 $0xFFFFF086;
	s6 =	sadd.s32 @!p0 s3, s7;
	s7 =	simm.s32 @!p0 $0x108  }
0x21: {  	s3 =	sadd.s32 s3, s9;
	s6 =	sadd.s32 @!p0 $0x88, s6;
	s7 =	simm.s32 @p2 $0x1082  }
0x22: {  	[simem:s7], [sflag:s8] =	dma.local @!p0 [hbm:s6], $0xF7A  }
0x23: {  	s9 =	sor.u32 $0xD0000000, s2;
	s6 =	simm.s32 $0x108;
	_ =	swait.ge @!p0 [sflag:s8], $0x0  }
0x24: {  	s3 =	sadd.s32 $0x88, s3;
	s6 =	simm.s32 @!p1 $0x1082;
	[sflag:s4] =	ssyncset.s32 $0xFFFFF086  }
0x25: {  	[simem:s6], [sflag:s4] =	dma.local [hbm:s3], $0xF7A  }
0x26: {  	[smem:$0x3F96] =	sst s1;
	(tag) =	ssettag s2;
	_ =	strace s9  }
0x27: {  	s1 =	sld [smem:$0x3FA6]  }
0x28: {  	s2 =	sld [smem:$0x3FA7]  }
0x29: {  	s4 =	sld [smem:$0x3FA9]  }
0x2a: {  	p0 =	seq.s32 s5, $0x0;
	s5 =	sld [smem:$0x3FAA]  }
0x2b: {  	s6 =	sld [smem:$0x3FAB]  }
0x2c: {  	s7 =	sld [smem:$0x3FAC]  }
0x2d: {  	s3 =	simm.s32 $0x108;
	s8 =	sld [smem:$0x3FAD]  }
0x2e: {  	s3 =	simm.s32 @!p0 $0x1082;
	s9 =	sld [smem:$0x3FAE]  }
0x2f: {  	lr =	sadd.s32 s0, s3;
	s0 =	sld [smem:$0x3FA5]  }
0x30: {  	s3 =	sld [smem:$0x3FA8]  }
0x31: {  	[smem:$0x3FB1] =	sst s10  }
0x32: {  	s10 =	sld [smem:$0x3FAF];
	_ =	sdelay $0x3  }
0x33: {  	p0 =	seq.s32 s10, $0x1;
	s10 =	sld [smem:$0x3FB1];
	_ =	sdelay $0x3  }
0x34: {  	[smem:$0x3FB1] =	sst s10  }
0x35: {  	s10 =	sld [smem:$0x3FB0];
	_ =	sdelay $0x3  }
0x36: {  	p1 =	seq.s32 s10, $0x1;
	s10 =	sld [smem:$0x3FB1];
	_ =	sdelay $0x3  }
0x37: {  	[smem:$0x3FB1] =	sst s10  }
0x38: {  	s10 =	sld [smem:$0x3FB2]  }
0x39: {  	_ = 	snop;
	(pc) =	sbr.ind lr, $3  }
0x3a: {  	_ = 	snop  }
0x3b: {  	_ = 	snop  }
0x3c: {  	p2 =	seq.s32 s10, $0x1;
	s10 =	sld [smem:$0x3FB1]  }
0x3d: {  	_ =	shalt  }
0x3e: {  	_ =	shalt  }
0x3f: {  	_ =	shalt  }
0x40: {  	_ =	shalt  }
0x41: {  	_ =	shalt  }
0x42: {  	_ =	shalt  }
0x43: {  	_ =	shalt  }
0x44: {  	_ =	shalt  }
0x45: {  	_ =	shalt  }
0x46: {  	_ =	shalt  }
0x47: {  	_ =	shalt  }
0x48: {  	_ =	shalt  }
0x49: {  	_ =	shalt  }
0x4a: {  	_ =	shalt  }
0x4b: {  	_ =	shalt  }
0x4c: {  	_ =	shalt  }
0x4d: {  	_ =	shalt  }
0x4e: {  	_ =	shalt  }
0x4f: {  	_ =	shalt  }
0x50: {  	_ =	shalt  }
0x51: {  	_ =	shalt  }
0x52: {  	_ =	shalt  }
0x53: {  	_ =	shalt  }
0x54: {  	_ =	shalt  }
0x55: {  	_ =	shalt  }
0x56: {  	_ =	shalt  }
0x57: {  	_ =	shalt  }
0x58: {  	_ =	shalt  }
0x59: {  	_ =	shalt  }
0x5a: {  	_ =	shalt  }
0x5b: {  	_ =	shalt  }
0x5c: {  	_ =	shalt  }
0x5d: {  	_ =	shalt  }
0x5e: {  	_ =	shalt  }
0x5f: {  	_ =	shalt  }
0x60: {  	_ =	shalt  }
0x61: {  	_ =	shalt  }
0x62: {  	_ =	shalt  }
0x63: {  	_ =	shalt  }
0x64: {  	_ =	shalt  }
0x65: {  	_ =	shalt  }
0x66: {  	_ =	shalt  }
0x67: {  	_ =	shalt  }
0x68: {  	_ =	shalt  }
0x69: {  	_ =	shalt  }
0x6a: {  	_ =	shalt  }
0x6b: {  	_ =	shalt  }
0x6c: {  	_ =	shalt  }
0x6d: {  	_ =	shalt  }
0x6e: {  	_ =	shalt  }
0x6f: {  	_ =	shalt  }
0x70: {  	_ =	shalt  }
0x71: {  	_ =	shalt  }
0x72: {  	_ =	shalt  }
0x73: {  	_ =	shalt  }
0x74: {  	_ =	shalt  }
0x75: {  	_ =	shalt  }
0x76: {  	_ =	shalt  }
0x77: {  	_ =	shalt  }
0x78: {  	_ =	shalt  }
0x79: {  	_ =	shalt  }
0x7a: {  	_ =	shalt  }
0x7b: {  	_ =	shalt  }
0x7c: {  	_ =	shalt  }
0x7d: {  	_ =	shalt  }
0x7e: {  	_ =	shalt  }
0x7f: {  	_ =	shalt  }
0x80: {  	_ =	shalt  }
0x81: {  	_ =	shalt  }
0x82: {  	_ =	shalt  }
0x83: {  	_ =	shalt  }
0x84: {  	_ =	shalt  }
0x85: {  	_ =	shalt  }
0x86: {  	_ =	shalt  }
0x87: {  	_ =	shalt  }
.Lfunc_end0:
.L_simem_size_0:
called_computation_lowered:
.L_overlay_start_0:
0x88: {  	s2 =	sld [smem:$0x3FD9]  }
0x89: {  	s3 =	sld [smem:$0x3FFE];
	_ =	sdelay $0x1  }
0x8a: {  	s1 =	srdreg.scid  }
0x8b: {  	s0 =	sand.u32 $0x1, s1  }
0x8c: {  	s14 =	sshll.u32 s0, $0xA;
	s2 =	sadd.s32 s3, s2  }
0x8d: {  	s2 =	sadd.s32 s2, s14  }
0x8e: {  	[smem:$0x3FBD] =	sst s2  }
0x8f: {  	_ = 	snop  }
0x90: {  	s2 =	sld [smem:$0x3FD0];
	_ =	sdelay $0x2  }
0x91: {  	s15 =	simm.s32 $0xA;
	s4 =	simm.s32 $0x10  }
0x92: {  	[smem:s4], [sflag:s15] =	dma.local [hbm:s2], $0x1  }
0x93: {  	_ =	swait.eq [sflag:s15], $0x1  }
0x94: {  	[sflag:s15] =	ssyncset.done $0x0  }
0x95: {  	[sflag:s15] =	ssyncadd.s32 $0xFFFFFFFF  }
0x96: {  	s16 =	sld [smem:$0x11];
	(tm) =	ssettm $0x1  }
0x97: {  	s17 =	sld [smem:$0x3FFB];
	_ =	sdelay $0x3  }
0x98: {  	_ =	strace s17  }
0x99: {  	s3 =	sld [smem:$0x3FFC];
	_ =	sdelay $0x3  }
0x9a: {  	_ =	strace s3  }
0x9b: {  	s3 =	sld [smem:$0x3FFD];
	_ =	sdelay $0x3  }
0x9c: {  	_ =	strace s3  }
0x9d: {  	_ =	strace $0x8FFFFFFF  }
0x9e: {  	s18 =	sld [smem:$0x3FDB];
	_ =	sdelay $0x1  }
0x9f: {  	s19 =	simm.s32 $_scs_section_size  }
0xa0: {  	s5 =	simm.s32 $_size__tile_overlayer_lowered;
	s6 =	simm.s32 $_tile_overlayer_lowered  }
0xa1: {  	s22 =	simm.s32 $0x1BFF;
	s21 =	sshll.u32 s6, $0x1;
	s3 =	sadd.s32 s19, s18  }
0xa2: {  	s7 =	simm.s32 $0x0;
	s20 =	sshll.u32 s5, $0x1;
	s5 =	sadd.s32 s21, s3  }
0xa3: {  	[timem:s7], [sflag:s22] =	dma.local [hbm:s5], s20  }
0xa4: {  	_ =	swait.ge [sflag:s22], s20  }
0xa5: {  	s4 =	ssub.s32 $0x0, s20;
	[sflag:s22] =	ssyncset.done $0x0  }
0xa6: {  	[sflag:s22] =	ssyncadd.s32 s4;
	_ =	sdelay $0x1  }
0xa7: {  	s23 =	simm.s32 $0x1B8B  }
0xa8: {  	_ =	swait.ge [sflag:s23], $0x1  }
0xa9: {  	[sflag:s23] =	ssyncset.done $0x0  }
0xaa: {  	s25 =	simm.s32 $0x1B8E;
	s24 =	sld [smem:$0x3FFE];
	[sflag:s23] =	ssyncadd.s32 $0xFFFFFFFF  }
0xab: {  	s26 =	simm.s32 $execute0_lowered;
	[smem:$0x3FD2] =	sst s25  }
0xac: {  	s5 =	sshll.u32 s26, $0x1;
	_ =	strace $0x80000046;
	[dreg:$0x1] =	wrdreg $0xFFFFFFFF  }
0xad: {  	s28 =	simm.s32 $_size_execute0_lowered;
	s3 =	sadd.s32 s3, s5;
	[dreg:$0x0] =	wrdreg $0x0  }
0xae: {  	s5 =	sshll.u32 s28, $0x1;
	[dreg:$0x2] =	wrdreg s3  }
0xaf: {  	[dreg:$0x3] =	wrdreg s5  }
0xb0: {  	[dreg:$0x4] =	wrdreg $0xC0  }
0xb1: {  	_ =	task [dreg:s7], $0x5FFFF  }
0xb2: {  	[dreg:$0x1] =	wrdreg $0xFFFFFFFF  }
0xb3: {  	[dreg:$0x0] =	wrdreg $0x60  }
0xb4: {  	[dreg:$0x2] =	wrdreg s16  }
0xb5: {  	[dreg:$0x3] =	wrdreg s24  }
0xb6: {  	[dreg:$0x4] =	wrdreg $0x9  }
0xb7: {  	_ =	task.clear_ibuf [dreg:s7], $0x5FFFF;
	_ =	strace $0x90000046  }
0xb8: {  	s29 =	simm.s32 $0x9;
	_ =	strace $0x80000048  }
0xb9: {  	_ =	swait.ge [sflag:s29], $0x1  }
0xba: {  	[sflag:s29] =	ssyncadd.s32 $0xFFFFFFFF  }
0xbb: {  	_ =	strace $0x90000048  }
0xbc: {  	_ =	sfence  }
0xbd: {  	s30 =	sld [smem:$0x0];
	_ =	sdelay $0x2  }
0xbe: {  	s31 =	sshll.u32 s1, $0xD;
	s1 =	sshrl.u32 s1, $0x2  }
0xbf: {  	s3 =	sand.u32 $0x4000, s31;
	s1 =	sadd.s32 s1, s30  }
0xc0: {  	s0 =	sor.u32 s3, s0;
	s1 =	sshll.u32 s1, $0x11  }
0xc1: {  	s0 =	sor.u32 s1, s0  }
0xc2: {  	s0 =	sadd.s32 $0x8F2B, s0  }
0xc3: {  	[sflag:s0] =	ssyncadd.remote.s32 $0x1  }
0xc4: {  	_ =	sfence.sel $0xFFFF  }
0xc5: {  	[dreg:$0x0] =	wrdreg $0xFFFFFFFF;
	(pc) =	sbr.abs _section_cstart, $3  }
0xc6: {  	[dreg:$0x1] =	wrdreg $0xFFFFFFFF  }
0xc7: {  	_ =	task.clear_ibuf [dreg:s7], $0x2FFFF;
	_ =	strace $0x9FFFFFFF  }
0xc8: {  	(tm) =	ssettm $0x7FFFFFFF  }
0xc9: {  	_ =	shalt  }
tec
execute0_lowered:
.L_overlay_start_1:
0x0: {  	(tag) =	ssettag $0x1  }
0x1: {  	s3 =	rddreg [dreg:$0x0]  }
0x2: {  	s1 =	rddreg [dreg:$0x1]  }
0x3: {  	s2 =	srdreg.scid;
	s0 =	rddreg [dreg:$0x2];
	s13 =	simm.s32 $0x0  }
0x4: {  	s14 =	simm.s32 $0x2;
	s10 =	simm.s32 $0x8400;
	s4 =	sand.u32 $0x1, s2  }
0x5: {  	s11 =	simm.s32 $0x380;
	s12 =	simm.s32 $0xC400;
	s6 =	ssub.s32 $0x2, s4  }
0x6: {  	p0 =	por $0x0, $0x0;
	[smem:$0x7FF] =	sst s13;
	s7 =	sshrl.u32 s6, $0x1  }
0x7: {  	s2 =	sshll.u32 s4, $0xD;
	_ =	strace $0x80000047;
	s31 =	ssub.s32 s6, s7  }
0x8: {  	s4 =	sshll.u32 s4, $0x6;
	s5 =	sadd.s32 s2, s1;
	s17 =	smax.u32 s31, $0x1  }
0x9: {  	s2 =	sadd.s32 $0x2A00, s1;
	s1 =	stileid.u32;
	p1 =	sne.s32 s17, $0x1  }
.Ltmp0:
0xa: {  	s3 =	sadd.s32 s3, s4;
	s4 =	simm.s32 $0x1;
	(pc) =	sbr.rel @!p1 .LBB2_3-.Ltmp0, $4  }
0xb: {  	s8 =	sshll.u32 s1, $0xE;
	s9 =	sshll.u32 s1, $0x7;
	s6 =	simm.s32 $0x200  }
0xc: {  	v0 =	vlaneseq.u32;
	s7 =	simm.s32 $0x280;
	s30 =	sadd.s32 s8, s5;
	s16 =	sadd.s32 s9, s3  }
0xd: {  	v0 =	vand.u32 $0x7, v0;
	s5 =	simm.s32 $0x400;
	s3 =	simm.s32 $0x80;
	s8 =	simm.s32 $0x4400  }
0xe: {  	v0 =	vor.u32 $0x1000, v0;
	s9 =	simm.s32 $0x300;
	s15 =	sadd.s32 $0x102A00, s30;
	s17 =	sadd.s32 $0xFFFFFFFF, s17  }
0xf: {  	[tilespmem:s13], [sflag:$0x2] =	stream.linear.gather [hbm4b:s16+s13], $0x200, $0x38;
	[tilespmem:$0x10400] =	vst v63  }
0x10: {  	_ =	swait.ge [sflag:s14], $0x200  }
0x11: {  	[sflag:s14] =	ssyncset.done $0x0  }
0x12: {  	[sflag:s14] =	ssyncadd.s32 $0xFFFFFE00  }
0x13: {  	[tilespmem:s5], [sflag:$0x2] =	stream.linear.gather [hbm4b:s15+s13], $0x10000, $0x38;
	[tilespmem:$0x10400] =	vst v63  }
0x14: {  	_ =	swait.ge [sflag:s14], $0x10000  }
0x15: {  	[sflag:s14] =	ssyncset.done $0x0  }
0x16: {  	[sflag:s14] =	ssyncadd.s32 $0xFFFF0000  }
0x17: {  	v1 =	vld [tilespmem:$0xC0]  }
0x18: {  	v7 =	vld [tilespmem:$0x10]  }
0x19: {  	v2 =	vld [tilespmem:$0xB0]  }
0x1a: {  	v3 =	vld [tilespmem:$0x1E0]  }
0x1b: {  	v4 =	vld [tilespmem:$0x110]  }
0x1c: {  	v5 =	vld [tilespmem:$0xD0]  }
0x1d: {  	v6 =	vld [tilespmem:$0x90];
	vm0 =	vlt.s32 v1, $0x1000  }
0x1e: {  	v8 =	vld [tilespmem:$0x100];
	vm1 =	vlt.s32 v2, $0x1000;
	v1 =	vsel vm0, v1, v0  }
0x1f: {  	v2 =	vsel vm1, v2, v0;
	vm0 =	vlt.s32 v3, $0x1000;
	[tilespmem:$0x2C0] =	vst v1;
	v1 =	vld [tilespmem:$0xF0]  }
0x20: {  	v9 =	vld [tilespmem:$0x0];
	vm1 =	vlt.s32 v4, $0x1000;
	[tilespmem:$0x2B0] =	vst v2;
	v2 =	vsel vm0, v3, v0  }
0x21: {  	p1 =	sne.s32 s17, $0x1;
	vm0 =	vlt.s32 v5, $0x1000;
	v4 =	vsel vm1, v4, v0;
	v3 =	vld [tilespmem:$0x1F0];
	[tilespmem:$0x3E0] =	vst v2  }
.Ltmp1:
0x22: {  	vm1 =	vlt.s32 v6, $0x1000;
	v5 =	vsel vm0, v5, v0;
	[tilespmem:$0x310] =	vst v4;
	v2 =	vld [tilespmem:$0x150];
	(pc) =	sbr.rel @!p1 .LBB2_3-.Ltmp1, $4  }
0x23: {  	v6 =	vsel vm1, v6, v0;
	vm0 =	vlt.s32 v8, $0x1000;
	v4 =	vld [tilespmem:$0x140];
	[tilespmem:$0x2D0] =	vst v5  }
0x24: {  	[tilespmem:$0x290] =	vst v6;
	v5 =	vsel vm0, v8, v0;
	v6 =	vld [tilespmem:$0x130];
	vm1 =	vlt.s32 v1, $0x1000  }
0x25: {  	vm0 =	vlt.s32 v7, $0x1000;
	[tilespmem:$0x300] =	vst v5;
	v5 =	vld [tilespmem:$0x190];
	v10 =	vsel vm1, v1, v0;
	vm1 =	vlt.s32 v9, $0x1000  }
0x26: {  	s17 =	sadd.s32 $0xFFFFFFFF, s17;
	p0 =	por $0x1, $0x1;
	v1 =	vsel vm0, v7, v0;
	v7 =	vld [tilespmem:$0x120];
	vm0 =	vlt.s32 v3, $0x1000;
	v8 =	vsel vm1, v9, v0;
	[tilespmem:$0x2F0] =	vst v10  }
.LBB2_2:
0x27: {  	p1 =	sne.s32 s17, $0x1;
	s17 =	sadd.s32 $0xFFFFFFFF, s17;
	[tilespmem:$0x200] =	vst v8;
	vm1 =	vlt.s32 v2, $0x1000;
	v3 =	vsel vm0, v3, v0  }
0x28: {  	v8 =	vld [tilespmem:$0xE0];
	vm0 =	vlt.s32 v4, $0x1000;
	v2 =	vsel vm1, v2, v0;
	[tilespmem:$0x3F0] =	vst v3  }
0x29: {  	vm1 =	vlt.s32 v6, $0x1000;
	v3 =	vsel vm0, v4, v0;
	[tilespmem:$0x350] =	vst v2;
	v2 =	vld [tilespmem:$0x180]  }
0x2a: {  	v4 =	vsel vm1, v6, v0;
	[tilespmem:$0x340] =	vst v3;
	v3 =	vld [tilespmem:$0x170];
	vm0 =	vlt.s32 v5, $0x1000  }
0x2b: {  	vm1 =	vlt.s32 v7, $0x1000;
	[tilespmem:$0x330] =	vst v4;
	v4 =	vsel vm0, v5, v0;
	v5 =	vld [tilespmem:$0x1D0]  }
0x2c: {  	v6 =	vsel vm1, v7, v0;
	[tilespmem:$0x390] =	vst v4;
	v4 =	vld [tilespmem:$0x1C0]  }
0x2d: {  	vm0 =	vlt.s32 v8, $0x1000;
	[tilespmem:$0x320] =	vst v6;
	v6 =	vld [tilespmem:$0x1B0]  }
0x2e: {  	[tilespmem:$0x210] =	vst v1;
	v1 =	vsel vm0, v8, v0;
	vm0 =	vlt.s32 v2, $0x1000;
	v7 =	vld [tilespmem:$0x1A0]  }
0x2f: {  	v8 =	vld [tilespmem:$0x50];
	[tilespmem:$0x2E0] =	vst v1;
	vm1 =	vlt.s32 v3, $0x1000;
	v1 =	vsel vm0, v2, v0  }
0x30: {  	v2 =	vld [tilespmem:$0x80];
	v3 =	vsel vm1, v3, v0;
	[tilespmem:$0x380] =	vst v1;
	vm0 =	vlt.s32 v5, $0x1000  }
0x31: {  	v1 =	vld [tilespmem:$0x20];
	[tilespmem:$0x370] =	vst v3;
	vm1 =	vlt.s32 v4, $0x1000;
	v3 =	vsel vm0, v5, v0  }
0x32: {  	v5 =	vld [tilespmem:$0xA0];
	vm0 =	vlt.s32 v6, $0x1000;
	v4 =	vsel vm1, v4, v0;
	[tilespmem:$0x3D0] =	vst v3  }
0x33: {  	v3 =	vld [tilespmem:$0x40];
	vm1 =	vlt.s32 v7, $0x1000;
	v6 =	vsel vm0, v6, v0;
	[tilespmem:$0x3C0] =	vst v4  }
0x34: {  	vm0 =	vlt.s32 v8, $0x1000;
	v4 =	vld [tilespmem:$0x160];
	v7 =	vsel vm1, v7, v0;
	[tilespmem:$0x3B0] =	vst v6  }
0x35: {  	v6 =	vsel vm0, v8, v0;
	v8 =	vld [tilespmem:$0x70];
	vm0 =	vlt.s32 v2, $0x1000;
	[tilespmem:$0x3A0] =	vst v7  }
0x36: {  	vm1 =	vlt.s32 v1, $0x1000;
	[tilespmem:$0x250] =	vst v6;
	v6 =	vld [tilespmem:$0x60];
	v2 =	vsel vm0, v2, v0  }
0x37: {  	v1 =	vsel vm1, v1, v0;
	v7 =	vld [tilespmem:$0x30];
	[tilespmem:$0x280] =	vst v2;
	vm0 =	vlt.s32 v5, $0x1000  }
0x38: {  	[tilespmem:$0x220] =	vst v1;
	vm1 =	vlt.s32 v3, $0x1000;
	v1 =	vsel vm0, v5, v0  }
0x39: {  	v2 =	vsel vm1, v3, v0;
	[tilespmem:$0x2A0] =	vst v1;
	vm0 =	vlt.s32 v4, $0x1000  }
0x3a: {  	[tilespmem:$0x240] =	vst v2;
	vm1 =	vlt.s32 v8, $0x1000;
	v1 =	vsel vm0, v4, v0  }
0x3b: {  	vm0 =	vlt.s32 v6, $0x1000;
	v2 =	vsel vm1, v8, v0;
	[tilespmem:$0x360] =	vst v1  }
0x3c: {  	vm1 =	vlt.s32 v7, $0x1000;
	v1 =	vsel vm0, v6, v0;
	[tilespmem:$0x270] =	vst v2  }
0x3d: {  	v2 =	vsel vm1, v7, v0;
	[tilespmem:$0x260] =	vst v1  }
0x3e: {  	[tilespmem:$0x230] =	vst v2  }
0x3f: {  	[hbm4b:s2+s3] =	stream.indirect.scatter [tilespmem:s5], [sflag:$0x1], $0x80, s6, s3, $0xb8;
	[tilespmem:$0x10400] =	vst v63  }
0x40: {  	_ = 	snop  }
0x41: {  	[hbm4b:s2+s3] =	stream.indirect.scatter [tilespmem:s8], [sflag:$0x1], $0x80, s7, s3, $0xb8;
	[tilespmem:$0x10400] =	vst v63  }
0x42: {  	_ = 	snop  }
0x43: {  	[hbm4b:s2+s3] =	stream.indirect.scatter [tilespmem:s10], [sflag:$0x1], $0x80, s9, s3, $0xb8;
	[tilespmem:$0x10400] =	vst v63  }
0x44: {  	_ = 	snop  }
0x45: {  	[hbm4b:s2+s3] =	stream.indirect.scatter [tilespmem:s12], [sflag:$0x1], $0x80, s11, s3, $0xb8;
	[tilespmem:$0x10400] =	vst v63  }
0x46: {  	_ =	swait.ge [sflag:s4], $0x4000  }
0x47: {  	[sflag:s4] =	ssyncset.done $0x0  }
0x48: {  	[sflag:s4] =	ssyncadd.s32 $0xFFFFC000  }
0x49: {  	_ =	swait.ge [sflag:s4], $0x4000  }
0x4a: {  	[sflag:s4] =	ssyncset.done $0x0  }
0x4b: {  	[sflag:s4] =	ssyncadd.s32 $0xFFFFC000  }
0x4c: {  	_ =	swait.ge [sflag:s4], $0x4000  }
0x4d: {  	[sflag:s4] =	ssyncset.done $0x0  }
0x4e: {  	[sflag:s4] =	ssyncadd.s32 $0xFFFFC000  }
0x4f: {  	_ =	swait.ge [sflag:s4], $0x4000  }
0x50: {  	[sflag:s4] =	ssyncset.done $0x0  }
0x51: {  	[sflag:s4] =	ssyncadd.s32 $0xFFFFC000  }
0x52: {  	[tilespmem:s13], [sflag:$0x2] =	stream.linear.gather [hbm4b:s16+s13], $0x200, $0x38;
	[tilespmem:$0x10400] =	vst v63  }
0x53: {  	_ =	swait.ge [sflag:s14], $0x200  }
0x54: {  	[sflag:s14] =	ssyncset.done $0x0  }
0x55: {  	[sflag:s14] =	ssyncadd.s32 $0xFFFFFE00  }
0x56: {  	[tilespmem:s5], [sflag:$0x2] =	stream.linear.gather [hbm4b:s15+s13], $0x10000, $0x38;
	[tilespmem:$0x10400] =	vst v63  }
0x57: {  	_ =	swait.ge [sflag:s14], $0x10000  }
0x58: {  	[sflag:s14] =	ssyncset.done $0x0  }
0x59: {  	[sflag:s14] =	ssyncadd.s32 $0xFFFF0000  }
0x5a: {  	v2 =	vld [tilespmem:$0xC0]  }
0x5b: {  	v1 =	vld [tilespmem:$0x10]  }
0x5c: {  	v3 =	vld [tilespmem:$0xB0]  }
0x5d: {  	v4 =	vld [tilespmem:$0x1E0]  }
0x5e: {  	v5 =	vld [tilespmem:$0x110]  }
0x5f: {  	v6 =	vld [tilespmem:$0xD0]  }
0x60: {  	vm1 =	vlt.s32 v2, $0x1000;
	vm0 =	vlt.s32 v1, $0x1000;
	v7 =	vld [tilespmem:$0x90]  }
0x61: {  	v2 =	vsel vm1, v2, v0;
	v1 =	vsel vm0, v1, v0;
	vm0 =	vlt.s32 v3, $0x1000;
	v8 =	vld [tilespmem:$0x100]  }
0x62: {  	v3 =	vsel vm0, v3, v0;
	[tilespmem:$0x2C0] =	vst v2;
	v9 =	vld [tilespmem:$0xF0];
	vm0 =	vlt.s32 v4, $0x1000  }
0x63: {  	v10 =	vld [tilespmem:$0x0];
	[tilespmem:$0x2B0] =	vst v3;
	vm1 =	vlt.s32 v5, $0x1000;
	v2 =	vsel vm0, v4, v0  }
0x64: {  	vm0 =	vlt.s32 v6, $0x1000;
	v4 =	vsel vm1, v5, v0;
	[tilespmem:$0x3E0] =	vst v2;
	v3 =	vld [tilespmem:$0x1F0]  }
.Ltmp2:
0x65: {  	vm1 =	vlt.s32 v7, $0x1000;
	v5 =	vsel vm0, v6, v0;
	[tilespmem:$0x310] =	vst v4;
	v2 =	vld [tilespmem:$0x150];
	(pc) =	sbr.rel @p1 .LBB2_2-.Ltmp2, $4  }
0x66: {  	v6 =	vsel vm1, v7, v0;
	[tilespmem:$0x2D0] =	vst v5;
	vm0 =	vlt.s32 v8, $0x1000;
	v4 =	vld [tilespmem:$0x140]  }
0x67: {  	[tilespmem:$0x290] =	vst v6;
	vm1 =	vlt.s32 v9, $0x1000;
	v5 =	vsel vm0, v8, v0;
	v6 =	vld [tilespmem:$0x130]  }
0x68: {  	vm0 =	vlt.s32 v10, $0x1000;
	v7 =	vsel vm1, v9, v0;
	[tilespmem:$0x300] =	vst v5;
	v5 =	vld [tilespmem:$0x190]  }
0x69: {  	v8 =	vsel vm0, v10, v0;
	[tilespmem:$0x2F0] =	vst v7;
	v7 =	vld [tilespmem:$0x120];
	vm0 =	vlt.s32 v3, $0x1000  }
.LBB2_3:
0x6a: {  	[tilespmem:$0x200] =	vst @p0 v8;
	vm1 =	vlt.s32 @p0 v2, $0x1000;
	v3 =	vsel @p0 vm0, v3, v0  }
0x6b: {  	v8 =	vld @p0 [tilespmem:$0xE0];
	vm0 =	vlt.s32 @p0 v4, $0x1000;
	v2 =	vsel @p0 vm1, v2, v0;
	[tilespmem:$0x3F0] =	vst @p0 v3  }
0x6c: {  	vm1 =	vlt.s32 @p0 v6, $0x1000;
	v3 =	vsel @p0 vm0, v4, v0;
	[tilespmem:$0x350] =	vst @p0 v2;
	v2 =	vld @p0 [tilespmem:$0x180]  }
0x6d: {  	v4 =	vsel @p0 vm1, v6, v0;
	[tilespmem:$0x340] =	vst @p0 v3;
	v3 =	vld @p0 [tilespmem:$0x170];
	vm0 =	vlt.s32 @p0 v5, $0x1000  }
0x6e: {  	vm1 =	vlt.s32 @p0 v7, $0x1000;
	[tilespmem:$0x330] =	vst @p0 v4;
	v4 =	vsel @p0 vm0, v5, v0;
	v5 =	vld @p0 [tilespmem:$0x1D0]  }
0x6f: {  	v6 =	vsel @p0 vm1, v7, v0;
	[tilespmem:$0x390] =	vst @p0 v4;
	v4 =	vld @p0 [tilespmem:$0x1C0]  }
0x70: {  	vm0 =	vlt.s32 @p0 v8, $0x1000;
	[tilespmem:$0x320] =	vst @p0 v6;
	v6 =	vld @p0 [tilespmem:$0x1B0]  }
0x71: {  	[tilespmem:$0x210] =	vst @p0 v1;
	v7 =	vld @p0 [tilespmem:$0x1A0];
	v1 =	vsel @p0 vm0, v8, v0;
	vm0 =	vlt.s32 @p0 v2, $0x1000  }
0x72: {  	v8 =	vld @p0 [tilespmem:$0x50];
	[tilespmem:$0x2E0] =	vst @p0 v1;
	vm1 =	vlt.s32 @p0 v3, $0x1000;
	v1 =	vsel @p0 vm0, v2, v0  }
0x73: {  	v2 =	vld @p0 [tilespmem:$0x80];
	v3 =	vsel @p0 vm1, v3, v0;
	[tilespmem:$0x380] =	vst @p0 v1;
	vm0 =	vlt.s32 @p0 v5, $0x1000  }
0x74: {  	v1 =	vld @p0 [tilespmem:$0x20];
	[tilespmem:$0x370] =	vst @p0 v3;
	vm1 =	vlt.s32 @p0 v4, $0x1000;
	v3 =	vsel @p0 vm0, v5, v0  }
0x75: {  	v5 =	vld @p0 [tilespmem:$0xA0];
	vm0 =	vlt.s32 @p0 v6, $0x1000;
	v4 =	vsel @p0 vm1, v4, v0;
	[tilespmem:$0x3D0] =	vst @p0 v3  }
0x76: {  	v3 =	vld @p0 [tilespmem:$0x40];
	vm1 =	vlt.s32 @p0 v7, $0x1000;
	v6 =	vsel @p0 vm0, v6, v0;
	[tilespmem:$0x3C0] =	vst @p0 v4  }
0x77: {  	vm0 =	vlt.s32 @p0 v8, $0x1000;
	v4 =	vld @p0 [tilespmem:$0x160];
	v7 =	vsel @p0 vm1, v7, v0;
	[tilespmem:$0x3B0] =	vst @p0 v6  }
0x78: {  	v6 =	vsel @p0 vm0, v8, v0;
	v8 =	vld @p0 [tilespmem:$0x70];
	vm0 =	vlt.s32 @p0 v2, $0x1000;
	[tilespmem:$0x3A0] =	vst @p0 v7  }
0x79: {  	vm1 =	vlt.s32 @p0 v1, $0x1000;
	[tilespmem:$0x250] =	vst @p0 v6;
	v6 =	vld @p0 [tilespmem:$0x60];
	v2 =	vsel @p0 vm0, v2, v0  }
0x7a: {  	v7 =	vld @p0 [tilespmem:$0x30];
	v1 =	vsel @p0 vm1, v1, v0;
	[tilespmem:$0x280] =	vst @p0 v2;
	vm0 =	vlt.s32 @p0 v5, $0x1000  }
0x7b: {  	[tilespmem:$0x220] =	vst @p0 v1;
	vm1 =	vlt.s32 @p0 v3, $0x1000;
	v1 =	vsel @p0 vm0, v5, v0  }
0x7c: {  	v2 =	vsel @p0 vm1, v3, v0;
	[tilespmem:$0x2A0] =	vst @p0 v1;
	vm0 =	vlt.s32 @p0 v4, $0x1000  }
0x7d: {  	[tilespmem:$0x240] =	vst @p0 v2;
	vm1 =	vlt.s32 @p0 v8, $0x1000;
	v1 =	vsel @p0 vm0, v4, v0  }
0x7e: {  	vm0 =	vlt.s32 @p0 v6, $0x1000;
	v2 =	vsel @p0 vm1, v8, v0;
	[tilespmem:$0x360] =	vst @p0 v1  }
0x7f: {  	vm1 =	vlt.s32 @p0 v7, $0x1000;
	v1 =	vsel @p0 vm0, v6, v0;
	[tilespmem:$0x270] =	vst @p0 v2  }
0x80: {  	v2 =	vsel @p0 vm1, v7, v0;
	[tilespmem:$0x260] =	vst @p0 v1  }
0x81: {  	[tilespmem:$0x230] =	vst @p0 v2  }
0x82: {  	[hbm4b:s2+s3] =	stream.indirect.scatter @p0 [tilespmem:s5], [sflag:$0x1], $0x80, s6, s3, $0xb8;
	[tilespmem:$0x10400] =	vst v63  }
0x83: {  	_ = 	snop  }
0x84: {  	[hbm4b:s2+s3] =	stream.indirect.scatter @p0 [tilespmem:s8], [sflag:$0x1], $0x80, s7, s3, $0xb8;
	[tilespmem:$0x10400] =	vst v63  }
0x85: {  	_ = 	snop  }
0x86: {  	[hbm4b:s2+s3] =	stream.indirect.scatter @p0 [tilespmem:s10], [sflag:$0x1], $0x80, s9, s3, $0xb8;
	[tilespmem:$0x10400] =	vst v63  }
0x87: {  	_ = 	snop  }
0x88: {  	[hbm4b:s2+s3] =	stream.indirect.scatter @p0 [tilespmem:s12], [sflag:$0x1], $0x80, s11, s3, $0xb8;
	[tilespmem:$0x10400] =	vst v63  }
0x89: {  	_ =	swait.ge @p0 [sflag:s4], $0x4000  }
0x8a: {  	[sflag:s4] =	ssyncset.done @p0 $0x0  }
0x8b: {  	[sflag:s4] =	ssyncadd.s32 @p0 $0xFFFFC000  }
0x8c: {  	_ =	swait.ge @p0 [sflag:s4], $0x4000  }
0x8d: {  	[sflag:s4] =	ssyncset.done @p0 $0x0  }
0x8e: {  	[sflag:s4] =	ssyncadd.s32 @p0 $0xFFFFC000  }
0x8f: {  	_ =	swait.ge @p0 [sflag:s4], $0x4000  }
0x90: {  	[sflag:s4] =	ssyncset.done @p0 $0x0  }
0x91: {  	[sflag:s4] =	ssyncadd.s32 @p0 $0xFFFFC000  }
0x92: {  	_ =	swait.ge @p0 [sflag:s4], $0x4000  }
0x93: {  	[sflag:s4] =	ssyncset.done @p0 $0x0  }
0x94: {  	[sflag:s4] =	ssyncadd.s32 @p0 $0xFFFFC000  }
0x95: {  	[tilespmem:s13], [sflag:$0x2] =	stream.linear.gather [hbm4b:s16+s13], $0x200, $0x38;
	[tilespmem:$0x10400] =	vst v63  }
0x96: {  	_ =	swait.ge [sflag:s14], $0x200  }
0x97: {  	[sflag:s14] =	ssyncset.done $0x0  }
0x98: {  	[sflag:s14] =	ssyncadd.s32 $0xFFFFFE00  }
0x99: {  	[tilespmem:s5], [sflag:$0x2] =	stream.linear.gather [hbm4b:s15+s13], $0x10000, $0x38;
	[tilespmem:$0x10400] =	vst v63  }
0x9a: {  	_ =	swait.ge [sflag:s14], $0x10000  }
0x9b: {  	[sflag:s14] =	ssyncset.done $0x0  }
0x9c: {  	[sflag:s14] =	ssyncadd.s32 $0xFFFF0000  }
0x9d: {  	v15 =	vld [tilespmem:$0xC0]  }
0x9e: {  	v16 =	vld [tilespmem:$0xB0]  }
0x9f: {  	v17 =	vld [tilespmem:$0x1E0]  }
0xa0: {  	v18 =	vld [tilespmem:$0x110]  }
0xa1: {  	v19 =	vld [tilespmem:$0xD0]  }
0xa2: {  	v20 =	vld [tilespmem:$0x90];
	vm8 =	vlt.s32 v15, $0x1000  }
0xa3: {  	v21 =	vld [tilespmem:$0x100];
	vm9 =	vlt.s32 v16, $0x1000;
	v1 =	vsel vm8, v15, v0  }
0xa4: {  	v23 =	vld [tilespmem:$0x0];
	vm10 =	vlt.s32 v17, $0x1000;
	v2 =	vsel vm9, v16, v0;
	[tilespmem:$0x2C0] =	vst v1  }
0xa5: {  	v28 =	vld [tilespmem:$0x150];
	vm11 =	vlt.s32 v18, $0x1000;
	v24 =	vsel vm10, v17, v0;
	[tilespmem:$0x2B0] =	vst v2  }
0xa6: {  	v30 =	vld [tilespmem:$0x140];
	vm12 =	vlt.s32 v19, $0x1000;
	v25 =	vsel vm11, v18, v0;
	[tilespmem:$0x3E0] =	vst v24  }
0xa7: {  	v22 =	vld [tilespmem:$0xF0];
	vm13 =	vlt.s32 v20, $0x1000;
	v27 =	vsel vm12, v19, v0;
	[tilespmem:$0x310] =	vst v25  }
0xa8: {  	v26 =	vld [tilespmem:$0x1F0];
	vm14 =	vlt.s32 v21, $0x1000;
	v29 =	vsel vm13, v20, v0;
	[tilespmem:$0x2D0] =	vst v27  }
0xa9: {  	v32 =	vld [tilespmem:$0x130];
	vm4 =	vlt.s32 v23, $0x1000;
	v31 =	vsel vm14, v21, v0;
	[tilespmem:$0x290] =	vst v29  }
0xaa: {  	v33 =	vld [tilespmem:$0x190];
	vm6 =	vlt.s32 v28, $0x1000;
	v34 =	vsel vm4, v23, v0;
	[tilespmem:$0x300] =	vst v31  }
0xab: {  	v36 =	vld [tilespmem:$0x10];
	vm7 =	vlt.s32 v30, $0x1000;
	v3 =	vsel vm6, v28, v0;
	[tilespmem:$0x200] =	vst v34  }
0xac: {  	v37 =	vld [tilespmem:$0xE0];
	vm15 =	vlt.s32 v22, $0x1000;
	v38 =	vsel vm7, v30, v0;
	[tilespmem:$0x350] =	vst v3  }
0xad: {  	v39 =	vld [tilespmem:$0x180];
	vm5 =	vlt.s32 v26, $0x1000;
	v1 =	vsel vm15, v22, v0;
	[tilespmem:$0x340] =	vst v38  }
0xae: {  	v44 =	vld [tilespmem:$0x1C0];
	vm8 =	vlt.s32 v32, $0x1000;
	v2 =	vsel vm5, v26, v0;
	[tilespmem:$0x2F0] =	vst v1  }
0xaf: {  	v48 =	vld [tilespmem:$0x1A0];
	vm9 =	vlt.s32 v33, $0x1000;
	v40 =	vsel vm8, v32, v0;
	[tilespmem:$0x3F0] =	vst v2  }
0xb0: {  	v49 =	vld [tilespmem:$0x50];
	vm11 =	vlt.s32 v36, $0x1000;
	v42 =	vsel vm9, v33, v0;
	[tilespmem:$0x330] =	vst v40  }
0xb1: {  	v35 =	vld [tilespmem:$0x120];
	vm12 =	vlt.s32 v37, $0x1000;
	v45 =	vsel vm11, v36, v0;
	[tilespmem:$0x390] =	vst v42  }
0xb2: {  	v41 =	vld [tilespmem:$0x170];
	vm13 =	vlt.s32 v39, $0x1000;
	v47 =	vsel vm12, v37, v0;
	[tilespmem:$0x210] =	vst v45  }
0xb3: {  	v43 =	vld [tilespmem:$0x1D0];
	vm4 =	vlt.s32 v44, $0x1000;
	v3 =	vsel vm13, v39, v0;
	[tilespmem:$0x2E0] =	vst v47  }
0xb4: {  	v50 =	vld [tilespmem:$0x80];
	vm6 =	vlt.s32 v48, $0x1000;
	v4 =	vsel vm4, v44, v0;
	[tilespmem:$0x380] =	vst v3  }
0xb5: {  	v51 =	vld [tilespmem:$0x20];
	vm7 =	vlt.s32 v49, $0x1000;
	v7 =	vsel vm6, v48, v0;
	[tilespmem:$0x3C0] =	vst v4  }
0xb6: {  	v55 =	vld [tilespmem:$0x160];
	vm10 =	vlt.s32 v35, $0x1000;
	v56 =	vsel vm7, v49, v0;
	[tilespmem:$0x3A0] =	vst v7  }
0xb7: {  	v57 =	vld [tilespmem:$0x70];
	vm14 =	vlt.s32 v41, $0x1000;
	v1 =	vsel vm10, v35, v0;
	[tilespmem:$0x250] =	vst v56  }
0xb8: {  	v46 =	vld [tilespmem:$0x1B0];
	vm15 =	vlt.s32 v43, $0x1000;
	v2 =	vsel vm14, v41, v0;
	[tilespmem:$0x320] =	vst v1  }
0xb9: {  	v53 =	vld [tilespmem:$0xA0];
	vm8 =	vlt.s32 v50, $0x1000;
	v52 =	vsel vm15, v43, v0;
	[tilespmem:$0x370] =	vst v2  }
0xba: {  	v54 =	vld [tilespmem:$0x40];
	vm9 =	vlt.s32 v51, $0x1000;
	v6 =	vsel vm8, v50, v0;
	[tilespmem:$0x3D0] =	vst v52  }
0xbb: {  	v59 =	vld [tilespmem:$0x30];
	vm12 =	vlt.s32 v55, $0x1000;
	v3 =	vsel vm9, v51, v0;
	[tilespmem:$0x280] =	vst v6  }
0xbc: {  	v58 =	vld [tilespmem:$0x60];
	vm13 =	vlt.s32 v57, $0x1000;
	v61 =	vsel vm12, v55, v0;
	[tilespmem:$0x220] =	vst v3  }
0xbd: {  	vm5 =	vlt.s32 v46, $0x1000;
	v62 =	vsel vm13, v57, v0;
	[tilespmem:$0x360] =	vst v61  }
0xbe: {  	vm10 =	vlt.s32 v53, $0x1000;
	v1 =	vsel vm5, v46, v0;
	[tilespmem:$0x270] =	vst v62  }
0xbf: {  	vm11 =	vlt.s32 v54, $0x1000;
	v60 =	vsel vm10, v53, v0;
	[tilespmem:$0x3B0] =	vst v1  }
0xc0: {  	vm15 =	vlt.s32 v59, $0x1000;
	v2 =	vsel vm11, v54, v0;
	[tilespmem:$0x2A0] =	vst v60  }
0xc1: {  	vm14 =	vlt.s32 v58, $0x1000;
	v63 =	vsel vm15, v59, v0;
	[tilespmem:$0x240] =	vst v2  }
0xc2: {  	v1 =	vsel vm14, v58, v0;
	[tilespmem:$0x230] =	vst v63  }
0xc3: {  	[tilespmem:$0x260] =	vst v1  }
0xc4: {  	[hbm4b:s2+s3] =	stream.indirect.scatter [tilespmem:s5], [sflag:$0x1], $0x80, s6, s3, $0xb8;
	[tilespmem:$0x10400] =	vst v63  }
0xc5: {  	_ = 	snop  }
0xc6: {  	[hbm4b:s2+s3] =	stream.indirect.scatter [tilespmem:s8], [sflag:$0x1], $0x80, s7, s3, $0xb8;
	[tilespmem:$0x10400] =	vst v63  }
0xc7: {  	_ = 	snop  }
0xc8: {  	[hbm4b:s2+s3] =	stream.indirect.scatter [tilespmem:s10], [sflag:$0x1], $0x80, s9, s3, $0xb8;
	[tilespmem:$0x10400] =	vst v63  }
0xc9: {  	_ = 	snop  }
0xca: {  	[hbm4b:s2+s3] =	stream.indirect.scatter [tilespmem:s12], [sflag:$0x1], $0x80, s11, s3, $0xb8;
	[tilespmem:$0x10400] =	vst v63  }
0xcb: {  	_ =	swait.ge [sflag:s4], $0x4000  }
0xcc: {  	[sflag:s4] =	ssyncset.done $0x0  }
0xcd: {  	[sflag:s4] =	ssyncadd.s32 $0xFFFFC000  }
0xce: {  	_ =	swait.ge [sflag:s4], $0x4000  }
0xcf: {  	[sflag:s4] =	ssyncset.done $0x0  }
0xd0: {  	[sflag:s4] =	ssyncadd.s32 $0xFFFFC000  }
0xd1: {  	_ =	swait.ge [sflag:s4], $0x4000  }
0xd2: {  	[sflag:s4] =	ssyncset.done $0x0  }
0xd3: {  	[sflag:s4] =	ssyncadd.s32 $0xFFFFC000  }
0xd4: {  	_ =	swait.ge [sflag:s4], $0x4000  }
0xd5: {  	[sflag:s4] =	ssyncset.done $0x0  }
0xd6: {  	[sflag:s4] =	ssyncadd.s32 $0xFFFFC000  }
0xd7: {  	_ =	sfence.sel $0x180000  }
0xd8: {  	[bflag:$0x0] =	sbarrier.arrive $0xFFFF  }
0xd9: {  	p0 =	sne.s32 s1, $0x0;
	_ =	strace $0x90000047  }
0xda: {  	s0 =	sadd.s32 @!p0 $0x100000, s0;
	[bflag:$0x2] =	sbarrier.arrive $0xFFFF  }
0xdb: {  	[sflag:s0] =	ssyncadd.tile.s32 @!p0 $0x1;
	_ =	shalt  }
.Lfunc_end2:
_tile_overlayer_lowered:
.L_overlay_start_2:
0xdc: {  	(tag) =	ssettag $0x2  }
0xdd: {  	s0 =	rddreg [dreg:$0x0];
	s2 =	stileid.u32  }
0xde: {  	s1 =	rddreg [dreg:$0x1];
	p0 =	sne.s32 s2, $0x0  }
0xdf: {  	s3 =	rddreg [dreg:$0x2];
	[bflag:$0x3] =	sbarrier.arrive $0xFFFF;
	s2 =	simm.s32 @!p0 $0x1C02  }
0xe0: {  	[timem:s3], [sflag:s2] =	dma.local @!p0 [hbm:s0], s1  }
0xe1: {  	s0 =	simm.s32 @!p0 $0x2  }
0xe2: {  	_ =	swait.ge @!p0 [sflag:s0], s1  }
0xe3: {  	s1 =	ssub.s32 @!p0 $0x0, s1;
	[sflag:s0] =	ssyncset.done @!p0 $0x0  }
0xe4: {  	[sflag:s0] =	ssyncadd.s32 @!p0 s1  }
0xe5: {  	[bflag:$0x3] =	sbarrier.arrive $0xFFFF  }
0xe6: {  	_ =	shalt  }

</sc_bundles>
